<compile_context>
chip_gen: v7x
topology: tpu7x:2x2x1
jax: 0.10.2.dev20260603
libtpu: 0.0.44.dev20260713+nightly
codegen_flags: <defaults>
</compile_context>

<pallas_src>
import functools

import jax
import jax.numpy as jnp
from jax import lax
from jax.experimental import pallas as pl
from jax.experimental.pallas import tpu as pltpu
from jax.experimental.pallas import tpu_sc as plsc

B = 16384
D = 64
UNITS = 48
STATE = 1000
H1 = 24
NW = 32
BPW = B // NW
NCH = BPW // 128
SPAD = 1024
BLK = 2048
HEXT = B + BLK
LW = 128

_mesh = plsc.VectorSubcoreMesh(core_axis_name="c", subcore_axis_name="s")
_sc_params = pltpu.CompilerParams(needs_layout_passes=False)


def _wid():
    return lax.axis_index("s") * 2 + lax.axis_index("c")


def _gather_body(ids_hbm, mem_hbm, h_hbm, win_hbm, idx_v, rows_v, wtab_v,
                 mem_sp, sem, wsem):
    wid = _wid()
    base = wid * BPW
    idx_loads = [
        pltpu.async_copy(ids_hbm.at[pl.ds(base + k * 128, 128)], idx_v.at[k],
                         wsem)
        for k in range(NCH)
    ]
    @pl.when(lax.axis_index("s") == 0)
    def _stage():
        pltpu.sync_copy(mem_hbm, mem_sp)

    plsc.subcore_barrier()
    gathers = []
    for k in range(NCH):
        idx_loads[k].wait()
        gathers.append(
            pltpu.async_copy(mem_sp.at[idx_v.at[k]],
                             rows_v.at[pl.ds(k * 128, 128)], sem))
    for g in gathers:
        g.wait()
    hw = pltpu.async_copy(rows_v, h_hbm.at[pl.ds(base, BPW)], wsem)
    neg1 = jnp.full((16,), -1, jnp.int32)
    for g in range(SPAD // 16):
        wtab_v[pl.ds(g * 16, 16)] = neg1
    iota = lax.iota(jnp.int32, 16)
    for k in range(NCH):
        for j in range(128 // 16):
            idv = idx_v[k, pl.ds(j * 16, 16)]
            vals = jnp.full((16,), base + k * 128 + j * 16, jnp.int32) + iota
            _, last = plsc.scan_count(idv)
            plsc.store_scatter(wtab_v, (idv,), vals, mask=last)
    pltpu.sync_copy(wtab_v, win_hbm.at[wid])
    hw.wait()


@functools.partial(
    pl.kernel,
    out_type=[
        jax.ShapeDtypeStruct((B, LW), jnp.float32),
        jax.ShapeDtypeStruct((NW, SPAD), jnp.int32),
    ],
    mesh=_mesh,
    scratch_types=[
        pltpu.VMEM((NCH, 128), jnp.int32),
        pltpu.VMEM((BPW, LW), jnp.float32),
        pltpu.VMEM((SPAD,), jnp.int32),
        pltpu.VMEM_SHARED((STATE, LW), jnp.float32),
        pltpu.SemaphoreType.DMA,
        pltpu.SemaphoreType.DMA,
    ],
    compiler_params=_sc_params,
)
def _sc_gather(ids_hbm, mem_hbm, h_hbm, win_hbm, idx_v, rows_v, wtab_v,
               mem_sp, sem, wsem):
    _gather_body(ids_hbm, mem_hbm, h_hbm, win_hbm, idx_v, rows_v, wtab_v,
                 mem_sp, sem, wsem)


def _tc_body(x_ref, h_ref, mem_ref, wcat_ref, uh_ref, w1h_ref, bcat_ref,
             b1_ref, w2r_ref, b2_ref, out_ref, hnew_ref):
    i = pl.program_id(0)
    f32 = jnp.float32

    @pl.when(i < B // BLK)
    def _dense():
        x = x_ref[...]
        h = h_ref[:, :UNITS]
        xh = jnp.concatenate([x, h], axis=1)
        p1 = jnp.dot(xh, wcat_ref[...], preferred_element_type=f32) + bcat_ref[...]
        zr = jax.nn.sigmoid(p1[:, :2 * UNITS])
        z = zr[:, :UNITS]
        r = zr[:, UNITS:]
        hh = jnp.tanh(p1[:, 2 * UNITS:3 * UNITS]
                      + jnp.dot(r * h, uh_ref[...], preferred_element_type=f32))
        h_new = z * h + (1.0 - z) * hh
        hdn = jax.nn.relu(p1[:, 3 * UNITS:]
                          + jnp.dot(h_new, w1h_ref[...], preferred_element_type=f32)
                          + b1_ref[...])
        out_ref[...] = jax.nn.sigmoid(
            jnp.dot(hdn, w2r_ref[...], preferred_element_type=f32) + b2_ref[...])
        hnew_ref[...] = jnp.concatenate(
            [h_new, jnp.zeros((BLK, LW - UNITS), f32)], axis=1)

    @pl.when(i == B // BLK)
    def _append_mem():
        hnew_ref[pl.ds(0, STATE), :] = mem_ref[...]
        hnew_ref[pl.ds(STATE, SPAD - STATE), :] = mem_ref[pl.ds(0, SPAD - STATE), :]
        hnew_ref[pl.ds(SPAD, BLK - SPAD), :] = mem_ref[pl.ds(0, BLK - SPAD), :]


def _dense_stage(inputs, h, mem128, kernel, rec_kernel, bias, W1, b1, W2, b2):
    top = jnp.concatenate([kernel, W1[:D]], axis=1)
    bot = jnp.concatenate(
        [rec_kernel[:, :2 * UNITS],
         jnp.zeros((UNITS, UNITS + H1), jnp.float32)], axis=1)
    wcat = jnp.concatenate([top, bot], axis=0)
    uh = rec_kernel[:, 2 * UNITS:]
    w1h = W1[D:]
    bcat = jnp.concatenate([bias, jnp.zeros((H1,), jnp.float32)]).reshape(1, -1)
    b1r = b1.reshape(1, H1)
    b2r = b2.reshape(1, 1)

    nblk = B // BLK
    full = lambda shape: pl.BlockSpec(shape, lambda i: (0, 0))
    out, hnew_ext = pl.pallas_call(
        _tc_body,
        grid=(nblk + 1,),
        in_specs=[
            pl.BlockSpec((BLK, D), lambda i: (jnp.minimum(i, nblk - 1), 0)),
            pl.BlockSpec((BLK, LW), lambda i: (jnp.minimum(i, nblk - 1), 0)),
            full((STATE, LW)),
            full((D + UNITS, 3 * UNITS + H1)),
            full((UNITS, UNITS)),
            full((UNITS, H1)),
            full((1, 3 * UNITS + H1)),
            full((1, H1)),
            full((H1, 1)),
            full((1, 1)),
        ],
        out_specs=[
            pl.BlockSpec((BLK, 1), lambda i: (jnp.minimum(i, nblk - 1), 0)),
            pl.BlockSpec((BLK, LW), lambda i: (i, 0)),
        ],
        out_shape=[
            jax.ShapeDtypeStruct((B, 1), jnp.float32),
            jax.ShapeDtypeStruct((HEXT, LW), jnp.float32),
        ],
    )(inputs, h, mem128, wcat, uh, w1h, bcat, b1r, W2, b2r)
    return out, hnew_ext


NSW = 128
NWS = SPAD // NSW
TAIL = STATE - (NWS - 1) * NSW


def _scatter_body(win_hbm, hnew_hbm, newmem_hbm, wbuf_v, idx_v, rows_v, sem):
    wid = _wid()

    @pl.when(wid < NWS)
    def _go():
        s0 = wid * NSW
        pltpu.sync_copy(win_hbm.at[:, pl.ds(s0, NSW)], wbuf_v)
        iota = lax.iota(jnp.int32, 16)
        for g in range(NSW // 16):
            m = wbuf_v[0, pl.ds(g * 16, 16)]
            for t in range(1, NW):
                m = jnp.maximum(m, wbuf_v[t, pl.ds(g * 16, 16)])
            fallback = jnp.full((16,), B + s0 + g * 16, jnp.int32) + iota
            idx_v[pl.ds(g * 16, 16)] = jnp.where(m < 0, fallback, m)
        pltpu.async_copy(hnew_hbm.at[idx_v], rows_v, sem).wait()

        @pl.when(wid < NWS - 1)
        def _full():
            pltpu.sync_copy(rows_v, newmem_hbm.at[pl.ds(s0, NSW)])

        @pl.when(wid == NWS - 1)
        def _tail():
            pltpu.sync_copy(rows_v.at[pl.ds(0, TAIL)],
                            newmem_hbm.at[pl.ds((NWS - 1) * NSW, TAIL)])


@functools.partial(
    pl.kernel,
    out_type=jax.ShapeDtypeStruct((STATE, LW), jnp.float32),
    mesh=_mesh,
    scratch_types=[
        pltpu.VMEM((NW, NSW), jnp.int32),
        pltpu.VMEM((NSW,), jnp.int32),
        pltpu.VMEM((NSW, LW), jnp.float32),
        pltpu.SemaphoreType.DMA,
    ],
    compiler_params=_sc_params,
)
def _sc_scatter(win_hbm, hnew_hbm, newmem_hbm, wbuf_v, idx_v, rows_v, sem):
    _scatter_body(win_hbm, hnew_hbm, newmem_hbm, wbuf_v, idx_v, rows_v, sem)


def kernel(inputs, mem, kernel, rec_kernel, bias, W1, b1, W2, b2):
    ids = jnp.clip(inputs[:, 0].astype(jnp.int32), 0, STATE - 1)
    mem128 = jnp.pad(mem, ((0, 0), (0, LW - UNITS)))
    h, winners = _sc_gather(ids, mem128)
    out, hnew_ext = _dense_stage(inputs, h, mem128, kernel, rec_kernel, bias,
                                 W1, b1, W2, b2)
    new_mem = _sc_scatter(winners, hnew_ext)[:, :UNITS]
    return out, new_mem

# --- scband reference (transcript-rebuilt; emitter-appended) ---
"""Pipeline reference for scband-feedzai-extra-concat-production-53223234732117 (READ-ONLY COPY).

The authoritative reference and input builder live on the scoring server;
editing this copy changes nothing except your own understanding.
"""

import jax, jax.numpy as jnp
import numpy as np

B = 16384       # batch of transactions
D = 64          # input feature dim (column 0 = card id)
UNITS = 48      # GRU units (module hard-codes 48)
STATE = 1000    # shared_state_size (module hard-codes 1000)
H1 = 24         # dense hidden


def setup_inputs(seed: int = 0) -> dict:
    key = jax.random.key(seed)
    ks = jax.random.split(key, 12)
    feats = jax.random.normal(ks[0], (B, D), dtype=jnp.float32)
    ids = jax.random.randint(ks[1], (B,), 0, STATE)
    # column 0 of the inputs carries the card id (as float), per id_column=0
    inputs = feats.at[:, 0].set(ids.astype(jnp.float32))
    # shared per-card GRU state memory [STATE, UNITS]
    mem = jax.random.normal(ks[2], (STATE, UNITS), dtype=jnp.float32) * 0.1
    # GRU cell weights (reset_after=False layout: [z | r | h])
    kernel = jax.random.normal(ks[3], (D, 3 * UNITS), dtype=jnp.float32) * (1.0 / np.sqrt(D))
    rec_kernel = jax.random.normal(ks[4], (UNITS, 3 * UNITS), dtype=jnp.float32) * (1.0 / np.sqrt(UNITS))
    bias = jnp.zeros((3 * UNITS,), dtype=jnp.float32)
    # dense(24, relu) over concat([inputs, card_out])
    W1 = jax.random.normal(ks[5], (D + UNITS, H1), dtype=jnp.float32) * (1.0 / np.sqrt(D + UNITS))
    b1 = jnp.zeros((H1,), dtype=jnp.float32)
    # out(1, sigmoid)
    W2 = jax.random.normal(ks[6], (H1, 1), dtype=jnp.float32) * (1.0 / np.sqrt(H1))
    b2 = jnp.zeros((1,), dtype=jnp.float32)
    return {"inputs": inputs, "mem": mem, "kernel": kernel, "rec_kernel": rec_kernel,
            "bias": bias, "W1": W1, "b1": b1, "W2": W2, "b2": b2}


def reference(inputs, mem, kernel, rec_kernel, bias, W1, b1, W2, b2):
    # SharedState: gather per-card GRU state by id column
    ids = jnp.clip(jax.lax.stop_gradient(inputs[:, 0]).astype(jnp.int32), 0, STATE - 1)
    h = jnp.take(mem, ids, axis=0)                      # [B, UNITS] gather
    # one GRU cell step (Keras GRU math, reset_after=False, order z|r|h)
    m = inputs @ kernel + bias
    xz, xr, xh = jnp.split(m, 3, axis=1)
    Uz, Ur, Uh = jnp.split(rec_kernel, 3, axis=1)
    z = jax.nn.sigmoid(xz + h @ Uz)
    r = jax.nn.sigmoid(xr + h @ Ur)
    hh = jnp.tanh(xh + (r * h) @ Uh)
    h_new = z * h + (1.0 - z) * hh                      # [B, UNITS]
    # scatter-overwrite the updated state back into the shared table
    new_mem = mem.at[ids].set(h_new)                    # [STATE, UNITS]
    # concat(inputs, card_out) -> dense(relu) -> out(sigmoid)
    var = jnp.concatenate([inputs, h_new], axis=1)
    hdn = jax.nn.relu(var @ W1 + b1)
    out = jax.nn.sigmoid(hdn @ W2 + b2)                 # [B, 1]
    return out, new_mem

if __name__ == "__main__":
    import jax
    _d = setup_inputs()
    print(jax.jit(kernel)(*tuple(_d.values())))

</pallas_src>

<mosaic_0001>
#map = affine_map<(d0, d1) -> (0)>
#map1 = affine_map<(d0, d1) -> (0, 0)>
module attributes {stable_mosaic.version = 14 : i64} {
  func.func @_sc_gather(%arg0: i32, %arg1: i32, %arg2: memref<16384xi32, #tpu.memory_space<hbm>>, %arg3: memref<1000x128xf32, #tpu.memory_space<hbm>>, %arg4: memref<16384x128xf32, #tpu.memory_space<hbm>>, %arg5: memref<32x1024xi32, #tpu.memory_space<hbm>>, %arg6: memref<4x128xi32, #tpu.memory_space<vmem>>, %arg7: memref<512x128xf32, #tpu.memory_space<vmem>>, %arg8: memref<1024xi32, #tpu.memory_space<vmem>>, %arg9: memref<1000x128xf32, #tpu.memory_space<vmem_shared>>, %arg10: memref<!tpu.dma_semaphore, #tpu.memory_space<semaphore_mem>>, %arg11: memref<!tpu.dma_semaphore, #tpu.memory_space<semaphore_mem>>) attributes {dimension_semantics = [#tpu.dimension_semantics<core_parallel>, #tpu.dimension_semantics<subcore_parallel>], iteration_bounds = array<i64: 2, 16>, scalar_prefetch = 0 : i64, scratch_operands = 6 : i64, tpu.core_type = #tpu.core_type<sc_vector_subcore>, window_params = [{transform_indices = #map}, {transform_indices = #map1}, {transform_indices = #map1}, {transform_indices = #map1}]} {
    %mul3A = arith.constant 2 : i32
    %mul3A_0 = arith.muli %arg1, %mul3A : i32
    %add3A = arith.addi %mul3A_0, %arg0 : i32
    %mul3A_1 = arith.constant 512 : i32
    %mul3A_2 = arith.muli %add3A, %mul3A_1 : i32
    %add3A_3 = arith.constant 0 : i32
    %add3A_4 = arith.addi %mul3A_2, %add3A_3 : i32
    %dma_start3A = arith.constant 0 : i32
    %dma_start3A_5 = arith.constant 0 : i32
    %dma_start3A_6 = tpu.memref_slice %arg6[%dma_start3A, %dma_start3A_5] : memref<4x128xi32, #tpu.memory_space<vmem>> -> memref<1x128xi32, #tpu.memory_space<vmem>>
    %dma_start3A_7 = tpu.memref_squeeze %dma_start3A_6 : memref<1x128xi32, #tpu.memory_space<vmem>> -> memref<128xi32, #tpu.memory_space<vmem>>
    %dma_start3A_8 = tpu.memref_slice %arg2[%add3A_4] : memref<16384xi32, #tpu.memory_space<hbm>> -> memref<128xi32, #tpu.memory_space<hbm>>
    %dma_start3A_9 = arith.constant 0 : i32
    %dma_start3A_10 = tpu.memref_slice %arg6[%dma_start3A, %dma_start3A_9] : memref<4x128xi32, #tpu.memory_space<vmem>> -> memref<1x128xi32, #tpu.memory_space<vmem>>
    %dma_start3A_11 = tpu.memref_squeeze %dma_start3A_10 : memref<1x128xi32, #tpu.memory_space<vmem>> -> memref<128xi32, #tpu.memory_space<vmem>>
    %dma_start3A_12 = tpu.memref_slice %arg2[%add3A_4] : memref<16384xi32, #tpu.memory_space<hbm>> -> memref<128xi32, #tpu.memory_space<hbm>>
    tpu.enqueue_dma source(%dma_start3A_12 : memref<128xi32, #tpu.memory_space<hbm>>) target(%dma_start3A_11 : memref<128xi32, #tpu.memory_space<vmem>>) target_semaphore(%arg11 : memref<!tpu.dma_semaphore, #tpu.memory_space<semaphore_mem>>)
    %add3A_13 = arith.constant 128 : i32
    %add3A_14 = arith.addi %mul3A_2, %add3A_13 : i32
    %dma_start3A_15 = arith.constant 1 : i32
    %dma_start3A_16 = arith.constant 0 : i32
    %dma_start3A_17 = tpu.memref_slice %arg6[%dma_start3A_15, %dma_start3A_16] : memref<4x128xi32, #tpu.memory_space<vmem>> -> memref<1x128xi32, #tpu.memory_space<vmem>>
    %dma_start3A_18 = tpu.memref_squeeze %dma_start3A_17 : memref<1x128xi32, #tpu.memory_space<vmem>> -> memref<128xi32, #tpu.memory_space<vmem>>
    %dma_start3A_19 = tpu.memref_slice %arg2[%add3A_14] : memref<16384xi32, #tpu.memory_space<hbm>> -> memref<128xi32, #tpu.memory_space<hbm>>
    %dma_start3A_20 = arith.constant 0 : i32
    %dma_start3A_21 = tpu.memref_slice %arg6[%dma_start3A_15, %dma_start3A_20] : memref<4x128xi32, #tpu.memory_space<vmem>> -> memref<1x128xi32, #tpu.memory_space<vmem>>
    %dma_start3A_22 = tpu.memref_squeeze %dma_start3A_21 : memref<1x128xi32, #tpu.memory_space<vmem>> -> memref<128xi32, #tpu.memory_space<vmem>>
    %dma_start3A_23 = tpu.memref_slice %arg2[%add3A_14] : memref<16384xi32, #tpu.memory_space<hbm>> -> memref<128xi32, #tpu.memory_space<hbm>>
    tpu.enqueue_dma source(%dma_start3A_23 : memref<128xi32, #tpu.memory_space<hbm>>) target(%dma_start3A_22 : memref<128xi32, #tpu.memory_space<vmem>>) target_semaphore(%arg11 : memref<!tpu.dma_semaphore, #tpu.memory_space<semaphore_mem>>)
    %add3A_24 = arith.constant 256 : i32
    %add3A_25 = arith.addi %mul3A_2, %add3A_24 : i32
    %dma_start3A_26 = arith.constant 2 : i32
    %dma_start3A_27 = arith.constant 0 : i32
    %dma_start3A_28 = tpu.memref_slice %arg6[%dma_start3A_26, %dma_start3A_27] : memref<4x128xi32, #tpu.memory_space<vmem>> -> memref<1x128xi32, #tpu.memory_space<vmem>>
    %dma_start3A_29 = tpu.memref_squeeze %dma_start3A_28 : memref<1x128xi32, #tpu.memory_space<vmem>> -> memref<128xi32, #tpu.memory_space<vmem>>
    %dma_start3A_30 = tpu.memref_slice %arg2[%add3A_25] : memref<16384xi32, #tpu.memory_space<hbm>> -> memref<128xi32, #tpu.memory_space<hbm>>
    %dma_start3A_31 = arith.constant 0 : i32
    %dma_start3A_32 = tpu.memref_slice %arg6[%dma_start3A_26, %dma_start3A_31] : memref<4x128xi32, #tpu.memory_space<vmem>> -> memref<1x128xi32, #tpu.memory_space<vmem>>
    %dma_start3A_33 = tpu.memref_squeeze %dma_start3A_32 : memref<1x128xi32, #tpu.memory_space<vmem>> -> memref<128xi32, #tpu.memory_space<vmem>>
    %dma_start3A_34 = tpu.memref_slice %arg2[%add3A_25] : memref<16384xi32, #tpu.memory_space<hbm>> -> memref<128xi32, #tpu.memory_space<hbm>>
    tpu.enqueue_dma source(%dma_start3A_34 : memref<128xi32, #tpu.memory_space<hbm>>) target(%dma_start3A_33 : memref<128xi32, #tpu.memory_space<vmem>>) target_semaphore(%arg11 : memref<!tpu.dma_semaphore, #tpu.memory_space<semaphore_mem>>)
    %add3A_35 = arith.constant 384 : i32
    %add3A_36 = arith.addi %mul3A_2, %add3A_35 : i32
    %dma_start3A_37 = arith.constant 3 : i32
    %dma_start3A_38 = arith.constant 0 : i32
    %dma_start3A_39 = tpu.memref_slice %arg6[%dma_start3A_37, %dma_start3A_38] : memref<4x128xi32, #tpu.memory_space<vmem>> -> memref<1x128xi32, #tpu.memory_space<vmem>>
    %dma_start3A_40 = tpu.memref_squeeze %dma_start3A_39 : memref<1x128xi32, #tpu.memory_space<vmem>> -> memref<128xi32, #tpu.memory_space<vmem>>
    %dma_start3A_41 = tpu.memref_slice %arg2[%add3A_36] : memref<16384xi32, #tpu.memory_space<hbm>> -> memref<128xi32, #tpu.memory_space<hbm>>
    %dma_start3A_42 = arith.constant 0 : i32
    %dma_start3A_43 = tpu.memref_slice %arg6[%dma_start3A_37, %dma_start3A_42] : memref<4x128xi32, #tpu.memory_space<vmem>> -> memref<1x128xi32, #tpu.memory_space<vmem>>
    %dma_start3A_44 = tpu.memref_squeeze %dma_start3A_43 : memref<1x128xi32, #tpu.memory_space<vmem>> -> memref<128xi32, #tpu.memory_space<vmem>>
    %dma_start3A_45 = tpu.memref_slice %arg2[%add3A_36] : memref<16384xi32, #tpu.memory_space<hbm>> -> memref<128xi32, #tpu.memory_space<hbm>>
    tpu.enqueue_dma source(%dma_start3A_45 : memref<128xi32, #tpu.memory_space<hbm>>) target(%dma_start3A_44 : memref<128xi32, #tpu.memory_space<vmem>>) target_semaphore(%arg11 : memref<!tpu.dma_semaphore, #tpu.memory_space<semaphore_mem>>)
    %eq3A = arith.constant 0 : i32
    %eq3A_46 = arith.cmpi eq, %arg1, %eq3A : i32
    %convert_element_type3A = arith.extui %eq3A_46 : i1 to i32
    %cond3A = arith.constant 0 : i32
    %cond3A_47 = arith.cmpi ne, %convert_element_type3A, %cond3A : i32
    scf.if %cond3A_47 {
      "tpu.region"() ({
        %run_scoped3A = tpu.sem_alloc : memref<!tpu.dma_semaphore, #tpu.memory_space<semaphore_mem>>
        tpu.enqueue_dma source(%arg3 : memref<1000x128xf32, #tpu.memory_space<hbm>>) target(%arg9 : memref<1000x128xf32, #tpu.memory_space<vmem_shared>>) target_semaphore(%run_scoped3A : memref<!tpu.dma_semaphore, #tpu.memory_space<semaphore_mem>>)
        tpu.wait_dma2 semaphore(%run_scoped3A : memref<!tpu.dma_semaphore, #tpu.memory_space<semaphore_mem>>) src(%arg3 : memref<1000x128xf32, #tpu.memory_space<hbm>>) dst(%arg9 : memref<1000x128xf32, #tpu.memory_space<vmem_shared>>)
        tpu.yield
      }) : () -> ()
    } else {
    }
    %barrier3A = arith.constant 0 : index
    tpu.barrier barrier_id(%barrier3A)
    %dma_wait3A = arith.constant 0 : i32
    %dma_wait3A_48 = arith.constant 0 : i32
    %dma_wait3A_49 = tpu.memref_slice %arg6[%dma_wait3A, %dma_wait3A_48] : memref<4x128xi32, #tpu.memory_space<vmem>> -> memref<1x128xi32, #tpu.memory_space<vmem>>
    %dma_wait3A_50 = tpu.memref_squeeze %dma_wait3A_49 : memref<1x128xi32, #tpu.memory_space<vmem>> -> memref<128xi32, #tpu.memory_space<vmem>>
    %dma_wait3A_51 = tpu.memref_slice %arg2[%add3A_4] : memref<16384xi32, #tpu.memory_space<hbm>> -> memref<128xi32, #tpu.memory_space<hbm>>
    %dma_wait3A_52 = arith.constant 0 : i32
    %dma_wait3A_53 = tpu.memref_slice %arg6[%dma_wait3A, %dma_wait3A_52] : memref<4x128xi32, #tpu.memory_space<vmem>> -> memref<1x128xi32, #tpu.memory_space<vmem>>
    %dma_wait3A_54 = tpu.memref_squeeze %dma_wait3A_53 : memref<1x128xi32, #tpu.memory_space<vmem>> -> memref<128xi32, #tpu.memory_space<vmem>>
    %dma_wait3A_55 = tpu.memref_slice %arg2[%add3A_4] : memref<16384xi32, #tpu.memory_space<hbm>> -> memref<128xi32, #tpu.memory_space<hbm>>
    tpu.wait_dma2 semaphore(%arg11 : memref<!tpu.dma_semaphore, #tpu.memory_space<semaphore_mem>>) src(%dma_wait3A_55 : memref<128xi32, #tpu.memory_space<hbm>>) dst(%dma_wait3A_54 : memref<128xi32, #tpu.memory_space<vmem>>)
    %dma_start3A_56 = arith.constant 0 : i32
    %dma_start3A_57 = arith.constant 0 : i32
    %dma_start3A_58 = arith.constant 0 : i32
    %dma_start3A_59 = tpu.memref_slice %arg7[%dma_start3A_57, %dma_start3A_58] : memref<512x128xf32, #tpu.memory_space<vmem>> -> memref<128x128xf32, #tpu.memory_space<vmem>>
    %dma_start3A_60 = arith.constant 0 : i32
    %dma_start3A_61 = tpu.memref_slice %arg6[%dma_start3A_56, %dma_start3A_60] : memref<4x128xi32, #tpu.memory_space<vmem>> -> memref<1x128xi32, #tpu.memory_space<vmem>>
    %dma_start3A_62 = tpu.memref_squeeze %dma_start3A_61 : memref<1x128xi32, #tpu.memory_space<vmem>> -> memref<128xi32, #tpu.memory_space<vmem>>
    %dma_start3A_63 = arith.constant 0 : i32
    %dma_start3A_64 = arith.constant 0 : i32
    %dma_start3A_65 = tpu.memref_slice %arg9[%dma_start3A_63, %dma_start3A_64] : memref<1000x128xf32, #tpu.memory_space<vmem_shared>> -> memref<1000x128xf32, #tpu.memory_space<vmem_shared>>
    tpu.enqueue_indirect_dma source(%dma_start3A_65 : memref<1000x128xf32, #tpu.memory_space<vmem_shared>>) target(%dma_start3A_59 : memref<128x128xf32, #tpu.memory_space<vmem>>) offsets(%dma_start3A_62 : memref<128xi32, #tpu.memory_space<vmem>>) semaphore(%arg10 : memref<!tpu.dma_semaphore, #tpu.memory_space<semaphore_mem>>)
    %dma_wait3A_66 = arith.constant 1 : i32
    %dma_wait3A_67 = arith.constant 0 : i32
    %dma_wait3A_68 = tpu.memref_slice %arg6[%dma_wait3A_66, %dma_wait3A_67] : memref<4x128xi32, #tpu.memory_space<vmem>> -> memref<1x128xi32, #tpu.memory_space<vmem>>
    %dma_wait3A_69 = tpu.memref_squeeze %dma_wait3A_68 : memref<1x128xi32, #tpu.memory_space<vmem>> -> memref<128xi32, #tpu.memory_space<vmem>>
    %dma_wait3A_70 = tpu.memref_slice %arg2[%add3A_14] : memref<16384xi32, #tpu.memory_space<hbm>> -> memref<128xi32, #tpu.memory_space<hbm>>
    %dma_wait3A_71 = arith.constant 0 : i32
    %dma_wait3A_72 = tpu.memref_slice %arg6[%dma_wait3A_66, %dma_wait3A_71] : memref<4x128xi32, #tpu.memory_space<vmem>> -> memref<1x128xi32, #tpu.memory_space<vmem>>
    %dma_wait3A_73 = tpu.memref_squeeze %dma_wait3A_72 : memref<1x128xi32, #tpu.memory_space<vmem>> -> memref<128xi32, #tpu.memory_space<vmem>>
    %dma_wait3A_74 = tpu.memref_slice %arg2[%add3A_14] : memref<16384xi32, #tpu.memory_space<hbm>> -> memref<128xi32, #tpu.memory_space<hbm>>
    tpu.wait_dma2 semaphore(%arg11 : memref<!tpu.dma_semaphore, #tpu.memory_space<semaphore_mem>>) src(%dma_wait3A_74 : memref<128xi32, #tpu.memory_space<hbm>>) dst(%dma_wait3A_73 : memref<128xi32, #tpu.memory_space<vmem>>)
    %dma_start3A_75 = arith.constant 1 : i32
    %dma_start3A_76 = arith.constant 128 : i32
    %dma_start3A_77 = arith.constant 0 : i32
    %dma_start3A_78 = tpu.memref_slice %arg7[%dma_start3A_76, %dma_start3A_77] : memref<512x128xf32, #tpu.memory_space<vmem>> -> memref<128x128xf32, #tpu.memory_space<vmem>>
    %dma_start3A_79 = arith.constant 0 : i32
    %dma_start3A_80 = tpu.memref_slice %arg6[%dma_start3A_75, %dma_start3A_79] : memref<4x128xi32, #tpu.memory_space<vmem>> -> memref<1x128xi32, #tpu.memory_space<vmem>>
    %dma_start3A_81 = tpu.memref_squeeze %dma_start3A_80 : memref<1x128xi32, #tpu.memory_space<vmem>> -> memref<128xi32, #tpu.memory_space<vmem>>
    %dma_start3A_82 = arith.constant 0 : i32
    %dma_start3A_83 = arith.constant 0 : i32
    %dma_start3A_84 = tpu.memref_slice %arg9[%dma_start3A_82, %dma_start3A_83] : memref<1000x128xf32, #tpu.memory_space<vmem_shared>> -> memref<1000x128xf32, #tpu.memory_space<vmem_shared>>
    tpu.enqueue_indirect_dma source(%dma_start3A_84 : memref<1000x128xf32, #tpu.memory_space<vmem_shared>>) target(%dma_start3A_78 : memref<128x128xf32, #tpu.memory_space<vmem>>) offsets(%dma_start3A_81 : memref<128xi32, #tpu.memory_space<vmem>>) semaphore(%arg10 : memref<!tpu.dma_semaphore, #tpu.memory_space<semaphore_mem>>)
    %dma_wait3A_85 = arith.constant 2 : i32
    %dma_wait3A_86 = arith.constant 0 : i32
    %dma_wait3A_87 = tpu.memref_slice %arg6[%dma_wait3A_85, %dma_wait3A_86] : memref<4x128xi32, #tpu.memory_space<vmem>> -> memref<1x128xi32, #tpu.memory_space<vmem>>
    %dma_wait3A_88 = tpu.memref_squeeze %dma_wait3A_87 : memref<1x128xi32, #tpu.memory_space<vmem>> -> memref<128xi32, #tpu.memory_space<vmem>>
    %dma_wait3A_89 = tpu.memref_slice %arg2[%add3A_25] : memref<16384xi32, #tpu.memory_space<hbm>> -> memref<128xi32, #tpu.memory_space<hbm>>
    %dma_wait3A_90 = arith.constant 0 : i32
    %dma_wait3A_91 = tpu.memref_slice %arg6[%dma_wait3A_85, %dma_wait3A_90] : memref<4x128xi32, #tpu.memory_space<vmem>> -> memref<1x128xi32, #tpu.memory_space<vmem>>
    %dma_wait3A_92 = tpu.memref_squeeze %dma_wait3A_91 : memref<1x128xi32, #tpu.memory_space<vmem>> -> memref<128xi32, #tpu.memory_space<vmem>>
    %dma_wait3A_93 = tpu.memref_slice %arg2[%add3A_25] : memref<16384xi32, #tpu.memory_space<hbm>> -> memref<128xi32, #tpu.memory_space<hbm>>
    tpu.wait_dma2 semaphore(%arg11 : memref<!tpu.dma_semaphore, #tpu.memory_space<semaphore_mem>>) src(%dma_wait3A_93 : memref<128xi32, #tpu.memory_space<hbm>>) dst(%dma_wait3A_92 : memref<128xi32, #tpu.memory_space<vmem>>)
    %dma_start3A_94 = arith.constant 2 : i32
    %dma_start3A_95 = arith.constant 256 : i32
    %dma_start3A_96 = arith.constant 0 : i32
    %dma_start3A_97 = tpu.memref_slice %arg7[%dma_start3A_95, %dma_start3A_96] : memref<512x128xf32, #tpu.memory_space<vmem>> -> memref<128x128xf32, #tpu.memory_space<vmem>>
    %dma_start3A_98 = arith.constant 0 : i32
    %dma_start3A_99 = tpu.memref_slice %arg6[%dma_start3A_94, %dma_start3A_98] : memref<4x128xi32, #tpu.memory_space<vmem>> -> memref<1x128xi32, #tpu.memory_space<vmem>>
    %dma_start3A_100 = tpu.memref_squeeze %dma_start3A_99 : memref<1x128xi32, #tpu.memory_space<vmem>> -> memref<128xi32, #tpu.memory_space<vmem>>
    %dma_start3A_101 = arith.constant 0 : i32
    %dma_start3A_102 = arith.constant 0 : i32
    %dma_start3A_103 = tpu.memref_slice %arg9[%dma_start3A_101, %dma_start3A_102] : memref<1000x128xf32, #tpu.memory_space<vmem_shared>> -> memref<1000x128xf32, #tpu.memory_space<vmem_shared>>
    tpu.enqueue_indirect_dma source(%dma_start3A_103 : memref<1000x128xf32, #tpu.memory_space<vmem_shared>>) target(%dma_start3A_97 : memref<128x128xf32, #tpu.memory_space<vmem>>) offsets(%dma_start3A_100 : memref<128xi32, #tpu.memory_space<vmem>>) semaphore(%arg10 : memref<!tpu.dma_semaphore, #tpu.memory_space<semaphore_mem>>)
    %dma_wait3A_104 = arith.constant 3 : i32
    %dma_wait3A_105 = arith.constant 0 : i32
    %dma_wait3A_106 = tpu.memref_slice %arg6[%dma_wait3A_104, %dma_wait3A_105] : memref<4x128xi32, #tpu.memory_space<vmem>> -> memref<1x128xi32, #tpu.memory_space<vmem>>
    %dma_wait3A_107 = tpu.memref_squeeze %dma_wait3A_106 : memref<1x128xi32, #tpu.memory_space<vmem>> -> memref<128xi32, #tpu.memory_space<vmem>>
    %dma_wait3A_108 = tpu.memref_slice %arg2[%add3A_36] : memref<16384xi32, #tpu.memory_space<hbm>> -> memref<128xi32, #tpu.memory_space<hbm>>
    %dma_wait3A_109 = arith.constant 0 : i32
    %dma_wait3A_110 = tpu.memref_slice %arg6[%dma_wait3A_104, %dma_wait3A_109] : memref<4x128xi32, #tpu.memory_space<vmem>> -> memref<1x128xi32, #tpu.memory_space<vmem>>
    %dma_wait3A_111 = tpu.memref_squeeze %dma_wait3A_110 : memref<1x128xi32, #tpu.memory_space<vmem>> -> memref<128xi32, #tpu.memory_space<vmem>>
    %dma_wait3A_112 = tpu.memref_slice %arg2[%add3A_36] : memref<16384xi32, #tpu.memory_space<hbm>> -> memref<128xi32, #tpu.memory_space<hbm>>
    tpu.wait_dma2 semaphore(%arg11 : memref<!tpu.dma_semaphore, #tpu.memory_space<semaphore_mem>>) src(%dma_wait3A_112 : memref<128xi32, #tpu.memory_space<hbm>>) dst(%dma_wait3A_111 : memref<128xi32, #tpu.memory_space<vmem>>)
    %dma_start3A_113 = arith.constant 3 : i32
    %dma_start3A_114 = arith.constant 384 : i32
    %dma_start3A_115 = arith.constant 0 : i32
    %dma_start3A_116 = tpu.memref_slice %arg7[%dma_start3A_114, %dma_start3A_115] : memref<512x128xf32, #tpu.memory_space<vmem>> -> memref<128x128xf32, #tpu.memory_space<vmem>>
    %dma_start3A_117 = arith.constant 0 : i32
    %dma_start3A_118 = tpu.memref_slice %arg6[%dma_start3A_113, %dma_start3A_117] : memref<4x128xi32, #tpu.memory_space<vmem>> -> memref<1x128xi32, #tpu.memory_space<vmem>>
    %dma_start3A_119 = tpu.memref_squeeze %dma_start3A_118 : memref<1x128xi32, #tpu.memory_space<vmem>> -> memref<128xi32, #tpu.memory_space<vmem>>
    %dma_start3A_120 = arith.constant 0 : i32
    %dma_start3A_121 = arith.constant 0 : i32
    %dma_start3A_122 = tpu.memref_slice %arg9[%dma_start3A_120, %dma_start3A_121] : memref<1000x128xf32, #tpu.memory_space<vmem_shared>> -> memref<1000x128xf32, #tpu.memory_space<vmem_shared>>
    tpu.enqueue_indirect_dma source(%dma_start3A_122 : memref<1000x128xf32, #tpu.memory_space<vmem_shared>>) target(%dma_start3A_116 : memref<128x128xf32, #tpu.memory_space<vmem>>) offsets(%dma_start3A_119 : memref<128xi32, #tpu.memory_space<vmem>>) semaphore(%arg10 : memref<!tpu.dma_semaphore, #tpu.memory_space<semaphore_mem>>)
    %dma_wait3A_123 = arith.constant 0 : i32
    %dma_wait3A_124 = arith.constant 0 : i32
    %dma_wait3A_125 = arith.constant 0 : i32
    %dma_wait3A_126 = tpu.memref_slice %arg7[%dma_wait3A_124, %dma_wait3A_125] : memref<512x128xf32, #tpu.memory_space<vmem>> -> memref<128x128xf32, #tpu.memory_space<vmem>>
    %dma_wait3A_127 = arith.constant 0 : i32
    %dma_wait3A_128 = tpu.memref_slice %arg6[%dma_wait3A_123, %dma_wait3A_127] : memref<4x128xi32, #tpu.memory_space<vmem>> -> memref<1x128xi32, #tpu.memory_space<vmem>>
    %dma_wait3A_129 = tpu.memref_squeeze %dma_wait3A_128 : memref<1x128xi32, #tpu.memory_space<vmem>> -> memref<128xi32, #tpu.memory_space<vmem>>
    %dma_wait3A_130 = arith.constant 0 : i32
    %dma_wait3A_131 = arith.constant 0 : i32
    %dma_wait3A_132 = tpu.memref_slice %arg9[%dma_wait3A_130, %dma_wait3A_131] : memref<1000x128xf32, #tpu.memory_space<vmem_shared>> -> memref<1000x128xf32, #tpu.memory_space<vmem_shared>>
    tpu.wait_indirect_dma semaphore(%arg10 : memref<!tpu.dma_semaphore, #tpu.memory_space<semaphore_mem>>) src(%dma_wait3A_132 : memref<1000x128xf32, #tpu.memory_space<vmem_shared>>) dst(%dma_wait3A_126 : memref<128x128xf32, #tpu.memory_space<vmem>>)
    %dma_wait3A_133 = arith.constant 1 : i32
    %dma_wait3A_134 = arith.constant 128 : i32
    %dma_wait3A_135 = arith.constant 0 : i32
    %dma_wait3A_136 = tpu.memref_slice %arg7[%dma_wait3A_134, %dma_wait3A_135] : memref<512x128xf32, #tpu.memory_space<vmem>> -> memref<128x128xf32, #tpu.memory_space<vmem>>
    %dma_wait3A_137 = arith.constant 0 : i32
    %dma_wait3A_138 = tpu.memref_slice %arg6[%dma_wait3A_133, %dma_wait3A_137] : memref<4x128xi32, #tpu.memory_space<vmem>> -> memref<1x128xi32, #tpu.memory_space<vmem>>
    %dma_wait3A_139 = tpu.memref_squeeze %dma_wait3A_138 : memref<1x128xi32, #tpu.memory_space<vmem>> -> memref<128xi32, #tpu.memory_space<vmem>>
    %dma_wait3A_140 = arith.constant 0 : i32
    %dma_wait3A_141 = arith.constant 0 : i32
    %dma_wait3A_142 = tpu.memref_slice %arg9[%dma_wait3A_140, %dma_wait3A_141] : memref<1000x128xf32, #tpu.memory_space<vmem_shared>> -> memref<1000x128xf32, #tpu.memory_space<vmem_shared>>
    tpu.wait_indirect_dma semaphore(%arg10 : memref<!tpu.dma_semaphore, #tpu.memory_space<semaphore_mem>>) src(%dma_wait3A_142 : memref<1000x128xf32, #tpu.memory_space<vmem_shared>>) dst(%dma_wait3A_136 : memref<128x128xf32, #tpu.memory_space<vmem>>)
    %dma_wait3A_143 = arith.constant 2 : i32
    %dma_wait3A_144 = arith.constant 256 : i32
    %dma_wait3A_145 = arith.constant 0 : i32
    %dma_wait3A_146 = tpu.memref_slice %arg7[%dma_wait3A_144, %dma_wait3A_145] : memref<512x128xf32, #tpu.memory_space<vmem>> -> memref<128x128xf32, #tpu.memory_space<vmem>>
    %dma_wait3A_147 = arith.constant 0 : i32
    %dma_wait3A_148 = tpu.memref_slice %arg6[%dma_wait3A_143, %dma_wait3A_147] : memref<4x128xi32, #tpu.memory_space<vmem>> -> memref<1x128xi32, #tpu.memory_space<vmem>>
    %dma_wait3A_149 = tpu.memref_squeeze %dma_wait3A_148 : memref<1x128xi32, #tpu.memory_space<vmem>> -> memref<128xi32, #tpu.memory_space<vmem>>
    %dma_wait3A_150 = arith.constant 0 : i32
    %dma_wait3A_151 = arith.constant 0 : i32
    %dma_wait3A_152 = tpu.memref_slice %arg9[%dma_wait3A_150, %dma_wait3A_151] : memref<1000x128xf32, #tpu.memory_space<vmem_shared>> -> memref<1000x128xf32, #tpu.memory_space<vmem_shared>>
    tpu.wait_indirect_dma semaphore(%arg10 : memref<!tpu.dma_semaphore, #tpu.memory_space<semaphore_mem>>) src(%dma_wait3A_152 : memref<1000x128xf32, #tpu.memory_space<vmem_shared>>) dst(%dma_wait3A_146 : memref<128x128xf32, #tpu.memory_space<vmem>>)
    %dma_wait3A_153 = arith.constant 3 : i32
    %dma_wait3A_154 = arith.constant 384 : i32
    %dma_wait3A_155 = arith.constant 0 : i32
    %dma_wait3A_156 = tpu.memref_slice %arg7[%dma_wait3A_154, %dma_wait3A_155] : memref<512x128xf32, #tpu.memory_space<vmem>> -> memref<128x128xf32, #tpu.memory_space<vmem>>
    %dma_wait3A_157 = arith.constant 0 : i32
    %dma_wait3A_158 = tpu.memref_slice %arg6[%dma_wait3A_153, %dma_wait3A_157] : memref<4x128xi32, #tpu.memory_space<vmem>> -> memref<1x128xi32, #tpu.memory_space<vmem>>
    %dma_wait3A_159 = tpu.memref_squeeze %dma_wait3A_158 : memref<1x128xi32, #tpu.memory_space<vmem>> -> memref<128xi32, #tpu.memory_space<vmem>>
    %dma_wait3A_160 = arith.constant 0 : i32
    %dma_wait3A_161 = arith.constant 0 : i32
    %dma_wait3A_162 = tpu.memref_slice %arg9[%dma_wait3A_160, %dma_wait3A_161] : memref<1000x128xf32, #tpu.memory_space<vmem_shared>> -> memref<1000x128xf32, #tpu.memory_space<vmem_shared>>
    tpu.wait_indirect_dma semaphore(%arg10 : memref<!tpu.dma_semaphore, #tpu.memory_space<semaphore_mem>>) src(%dma_wait3A_162 : memref<1000x128xf32, #tpu.memory_space<vmem_shared>>) dst(%dma_wait3A_156 : memref<128x128xf32, #tpu.memory_space<vmem>>)
    %dma_start3A_163 = arith.constant 0 : i32
    %dma_start3A_164 = tpu.memref_slice %arg4[%mul3A_2, %dma_start3A_163] : memref<16384x128xf32, #tpu.memory_space<hbm>> -> memref<512x128xf32, #tpu.memory_space<hbm>>
    %dma_start3A_165 = arith.constant 0 : i32
    %dma_start3A_166 = tpu.memref_slice %arg4[%mul3A_2, %dma_start3A_165] : memref<16384x128xf32, #tpu.memory_space<hbm>> -> memref<512x128xf32, #tpu.memory_space<hbm>>
    tpu.enqueue_dma source(%arg7 : memref<512x128xf32, #tpu.memory_space<vmem>>) target(%dma_start3A_166 : memref<512x128xf32, #tpu.memory_space<hbm>>) target_semaphore(%arg11 : memref<!tpu.dma_semaphore, #tpu.memory_space<semaphore_mem>>)
    %broadcast_in_dim3A = arith.constant -1 : i32
    %broadcast_in_dim3A_167 = vector.broadcast %broadcast_in_dim3A : i32 to vector<16xi32>
    %swap3A = arith.constant 0 : index
    %swap3A_168 = tpu.vector_load %arg8[%swap3A] {strides = array<i32>} : memref<1024xi32, #tpu.memory_space<vmem>>, vector<16xi32>,
    tpu.vector_store %arg8[%swap3A], %broadcast_in_dim3A_167 {strides = array<i32>} : memref<1024xi32, #tpu.memory_space<vmem>>, vector<16xi32>,
    %swap3A_169 = arith.constant 16 : index
    %swap3A_170 = tpu.vector_load %arg8[%swap3A_169] {strides = array<i32>} : memref<1024xi32, #tpu.memory_space<vmem>>, vector<16xi32>,
    tpu.vector_store %arg8[%swap3A_169], %broadcast_in_dim3A_167 {strides = array<i32>} : memref<1024xi32, #tpu.memory_space<vmem>>, vector<16xi32>,
    %swap3A_171 = arith.constant 32 : index
    %swap3A_172 = tpu.vector_load %arg8[%swap3A_171] {strides = array<i32>} : memref<1024xi32, #tpu.memory_space<vmem>>, vector<16xi32>,
    tpu.vector_store %arg8[%swap3A_171], %broadcast_in_dim3A_167 {strides = array<i32>} : memref<1024xi32, #tpu.memory_space<vmem>>, vector<16xi32>,
    %swap3A_173 = arith.constant 48 : index
    %swap3A_174 = tpu.vector_load %arg8[%swap3A_173] {strides = array<i32>} : memref<1024xi32, #tpu.memory_space<vmem>>, vector<16xi32>,
    tpu.vector_store %arg8[%swap3A_173], %broadcast_in_dim3A_167 {strides = array<i32>} : memref<1024xi32, #tpu.memory_space<vmem>>, vector<16xi32>,
    %swap3A_175 = arith.constant 64 : index
    %swap3A_176 = tpu.vector_load %arg8[%swap3A_175] {strides = array<i32>} : memref<1024xi32, #tpu.memory_space<vmem>>, vector<16xi32>,
    tpu.vector_store %arg8[%swap3A_175], %broadcast_in_dim3A_167 {strides = array<i32>} : memref<1024xi32, #tpu.memory_space<vmem>>, vector<16xi32>,
    %swap3A_177 = arith.constant 80 : index
    %swap3A_178 = tpu.vector_load %arg8[%swap3A_177] {strides = array<i32>} : memref<1024xi32, #tpu.memory_space<vmem>>, vector<16xi32>,
    tpu.vector_store %arg8[%swap3A_177], %broadcast_in_dim3A_167 {strides = array<i32>} : memref<1024xi32, #tpu.memory_space<vmem>>, vector<16xi32>,
    %swap3A_179 = arith.constant 96 : index
    %swap3A_180 = tpu.vector_load %arg8[%swap3A_179] {strides = array<i32>} : memref<1024xi32, #tpu.memory_space<vmem>>, vector<16xi32>,
    tpu.vector_store %arg8[%swap3A_179], %broadcast_in_dim3A_167 {strides = array<i32>} : memref<1024xi32, #tpu.memory_space<vmem>>, vector<16xi32>,
    %swap3A_181 = arith.constant 112 : index
    %swap3A_182 = tpu.vector_load %arg8[%swap3A_181] {strides = array<i32>} : memref<1024xi32, #tpu.memory_space<vmem>>, vector<16xi32>,
    tpu.vector_store %arg8[%swap3A_181], %broadcast_in_dim3A_167 {strides = array<i32>} : memref<1024xi32, #tpu.memory_space<vmem>>, vector<16xi32>,
    %swap3A_183 = arith.constant 128 : index
    %swap3A_184 = tpu.vector_load %arg8[%swap3A_183] {strides = array<i32>} : memref<1024xi32, #tpu.memory_space<vmem>>, vector<16xi32>,
    tpu.vector_store %arg8[%swap3A_183], %broadcast_in_dim3A_167 {strides = array<i32>} : memref<1024xi32, #tpu.memory_space<vmem>>, vector<16xi32>,
    %swap3A_185 = arith.constant 144 : index
    %swap3A_186 = tpu.vector_load %arg8[%swap3A_185] {strides = array<i32>} : memref<1024xi32, #tpu.memory_space<vmem>>, vector<16xi32>,
    tpu.vector_store %arg8[%swap3A_185], %broadcast_in_dim3A_167 {strides = array<i32>} : memref<1024xi32, #tpu.memory_space<vmem>>, vector<16xi32>,
    %swap3A_187 = arith.constant 160 : index
    %swap3A_188 = tpu.vector_load %arg8[%swap3A_187] {strides = array<i32>} : memref<1024xi32, #tpu.memory_space<vmem>>, vector<16xi32>,
    tpu.vector_store %arg8[%swap3A_187], %broadcast_in_dim3A_167 {strides = array<i32>} : memref<1024xi32, #tpu.memory_space<vmem>>, vector<16xi32>,
    %swap3A_189 = arith.constant 176 : index
    %swap3A_190 = tpu.vector_load %arg8[%swap3A_189] {strides = array<i32>} : memref<1024xi32, #tpu.memory_space<vmem>>, vector<16xi32>,
    tpu.vector_store %arg8[%swap3A_189], %broadcast_in_dim3A_167 {strides = array<i32>} : memref<1024xi32, #tpu.memory_space<vmem>>, vector<16xi32>,
    %swap3A_191 = arith.constant 192 : index
    %swap3A_192 = tpu.vector_load %arg8[%swap3A_191] {strides = array<i32>} : memref<1024xi32, #tpu.memory_space<vmem>>, vector<16xi32>,
    tpu.vector_store %arg8[%swap3A_191], %broadcast_in_dim3A_167 {strides = array<i32>} : memref<1024xi32, #tpu.memory_space<vmem>>, vector<16xi32>,
    %swap3A_193 = arith.constant 208 : index
    %swap3A_194 = tpu.vector_load %arg8[%swap3A_193] {strides = array<i32>} : memref<1024xi32, #tpu.memory_space<vmem>>, vector<16xi32>,
    tpu.vector_store %arg8[%swap3A_193], %broadcast_in_dim3A_167 {strides = array<i32>} : memref<1024xi32, #tpu.memory_space<vmem>>, vector<16xi32>,
    %swap3A_195 = arith.constant 224 : index
    %swap3A_196 = tpu.vector_load %arg8[%swap3A_195] {strides = array<i32>} : memref<1024xi32, #tpu.memory_space<vmem>>, vector<16xi32>,
    tpu.vector_store %arg8[%swap3A_195], %broadcast_in_dim3A_167 {strides = array<i32>} : memref<1024xi32, #tpu.memory_space<vmem>>, vector<16xi32>,
    %swap3A_197 = arith.constant 240 : index
    %swap3A_198 = tpu.vector_load %arg8[%swap3A_197] {strides = array<i32>} : memref<1024xi32, #tpu.memory_space<vmem>>, vector<16xi32>,
    tpu.vector_store %arg8[%swap3A_197], %broadcast_in_dim3A_167 {strides = array<i32>} : memref<1024xi32, #tpu.memory_space<vmem>>, vector<16xi32>,
    %swap3A_199 = arith.constant 256 : index
    %swap3A_200 = tpu.vector_load %arg8[%swap3A_199] {strides = array<i32>} : memref<1024xi32, #tpu.memory_space<vmem>>, vector<16xi32>,
    tpu.vector_store %arg8[%swap3A_199], %broadcast_in_dim3A_167 {strides = array<i32>} : memref<1024xi32, #tpu.memory_space<vmem>>, vector<16xi32>,
    %swap3A_201 = arith.constant 272 : index
    %swap3A_202 = tpu.vector_load %arg8[%swap3A_201] {strides = array<i32>} : memref<1024xi32, #tpu.memory_space<vmem>>, vector<16xi32>,
    tpu.vector_store %arg8[%swap3A_201], %broadcast_in_dim3A_167 {strides = array<i32>} : memref<1024xi32, #tpu.memory_space<vmem>>, vector<16xi32>,
    %swap3A_203 = arith.constant 288 : index
    %swap3A_204 = tpu.vector_load %arg8[%swap3A_203] {strides = array<i32>} : memref<1024xi32, #tpu.memory_space<vmem>>, vector<16xi32>,
    tpu.vector_store %arg8[%swap3A_203], %broadcast_in_dim3A_167 {strides = array<i32>} : memref<1024xi32, #tpu.memory_space<vmem>>, vector<16xi32>,
    %swap3A_205 = arith.constant 304 : index
    %swap3A_206 = tpu.vector_load %arg8[%swap3A_205] {strides = array<i32>} : memref<1024xi32, #tpu.memory_space<vmem>>, vector<16xi32>,
    tpu.vector_store %arg8[%swap3A_205], %broadcast_in_dim3A_167 {strides = array<i32>} : memref<1024xi32, #tpu.memory_space<vmem>>, vector<16xi32>,
    %swap3A_207 = arith.constant 320 : index
    %swap3A_208 = tpu.vector_load %arg8[%swap3A_207] {strides = array<i32>} : memref<1024xi32, #tpu.memory_space<vmem>>, vector<16xi32>,
    tpu.vector_store %arg8[%swap3A_207], %broadcast_in_dim3A_167 {strides = array<i32>} : memref<1024xi32, #tpu.memory_space<vmem>>, vector<16xi32>,
    %swap3A_209 = arith.constant 336 : index
    %swap3A_210 = tpu.vector_load %arg8[%swap3A_209] {strides = array<i32>} : memref<1024xi32, #tpu.memory_space<vmem>>, vector<16xi32>,
    tpu.vector_store %arg8[%swap3A_209], %broadcast_in_dim3A_167 {strides = array<i32>} : memref<1024xi32, #tpu.memory_space<vmem>>, vector<16xi32>,
    %swap3A_211 = arith.constant 352 : index
    %swap3A_212 = tpu.vector_load %arg8[%swap3A_211] {strides = array<i32>} : memref<1024xi32, #tpu.memory_space<vmem>>, vector<16xi32>,
    tpu.vector_store %arg8[%swap3A_211], %broadcast_in_dim3A_167 {strides = array<i32>} : memref<1024xi32, #tpu.memory_space<vmem>>, vector<16xi32>,
    %swap3A_213 = arith.constant 368 : index
    %swap3A_214 = tpu.vector_load %arg8[%swap3A_213] {strides = array<i32>} : memref<1024xi32, #tpu.memory_space<vmem>>, vector<16xi32>,
    tpu.vector_store %arg8[%swap3A_213], %broadcast_in_dim3A_167 {strides = array<i32>} : memref<1024xi32, #tpu.memory_space<vmem>>, vector<16xi32>,
    %swap3A_215 = arith.constant 384 : index
    %swap3A_216 = tpu.vector_load %arg8[%swap3A_215] {strides = array<i32>} : memref<1024xi32, #tpu.memory_space<vmem>>, vector<16xi32>,
    tpu.vector_store %arg8[%swap3A_215], %broadcast_in_dim3A_167 {strides = array<i32>} : memref<1024xi32, #tpu.memory_space<vmem>>, vector<16xi32>,
    %swap3A_217 = arith.constant 400 : index
    %swap3A_218 = tpu.vector_load %arg8[%swap3A_217] {strides = array<i32>} : memref<1024xi32, #tpu.memory_space<vmem>>, vector<16xi32>,
    tpu.vector_store %arg8[%swap3A_217], %broadcast_in_dim3A_167 {strides = array<i32>} : memref<1024xi32, #tpu.memory_space<vmem>>, vector<16xi32>,
    %swap3A_219 = arith.constant 416 : index
    %swap3A_220 = tpu.vector_load %arg8[%swap3A_219] {strides = array<i32>} : memref<1024xi32, #tpu.memory_space<vmem>>, vector<16xi32>,
    tpu.vector_store %arg8[%swap3A_219], %broadcast_in_dim3A_167 {strides = array<i32>} : memref<1024xi32, #tpu.memory_space<vmem>>, vector<16xi32>,
    %swap3A_221 = arith.constant 432 : index
    %swap3A_222 = tpu.vector_load %arg8[%swap3A_221] {strides = array<i32>} : memref<1024xi32, #tpu.memory_space<vmem>>, vector<16xi32>,
    tpu.vector_store %arg8[%swap3A_221], %broadcast_in_dim3A_167 {strides = array<i32>} : memref<1024xi32, #tpu.memory_space<vmem>>, vector<16xi32>,
    %swap3A_223 = arith.constant 448 : index
    %swap3A_224 = tpu.vector_load %arg8[%swap3A_223] {strides = array<i32>} : memref<1024xi32, #tpu.memory_space<vmem>>, vector<16xi32>,
    tpu.vector_store %arg8[%swap3A_223], %broadcast_in_dim3A_167 {strides = array<i32>} : memref<1024xi32, #tpu.memory_space<vmem>>, vector<16xi32>,
    %swap3A_225 = arith.constant 464 : index
    %swap3A_226 = tpu.vector_load %arg8[%swap3A_225] {strides = array<i32>} : memref<1024xi32, #tpu.memory_space<vmem>>, vector<16xi32>,
    tpu.vector_store %arg8[%swap3A_225], %broadcast_in_dim3A_167 {strides = array<i32>} : memref<1024xi32, #tpu.memory_space<vmem>>, vector<16xi32>,
    %swap3A_227 = arith.constant 480 : index
    %swap3A_228 = tpu.vector_load %arg8[%swap3A_227] {strides = array<i32>} : memref<1024xi32, #tpu.memory_space<vmem>>, vector<16xi32>,
    tpu.vector_store %arg8[%swap3A_227], %broadcast_in_dim3A_167 {strides = array<i32>} : memref<1024xi32, #tpu.memory_space<vmem>>, vector<16xi32>,
    %swap3A_229 = arith.constant 496 : index
    %swap3A_230 = tpu.vector_load %arg8[%swap3A_229] {strides = array<i32>} : memref<1024xi32, #tpu.memory_space<vmem>>, vector<16xi32>,
    tpu.vector_store %arg8[%swap3A_229], %broadcast_in_dim3A_167 {strides = array<i32>} : memref<1024xi32, #tpu.memory_space<vmem>>, vector<16xi32>,
    %swap3A_231 = arith.constant 512 : index
    %swap3A_232 = tpu.vector_load %arg8[%swap3A_231] {strides = array<i32>} : memref<1024xi32, #tpu.memory_space<vmem>>, vector<16xi32>,
    tpu.vector_store %arg8[%swap3A_231], %broadcast_in_dim3A_167 {strides = array<i32>} : memref<1024xi32, #tpu.memory_space<vmem>>, vector<16xi32>,
    %swap3A_233 = arith.constant 528 : index
    %swap3A_234 = tpu.vector_load %arg8[%swap3A_233] {strides = array<i32>} : memref<1024xi32, #tpu.memory_space<vmem>>, vector<16xi32>,
    tpu.vector_store %arg8[%swap3A_233], %broadcast_in_dim3A_167 {strides = array<i32>} : memref<1024xi32, #tpu.memory_space<vmem>>, vector<16xi32>,
    %swap3A_235 = arith.constant 544 : index
    %swap3A_236 = tpu.vector_load %arg8[%swap3A_235] {strides = array<i32>} : memref<1024xi32, #tpu.memory_space<vmem>>, vector<16xi32>,
    tpu.vector_store %arg8[%swap3A_235], %broadcast_in_dim3A_167 {strides = array<i32>} : memref<1024xi32, #tpu.memory_space<vmem>>, vector<16xi32>,
    %swap3A_237 = arith.constant 560 : index
    %swap3A_238 = tpu.vector_load %arg8[%swap3A_237] {strides = array<i32>} : memref<1024xi32, #tpu.memory_space<vmem>>, vector<16xi32>,
    tpu.vector_store %arg8[%swap3A_237], %broadcast_in_dim3A_167 {strides = array<i32>} : memref<1024xi32, #tpu.memory_space<vmem>>, vector<16xi32>,
    %swap3A_239 = arith.constant 576 : index
    %swap3A_240 = tpu.vector_load %arg8[%swap3A_239] {strides = array<i32>} : memref<1024xi32, #tpu.memory_space<vmem>>, vector<16xi32>,
    tpu.vector_store %arg8[%swap3A_239], %broadcast_in_dim3A_167 {strides = array<i32>} : memref<1024xi32, #tpu.memory_space<vmem>>, vector<16xi32>,
    %swap3A_241 = arith.constant 592 : index
    %swap3A_242 = tpu.vector_load %arg8[%swap3A_241] {strides = array<i32>} : memref<1024xi32, #tpu.memory_space<vmem>>, vector<16xi32>,
    tpu.vector_store %arg8[%swap3A_241], %broadcast_in_dim3A_167 {strides = array<i32>} : memref<1024xi32, #tpu.memory_space<vmem>>, vector<16xi32>,
    %swap3A_243 = arith.constant 608 : index
    %swap3A_244 = tpu.vector_load %arg8[%swap3A_243] {strides = array<i32>} : memref<1024xi32, #tpu.memory_space<vmem>>, vector<16xi32>,
    tpu.vector_store %arg8[%swap3A_243], %broadcast_in_dim3A_167 {strides = array<i32>} : memref<1024xi32, #tpu.memory_space<vmem>>, vector<16xi32>,
    %swap3A_245 = arith.constant 624 : index
    %swap3A_246 = tpu.vector_load %arg8[%swap3A_245] {strides = array<i32>} : memref<1024xi32, #tpu.memory_space<vmem>>, vector<16xi32>,
    tpu.vector_store %arg8[%swap3A_245], %broadcast_in_dim3A_167 {strides = array<i32>} : memref<1024xi32, #tpu.memory_space<vmem>>, vector<16xi32>,
    %swap3A_247 = arith.constant 640 : index
    %swap3A_248 = tpu.vector_load %arg8[%swap3A_247] {strides = array<i32>} : memref<1024xi32, #tpu.memory_space<vmem>>, vector<16xi32>,
    tpu.vector_store %arg8[%swap3A_247], %broadcast_in_dim3A_167 {strides = array<i32>} : memref<1024xi32, #tpu.memory_space<vmem>>, vector<16xi32>,
    %swap3A_249 = arith.constant 656 : index
    %swap3A_250 = tpu.vector_load %arg8[%swap3A_249] {strides = array<i32>} : memref<1024xi32, #tpu.memory_space<vmem>>, vector<16xi32>,
    tpu.vector_store %arg8[%swap3A_249], %broadcast_in_dim3A_167 {strides = array<i32>} : memref<1024xi32, #tpu.memory_space<vmem>>, vector<16xi32>,
    %swap3A_251 = arith.constant 672 : index
    %swap3A_252 = tpu.vector_load %arg8[%swap3A_251] {strides = array<i32>} : memref<1024xi32, #tpu.memory_space<vmem>>, vector<16xi32>,
    tpu.vector_store %arg8[%swap3A_251], %broadcast_in_dim3A_167 {strides = array<i32>} : memref<1024xi32, #tpu.memory_space<vmem>>, vector<16xi32>,
    %swap3A_253 = arith.constant 688 : index
    %swap3A_254 = tpu.vector_load %arg8[%swap3A_253] {strides = array<i32>} : memref<1024xi32, #tpu.memory_space<vmem>>, vector<16xi32>,
    tpu.vector_store %arg8[%swap3A_253], %broadcast_in_dim3A_167 {strides = array<i32>} : memref<1024xi32, #tpu.memory_space<vmem>>, vector<16xi32>,
    %swap3A_255 = arith.constant 704 : index
    %swap3A_256 = tpu.vector_load %arg8[%swap3A_255] {strides = array<i32>} : memref<1024xi32, #tpu.memory_space<vmem>>, vector<16xi32>,
    tpu.vector_store %arg8[%swap3A_255], %broadcast_in_dim3A_167 {strides = array<i32>} : memref<1024xi32, #tpu.memory_space<vmem>>, vector<16xi32>,
    %swap3A_257 = arith.constant 720 : index
    %swap3A_258 = tpu.vector_load %arg8[%swap3A_257] {strides = array<i32>} : memref<1024xi32, #tpu.memory_space<vmem>>, vector<16xi32>,
    tpu.vector_store %arg8[%swap3A_257], %broadcast_in_dim3A_167 {strides = array<i32>} : memref<1024xi32, #tpu.memory_space<vmem>>, vector<16xi32>,
    %swap3A_259 = arith.constant 736 : index
    %swap3A_260 = tpu.vector_load %arg8[%swap3A_259] {strides = array<i32>} : memref<1024xi32, #tpu.memory_space<vmem>>, vector<16xi32>,
    tpu.vector_store %arg8[%swap3A_259], %broadcast_in_dim3A_167 {strides = array<i32>} : memref<1024xi32, #tpu.memory_space<vmem>>, vector<16xi32>,
    %swap3A_261 = arith.constant 752 : index
    %swap3A_262 = tpu.vector_load %arg8[%swap3A_261] {strides = array<i32>} : memref<1024xi32, #tpu.memory_space<vmem>>, vector<16xi32>,
    tpu.vector_store %arg8[%swap3A_261], %broadcast_in_dim3A_167 {strides = array<i32>} : memref<1024xi32, #tpu.memory_space<vmem>>, vector<16xi32>,
    %swap3A_263 = arith.constant 768 : index
    %swap3A_264 = tpu.vector_load %arg8[%swap3A_263] {strides = array<i32>} : memref<1024xi32, #tpu.memory_space<vmem>>, vector<16xi32>,
    tpu.vector_store %arg8[%swap3A_263], %broadcast_in_dim3A_167 {strides = array<i32>} : memref<1024xi32, #tpu.memory_space<vmem>>, vector<16xi32>,
    %swap3A_265 = arith.constant 784 : index
    %swap3A_266 = tpu.vector_load %arg8[%swap3A_265] {strides = array<i32>} : memref<1024xi32, #tpu.memory_space<vmem>>, vector<16xi32>,
    tpu.vector_store %arg8[%swap3A_265], %broadcast_in_dim3A_167 {strides = array<i32>} : memref<1024xi32, #tpu.memory_space<vmem>>, vector<16xi32>,
    %swap3A_267 = arith.constant 800 : index
    %swap3A_268 = tpu.vector_load %arg8[%swap3A_267] {strides = array<i32>} : memref<1024xi32, #tpu.memory_space<vmem>>, vector<16xi32>,
    tpu.vector_store %arg8[%swap3A_267], %broadcast_in_dim3A_167 {strides = array<i32>} : memref<1024xi32, #tpu.memory_space<vmem>>, vector<16xi32>,
    %swap3A_269 = arith.constant 816 : index
    %swap3A_270 = tpu.vector_load %arg8[%swap3A_269] {strides = array<i32>} : memref<1024xi32, #tpu.memory_space<vmem>>, vector<16xi32>,
    tpu.vector_store %arg8[%swap3A_269], %broadcast_in_dim3A_167 {strides = array<i32>} : memref<1024xi32, #tpu.memory_space<vmem>>, vector<16xi32>,
    %swap3A_271 = arith.constant 832 : index
    %swap3A_272 = tpu.vector_load %arg8[%swap3A_271] {strides = array<i32>} : memref<1024xi32, #tpu.memory_space<vmem>>, vector<16xi32>,
    tpu.vector_store %arg8[%swap3A_271], %broadcast_in_dim3A_167 {strides = array<i32>} : memref<1024xi32, #tpu.memory_space<vmem>>, vector<16xi32>,
    %swap3A_273 = arith.constant 848 : index
    %swap3A_274 = tpu.vector_load %arg8[%swap3A_273] {strides = array<i32>} : memref<1024xi32, #tpu.memory_space<vmem>>, vector<16xi32>,
    tpu.vector_store %arg8[%swap3A_273], %broadcast_in_dim3A_167 {strides = array<i32>} : memref<1024xi32, #tpu.memory_space<vmem>>, vector<16xi32>,
    %swap3A_275 = arith.constant 864 : index
    %swap3A_276 = tpu.vector_load %arg8[%swap3A_275] {strides = array<i32>} : memref<1024xi32, #tpu.memory_space<vmem>>, vector<16xi32>,
    tpu.vector_store %arg8[%swap3A_275], %broadcast_in_dim3A_167 {strides = array<i32>} : memref<1024xi32, #tpu.memory_space<vmem>>, vector<16xi32>,
    %swap3A_277 = arith.constant 880 : index
    %swap3A_278 = tpu.vector_load %arg8[%swap3A_277] {strides = array<i32>} : memref<1024xi32, #tpu.memory_space<vmem>>, vector<16xi32>,
    tpu.vector_store %arg8[%swap3A_277], %broadcast_in_dim3A_167 {strides = array<i32>} : memref<1024xi32, #tpu.memory_space<vmem>>, vector<16xi32>,
    %swap3A_279 = arith.constant 896 : index
    %swap3A_280 = tpu.vector_load %arg8[%swap3A_279] {strides = array<i32>} : memref<1024xi32, #tpu.memory_space<vmem>>, vector<16xi32>,
    tpu.vector_store %arg8[%swap3A_279], %broadcast_in_dim3A_167 {strides = array<i32>} : memref<1024xi32, #tpu.memory_space<vmem>>, vector<16xi32>,
    %swap3A_281 = arith.constant 912 : index
    %swap3A_282 = tpu.vector_load %arg8[%swap3A_281] {strides = array<i32>} : memref<1024xi32, #tpu.memory_space<vmem>>, vector<16xi32>,
    tpu.vector_store %arg8[%swap3A_281], %broadcast_in_dim3A_167 {strides = array<i32>} : memref<1024xi32, #tpu.memory_space<vmem>>, vector<16xi32>,
    %swap3A_283 = arith.constant 928 : index
    %swap3A_284 = tpu.vector_load %arg8[%swap3A_283] {strides = array<i32>} : memref<1024xi32, #tpu.memory_space<vmem>>, vector<16xi32>,
    tpu.vector_store %arg8[%swap3A_283], %broadcast_in_dim3A_167 {strides = array<i32>} : memref<1024xi32, #tpu.memory_space<vmem>>, vector<16xi32>,
    %swap3A_285 = arith.constant 944 : index
    %swap3A_286 = tpu.vector_load %arg8[%swap3A_285] {strides = array<i32>} : memref<1024xi32, #tpu.memory_space<vmem>>, vector<16xi32>,
    tpu.vector_store %arg8[%swap3A_285], %broadcast_in_dim3A_167 {strides = array<i32>} : memref<1024xi32, #tpu.memory_space<vmem>>, vector<16xi32>,
    %swap3A_287 = arith.constant 960 : index
    %swap3A_288 = tpu.vector_load %arg8[%swap3A_287] {strides = array<i32>} : memref<1024xi32, #tpu.memory_space<vmem>>, vector<16xi32>,
    tpu.vector_store %arg8[%swap3A_287], %broadcast_in_dim3A_167 {strides = array<i32>} : memref<1024xi32, #tpu.memory_space<vmem>>, vector<16xi32>,
    %swap3A_289 = arith.constant 976 : index
    %swap3A_290 = tpu.vector_load %arg8[%swap3A_289] {strides = array<i32>} : memref<1024xi32, #tpu.memory_space<vmem>>, vector<16xi32>,
    tpu.vector_store %arg8[%swap3A_289], %broadcast_in_dim3A_167 {strides = array<i32>} : memref<1024xi32, #tpu.memory_space<vmem>>, vector<16xi32>,
    %swap3A_291 = arith.constant 992 : index
    %swap3A_292 = tpu.vector_load %arg8[%swap3A_291] {strides = array<i32>} : memref<1024xi32, #tpu.memory_space<vmem>>, vector<16xi32>,
    tpu.vector_store %arg8[%swap3A_291], %broadcast_in_dim3A_167 {strides = array<i32>} : memref<1024xi32, #tpu.memory_space<vmem>>, vector<16xi32>,
    %swap3A_293 = arith.constant 1008 : index
    %swap3A_294 = tpu.vector_load %arg8[%swap3A_293] {strides = array<i32>} : memref<1024xi32, #tpu.memory_space<vmem>>, vector<16xi32>,
    tpu.vector_store %arg8[%swap3A_293], %broadcast_in_dim3A_167 {strides = array<i32>} : memref<1024xi32, #tpu.memory_space<vmem>>, vector<16xi32>,
    %iota3A = tpu.iota {dimensions = array<i32: 0>} : vector<16xi32>
    %get3A = arith.constant 0 : i32
    %get3A_295 = arith.index_cast %get3A : i32 to index
    %get3A_296 = arith.constant 0 : index
    %get3A_297 = tpu.vector_load %arg6[%get3A_295, %get3A_296] {strides = array<i32>} : memref<4x128xi32, #tpu.memory_space<vmem>>, vector<16xi32>,
    %add3A_298 = arith.constant 0 : i32
    %add3A_299 = arith.addi %mul3A_2, %add3A_298 : i32
    %add3A_300 = arith.constant 0 : i32
    %add3A_301 = arith.addi %add3A_299, %add3A_300 : i32
    %broadcast_in_dim3A_302 = vector.broadcast %add3A_301 : i32 to vector<16xi32>
    %add3A_303 = arith.addi %broadcast_in_dim3A_302, %iota3A : vector<16xi32>
    %broadcast_in_dim3A_304 = arith.constant true
    %broadcast_in_dim3A_305 = vector.broadcast %broadcast_in_dim3A_304 : i1 to vector<16xi1>
    %unique3A, %unique3A_306 = tpu.scan_count mask(%broadcast_in_dim3A_305 : vector<16xi1>) value(%get3A_297 : vector<16xi32>) : vector<16xi1>, vector<16xi32>
    tpu.vector_store_idx %arg8[%get3A_297], %add3A_303 masked %unique3A : memref<1024xi32, #tpu.memory_space<vmem>>[vector<16xi32>], vector<16xi32>, vector<16xi1>
    %get3A_307 = arith.constant 0 : i32
    %get3A_308 = arith.index_cast %get3A_307 : i32 to index
    %get3A_309 = arith.constant 16 : index
    %get3A_310 = tpu.vector_load %arg6[%get3A_308, %get3A_309] {strides = array<i32>} : memref<4x128xi32, #tpu.memory_space<vmem>>, vector<16xi32>,
    %add3A_311 = arith.constant 0 : i32
    %add3A_312 = arith.addi %mul3A_2, %add3A_311 : i32
    %add3A_313 = arith.constant 16 : i32
    %add3A_314 = arith.addi %add3A_312, %add3A_313 : i32
    %broadcast_in_dim3A_315 = vector.broadcast %add3A_314 : i32 to vector<16xi32>
    %add3A_316 = arith.addi %broadcast_in_dim3A_315, %iota3A : vector<16xi32>
    %broadcast_in_dim3A_317 = arith.constant true
    %broadcast_in_dim3A_318 = vector.broadcast %broadcast_in_dim3A_317 : i1 to vector<16xi1>
    %unique3A_319, %unique3A_320 = tpu.scan_count mask(%broadcast_in_dim3A_318 : vector<16xi1>) value(%get3A_310 : vector<16xi32>) : vector<16xi1>, vector<16xi32>
    tpu.vector_store_idx %arg8[%get3A_310], %add3A_316 masked %unique3A_319 : memref<1024xi32, #tpu.memory_space<vmem>>[vector<16xi32>], vector<16xi32>, vector<16xi1>
    %get3A_321 = arith.constant 0 : i32
    %get3A_322 = arith.index_cast %get3A_321 : i32 to index
    %get3A_323 = arith.constant 32 : index
    %get3A_324 = tpu.vector_load %arg6[%get3A_322, %get3A_323] {strides = array<i32>} : memref<4x128xi32, #tpu.memory_space<vmem>>, vector<16xi32>,
    %add3A_325 = arith.constant 0 : i32
    %add3A_326 = arith.addi %mul3A_2, %add3A_325 : i32
    %add3A_327 = arith.constant 32 : i32
    %add3A_328 = arith.addi %add3A_326, %add3A_327 : i32
    %broadcast_in_dim3A_329 = vector.broadcast %add3A_328 : i32 to vector<16xi32>
    %add3A_330 = arith.addi %broadcast_in_dim3A_329, %iota3A : vector<16xi32>
    %broadcast_in_dim3A_331 = arith.constant true
    %broadcast_in_dim3A_332 = vector.broadcast %broadcast_in_dim3A_331 : i1 to vector<16xi1>
    %unique3A_333, %unique3A_334 = tpu.scan_count mask(%broadcast_in_dim3A_332 : vector<16xi1>) value(%get3A_324 : vector<16xi32>) : vector<16xi1>, vector<16xi32>
    tpu.vector_store_idx %arg8[%get3A_324], %add3A_330 masked %unique3A_333 : memref<1024xi32, #tpu.memory_space<vmem>>[vector<16xi32>], vector<16xi32>, vector<16xi1>
    %get3A_335 = arith.constant 0 : i32
    %get3A_336 = arith.index_cast %get3A_335 : i32 to index
    %get3A_337 = arith.constant 48 : index
    %get3A_338 = tpu.vector_load %arg6[%get3A_336, %get3A_337] {strides = array<i32>} : memref<4x128xi32, #tpu.memory_space<vmem>>, vector<16xi32>,
    %add3A_339 = arith.constant 0 : i32
    %add3A_340 = arith.addi %mul3A_2, %add3A_339 : i32
    %add3A_341 = arith.constant 48 : i32
    %add3A_342 = arith.addi %add3A_340, %add3A_341 : i32
    %broadcast_in_dim3A_343 = vector.broadcast %add3A_342 : i32 to vector<16xi32>
    %add3A_344 = arith.addi %broadcast_in_dim3A_343, %iota3A : vector<16xi32>
    %broadcast_in_dim3A_345 = arith.constant true
    %broadcast_in_dim3A_346 = vector.broadcast %broadcast_in_dim3A_345 : i1 to vector<16xi1>
    %unique3A_347, %unique3A_348 = tpu.scan_count mask(%broadcast_in_dim3A_346 : vector<16xi1>) value(%get3A_338 : vector<16xi32>) : vector<16xi1>, vector<16xi32>
    tpu.vector_store_idx %arg8[%get3A_338], %add3A_344 masked %unique3A_347 : memref<1024xi32, #tpu.memory_space<vmem>>[vector<16xi32>], vector<16xi32>, vector<16xi1>
    %get3A_349 = arith.constant 0 : i32
    %get3A_350 = arith.index_cast %get3A_349 : i32 to index
    %get3A_351 = arith.constant 64 : index
    %get3A_352 = tpu.vector_load %arg6[%get3A_350, %get3A_351] {strides = array<i32>} : memref<4x128xi32, #tpu.memory_space<vmem>>, vector<16xi32>,
    %add3A_353 = arith.constant 0 : i32
    %add3A_354 = arith.addi %mul3A_2, %add3A_353 : i32
    %add3A_355 = arith.constant 64 : i32
    %add3A_356 = arith.addi %add3A_354, %add3A_355 : i32
    %broadcast_in_dim3A_357 = vector.broadcast %add3A_356 : i32 to vector<16xi32>
    %add3A_358 = arith.addi %broadcast_in_dim3A_357, %iota3A : vector<16xi32>
    %broadcast_in_dim3A_359 = arith.constant true
    %broadcast_in_dim3A_360 = vector.broadcast %broadcast_in_dim3A_359 : i1 to vector<16xi1>
    %unique3A_361, %unique3A_362 = tpu.scan_count mask(%broadcast_in_dim3A_360 : vector<16xi1>) value(%get3A_352 : vector<16xi32>) : vector<16xi1>, vector<16xi32>
    tpu.vector_store_idx %arg8[%get3A_352], %add3A_358 masked %unique3A_361 : memref<1024xi32, #tpu.memory_space<vmem>>[vector<16xi32>], vector<16xi32>, vector<16xi1>
    %get3A_363 = arith.constant 0 : i32
    %get3A_364 = arith.index_cast %get3A_363 : i32 to index
    %get3A_365 = arith.constant 80 : index
    %get3A_366 = tpu.vector_load %arg6[%get3A_364, %get3A_365] {strides = array<i32>} : memref<4x128xi32, #tpu.memory_space<vmem>>, vector<16xi32>,
    %add3A_367 = arith.constant 0 : i32
    %add3A_368 = arith.addi %mul3A_2, %add3A_367 : i32
    %add3A_369 = arith.constant 80 : i32
    %add3A_370 = arith.addi %add3A_368, %add3A_369 : i32
    %broadcast_in_dim3A_371 = vector.broadcast %add3A_370 : i32 to vector<16xi32>
    %add3A_372 = arith.addi %broadcast_in_dim3A_371, %iota3A : vector<16xi32>
    %broadcast_in_dim3A_373 = arith.constant true
    %broadcast_in_dim3A_374 = vector.broadcast %broadcast_in_dim3A_373 : i1 to vector<16xi1>
    %unique3A_375, %unique3A_376 = tpu.scan_count mask(%broadcast_in_dim3A_374 : vector<16xi1>) value(%get3A_366 : vector<16xi32>) : vector<16xi1>, vector<16xi32>
    tpu.vector_store_idx %arg8[%get3A_366], %add3A_372 masked %unique3A_375 : memref<1024xi32, #tpu.memory_space<vmem>>[vector<16xi32>], vector<16xi32>, vector<16xi1>
    %get3A_377 = arith.constant 0 : i32
    %get3A_378 = arith.index_cast %get3A_377 : i32 to index
    %get3A_379 = arith.constant 96 : index
    %get3A_380 = tpu.vector_load %arg6[%get3A_378, %get3A_379] {strides = array<i32>} : memref<4x128xi32, #tpu.memory_space<vmem>>, vector<16xi32>,
    %add3A_381 = arith.constant 0 : i32
    %add3A_382 = arith.addi %mul3A_2, %add3A_381 : i32
    %add3A_383 = arith.constant 96 : i32
    %add3A_384 = arith.addi %add3A_382, %add3A_383 : i32
    %broadcast_in_dim3A_385 = vector.broadcast %add3A_384 : i32 to vector<16xi32>
    %add3A_386 = arith.addi %broadcast_in_dim3A_385, %iota3A : vector<16xi32>
    %broadcast_in_dim3A_387 = arith.constant true
    %broadcast_in_dim3A_388 = vector.broadcast %broadcast_in_dim3A_387 : i1 to vector<16xi1>
    %unique3A_389, %unique3A_390 = tpu.scan_count mask(%broadcast_in_dim3A_388 : vector<16xi1>) value(%get3A_380 : vector<16xi32>) : vector<16xi1>, vector<16xi32>
    tpu.vector_store_idx %arg8[%get3A_380], %add3A_386 masked %unique3A_389 : memref<1024xi32, #tpu.memory_space<vmem>>[vector<16xi32>], vector<16xi32>, vector<16xi1>
    %get3A_391 = arith.constant 0 : i32
    %get3A_392 = arith.index_cast %get3A_391 : i32 to index
    %get3A_393 = arith.constant 112 : index
    %get3A_394 = tpu.vector_load %arg6[%get3A_392, %get3A_393] {strides = array<i32>} : memref<4x128xi32, #tpu.memory_space<vmem>>, vector<16xi32>,
    %add3A_395 = arith.constant 0 : i32
    %add3A_396 = arith.addi %mul3A_2, %add3A_395 : i32
    %add3A_397 = arith.constant 112 : i32
    %add3A_398 = arith.addi %add3A_396, %add3A_397 : i32
    %broadcast_in_dim3A_399 = vector.broadcast %add3A_398 : i32 to vector<16xi32>
    %add3A_400 = arith.addi %broadcast_in_dim3A_399, %iota3A : vector<16xi32>
    %broadcast_in_dim3A_401 = arith.constant true
    %broadcast_in_dim3A_402 = vector.broadcast %broadcast_in_dim3A_401 : i1 to vector<16xi1>
    %unique3A_403, %unique3A_404 = tpu.scan_count mask(%broadcast_in_dim3A_402 : vector<16xi1>) value(%get3A_394 : vector<16xi32>) : vector<16xi1>, vector<16xi32>
    tpu.vector_store_idx %arg8[%get3A_394], %add3A_400 masked %unique3A_403 : memref<1024xi32, #tpu.memory_space<vmem>>[vector<16xi32>], vector<16xi32>, vector<16xi1>
    %get3A_405 = arith.constant 1 : i32
    %get3A_406 = arith.index_cast %get3A_405 : i32 to index
    %get3A_407 = arith.constant 0 : index
    %get3A_408 = tpu.vector_load %arg6[%get3A_406, %get3A_407] {strides = array<i32>} : memref<4x128xi32, #tpu.memory_space<vmem>>, vector<16xi32>,
    %add3A_409 = arith.constant 128 : i32
    %add3A_410 = arith.addi %mul3A_2, %add3A_409 : i32
    %add3A_411 = arith.constant 0 : i32
    %add3A_412 = arith.addi %add3A_410, %add3A_411 : i32
    %broadcast_in_dim3A_413 = vector.broadcast %add3A_412 : i32 to vector<16xi32>
    %add3A_414 = arith.addi %broadcast_in_dim3A_413, %iota3A : vector<16xi32>
    %broadcast_in_dim3A_415 = arith.constant true
    %broadcast_in_dim3A_416 = vector.broadcast %broadcast_in_dim3A_415 : i1 to vector<16xi1>
    %unique3A_417, %unique3A_418 = tpu.scan_count mask(%broadcast_in_dim3A_416 : vector<16xi1>) value(%get3A_408 : vector<16xi32>) : vector<16xi1>, vector<16xi32>
    tpu.vector_store_idx %arg8[%get3A_408], %add3A_414 masked %unique3A_417 : memref<1024xi32, #tpu.memory_space<vmem>>[vector<16xi32>], vector<16xi32>, vector<16xi1>
    %get3A_419 = arith.constant 1 : i32
    %get3A_420 = arith.index_cast %get3A_419 : i32 to index
    %get3A_421 = arith.constant 16 : index
    %get3A_422 = tpu.vector_load %arg6[%get3A_420, %get3A_421] {strides = array<i32>} : memref<4x128xi32, #tpu.memory_space<vmem>>, vector<16xi32>,
    %add3A_423 = arith.constant 128 : i32
    %add3A_424 = arith.addi %mul3A_2, %add3A_423 : i32
    %add3A_425 = arith.constant 16 : i32
    %add3A_426 = arith.addi %add3A_424, %add3A_425 : i32
    %broadcast_in_dim3A_427 = vector.broadcast %add3A_426 : i32 to vector<16xi32>
    %add3A_428 = arith.addi %broadcast_in_dim3A_427, %iota3A : vector<16xi32>
    %broadcast_in_dim3A_429 = arith.constant true
    %broadcast_in_dim3A_430 = vector.broadcast %broadcast_in_dim3A_429 : i1 to vector<16xi1>
    %unique3A_431, %unique3A_432 = tpu.scan_count mask(%broadcast_in_dim3A_430 : vector<16xi1>) value(%get3A_422 : vector<16xi32>) : vector<16xi1>, vector<16xi32>
    tpu.vector_store_idx %arg8[%get3A_422], %add3A_428 masked %unique3A_431 : memref<1024xi32, #tpu.memory_space<vmem>>[vector<16xi32>], vector<16xi32>, vector<16xi1>
    %get3A_433 = arith.constant 1 : i32
    %get3A_434 = arith.index_cast %get3A_433 : i32 to index
    %get3A_435 = arith.constant 32 : index
    %get3A_436 = tpu.vector_load %arg6[%get3A_434, %get3A_435] {strides = array<i32>} : memref<4x128xi32, #tpu.memory_space<vmem>>, vector<16xi32>,
    %add3A_437 = arith.constant 128 : i32
    %add3A_438 = arith.addi %mul3A_2, %add3A_437 : i32
    %add3A_439 = arith.constant 32 : i32
    %add3A_440 = arith.addi %add3A_438, %add3A_439 : i32
    %broadcast_in_dim3A_441 = vector.broadcast %add3A_440 : i32 to vector<16xi32>
    %add3A_442 = arith.addi %broadcast_in_dim3A_441, %iota3A : vector<16xi32>
    %broadcast_in_dim3A_443 = arith.constant true
    %broadcast_in_dim3A_444 = vector.broadcast %broadcast_in_dim3A_443 : i1 to vector<16xi1>
    %unique3A_445, %unique3A_446 = tpu.scan_count mask(%broadcast_in_dim3A_444 : vector<16xi1>) value(%get3A_436 : vector<16xi32>) : vector<16xi1>, vector<16xi32>
    tpu.vector_store_idx %arg8[%get3A_436], %add3A_442 masked %unique3A_445 : memref<1024xi32, #tpu.memory_space<vmem>>[vector<16xi32>], vector<16xi32>, vector<16xi1>
    %get3A_447 = arith.constant 1 : i32
    %get3A_448 = arith.index_cast %get3A_447 : i32 to index
    %get3A_449 = arith.constant 48 : index
    %get3A_450 = tpu.vector_load %arg6[%get3A_448, %get3A_449] {strides = array<i32>} : memref<4x128xi32, #tpu.memory_space<vmem>>, vector<16xi32>,
    %add3A_451 = arith.constant 128 : i32
    %add3A_452 = arith.addi %mul3A_2, %add3A_451 : i32
    %add3A_453 = arith.constant 48 : i32
    %add3A_454 = arith.addi %add3A_452, %add3A_453 : i32
    %broadcast_in_dim3A_455 = vector.broadcast %add3A_454 : i32 to vector<16xi32>
    %add3A_456 = arith.addi %broadcast_in_dim3A_455, %iota3A : vector<16xi32>
    %broadcast_in_dim3A_457 = arith.constant true
    %broadcast_in_dim3A_458 = vector.broadcast %broadcast_in_dim3A_457 : i1 to vector<16xi1>
    %unique3A_459, %unique3A_460 = tpu.scan_count mask(%broadcast_in_dim3A_458 : vector<16xi1>) value(%get3A_450 : vector<16xi32>) : vector<16xi1>, vector<16xi32>
    tpu.vector_store_idx %arg8[%get3A_450], %add3A_456 masked %unique3A_459 : memref<1024xi32, #tpu.memory_space<vmem>>[vector<16xi32>], vector<16xi32>, vector<16xi1>
    %get3A_461 = arith.constant 1 : i32
    %get3A_462 = arith.index_cast %get3A_461 : i32 to index
    %get3A_463 = arith.constant 64 : index
    %get3A_464 = tpu.vector_load %arg6[%get3A_462, %get3A_463] {strides = array<i32>} : memref<4x128xi32, #tpu.memory_space<vmem>>, vector<16xi32>,
    %add3A_465 = arith.constant 128 : i32
    %add3A_466 = arith.addi %mul3A_2, %add3A_465 : i32
    %add3A_467 = arith.constant 64 : i32
    %add3A_468 = arith.addi %add3A_466, %add3A_467 : i32
    %broadcast_in_dim3A_469 = vector.broadcast %add3A_468 : i32 to vector<16xi32>
    %add3A_470 = arith.addi %broadcast_in_dim3A_469, %iota3A : vector<16xi32>
    %broadcast_in_dim3A_471 = arith.constant true
    %broadcast_in_dim3A_472 = vector.broadcast %broadcast_in_dim3A_471 : i1 to vector<16xi1>
    %unique3A_473, %unique3A_474 = tpu.scan_count mask(%broadcast_in_dim3A_472 : vector<16xi1>) value(%get3A_464 : vector<16xi32>) : vector<16xi1>, vector<16xi32>
    tpu.vector_store_idx %arg8[%get3A_464], %add3A_470 masked %unique3A_473 : memref<1024xi32, #tpu.memory_space<vmem>>[vector<16xi32>], vector<16xi32>, vector<16xi1>
    %get3A_475 = arith.constant 1 : i32
    %get3A_476 = arith.index_cast %get3A_475 : i32 to index
    %get3A_477 = arith.constant 80 : index
    %get3A_478 = tpu.vector_load %arg6[%get3A_476, %get3A_477] {strides = array<i32>} : memref<4x128xi32, #tpu.memory_space<vmem>>, vector<16xi32>,
    %add3A_479 = arith.constant 128 : i32
    %add3A_480 = arith.addi %mul3A_2, %add3A_479 : i32
    %add3A_481 = arith.constant 80 : i32
    %add3A_482 = arith.addi %add3A_480, %add3A_481 : i32
    %broadcast_in_dim3A_483 = vector.broadcast %add3A_482 : i32 to vector<16xi32>
    %add3A_484 = arith.addi %broadcast_in_dim3A_483, %iota3A : vector<16xi32>
    %broadcast_in_dim3A_485 = arith.constant true
    %broadcast_in_dim3A_486 = vector.broadcast %broadcast_in_dim3A_485 : i1 to vector<16xi1>
    %unique3A_487, %unique3A_488 = tpu.scan_count mask(%broadcast_in_dim3A_486 : vector<16xi1>) value(%get3A_478 : vector<16xi32>) : vector<16xi1>, vector<16xi32>
    tpu.vector_store_idx %arg8[%get3A_478], %add3A_484 masked %unique3A_487 : memref<1024xi32, #tpu.memory_space<vmem>>[vector<16xi32>], vector<16xi32>, vector<16xi1>
    %get3A_489 = arith.constant 1 : i32
    %get3A_490 = arith.index_cast %get3A_489 : i32 to index
    %get3A_491 = arith.constant 96 : index
    %get3A_492 = tpu.vector_load %arg6[%get3A_490, %get3A_491] {strides = array<i32>} : memref<4x128xi32, #tpu.memory_space<vmem>>, vector<16xi32>,
    %add3A_493 = arith.constant 128 : i32
    %add3A_494 = arith.addi %mul3A_2, %add3A_493 : i32
    %add3A_495 = arith.constant 96 : i32
    %add3A_496 = arith.addi %add3A_494, %add3A_495 : i32
    %broadcast_in_dim3A_497 = vector.broadcast %add3A_496 : i32 to vector<16xi32>
    %add3A_498 = arith.addi %broadcast_in_dim3A_497, %iota3A : vector<16xi32>
    %broadcast_in_dim3A_499 = arith.constant true
    %broadcast_in_dim3A_500 = vector.broadcast %broadcast_in_dim3A_499 : i1 to vector<16xi1>
    %unique3A_501, %unique3A_502 = tpu.scan_count mask(%broadcast_in_dim3A_500 : vector<16xi1>) value(%get3A_492 : vector<16xi32>) : vector<16xi1>, vector<16xi32>
    tpu.vector_store_idx %arg8[%get3A_492], %add3A_498 masked %unique3A_501 : memref<1024xi32, #tpu.memory_space<vmem>>[vector<16xi32>], vector<16xi32>, vector<16xi1>
    %get3A_503 = arith.constant 1 : i32
    %get3A_504 = arith.index_cast %get3A_503 : i32 to index
    %get3A_505 = arith.constant 112 : index
    %get3A_506 = tpu.vector_load %arg6[%get3A_504, %get3A_505] {strides = array<i32>} : memref<4x128xi32, #tpu.memory_space<vmem>>, vector<16xi32>,
    %add3A_507 = arith.constant 128 : i32
    %add3A_508 = arith.addi %mul3A_2, %add3A_507 : i32
    %add3A_509 = arith.constant 112 : i32
    %add3A_510 = arith.addi %add3A_508, %add3A_509 : i32
    %broadcast_in_dim3A_511 = vector.broadcast %add3A_510 : i32 to vector<16xi32>
    %add3A_512 = arith.addi %broadcast_in_dim3A_511, %iota3A : vector<16xi32>
    %broadcast_in_dim3A_513 = arith.constant true
    %broadcast_in_dim3A_514 = vector.broadcast %broadcast_in_dim3A_513 : i1 to vector<16xi1>
    %unique3A_515, %unique3A_516 = tpu.scan_count mask(%broadcast_in_dim3A_514 : vector<16xi1>) value(%get3A_506 : vector<16xi32>) : vector<16xi1>, vector<16xi32>
    tpu.vector_store_idx %arg8[%get3A_506], %add3A_512 masked %unique3A_515 : memref<1024xi32, #tpu.memory_space<vmem>>[vector<16xi32>], vector<16xi32>, vector<16xi1>
    %get3A_517 = arith.constant 2 : i32
    %get3A_518 = arith.index_cast %get3A_517 : i32 to index
    %get3A_519 = arith.constant 0 : index
    %get3A_520 = tpu.vector_load %arg6[%get3A_518, %get3A_519] {strides = array<i32>} : memref<4x128xi32, #tpu.memory_space<vmem>>, vector<16xi32>,
    %add3A_521 = arith.constant 256 : i32
    %add3A_522 = arith.addi %mul3A_2, %add3A_521 : i32
    %add3A_523 = arith.constant 0 : i32
    %add3A_524 = arith.addi %add3A_522, %add3A_523 : i32
    %broadcast_in_dim3A_525 = vector.broadcast %add3A_524 : i32 to vector<16xi32>
    %add3A_526 = arith.addi %broadcast_in_dim3A_525, %iota3A : vector<16xi32>
    %broadcast_in_dim3A_527 = arith.constant true
    %broadcast_in_dim3A_528 = vector.broadcast %broadcast_in_dim3A_527 : i1 to vector<16xi1>
    %unique3A_529, %unique3A_530 = tpu.scan_count mask(%broadcast_in_dim3A_528 : vector<16xi1>) value(%get3A_520 : vector<16xi32>) : vector<16xi1>, vector<16xi32>
    tpu.vector_store_idx %arg8[%get3A_520], %add3A_526 masked %unique3A_529 : memref<1024xi32, #tpu.memory_space<vmem>>[vector<16xi32>], vector<16xi32>, vector<16xi1>
    %get3A_531 = arith.constant 2 : i32
    %get3A_532 = arith.index_cast %get3A_531 : i32 to index
    %get3A_533 = arith.constant 16 : index
    %get3A_534 = tpu.vector_load %arg6[%get3A_532, %get3A_533] {strides = array<i32>} : memref<4x128xi32, #tpu.memory_space<vmem>>, vector<16xi32>,
    %add3A_535 = arith.constant 256 : i32
    %add3A_536 = arith.addi %mul3A_2, %add3A_535 : i32
    %add3A_537 = arith.constant 16 : i32
    %add3A_538 = arith.addi %add3A_536, %add3A_537 : i32
    %broadcast_in_dim3A_539 = vector.broadcast %add3A_538 : i32 to vector<16xi32>
    %add3A_540 = arith.addi %broadcast_in_dim3A_539, %iota3A : vector<16xi32>
    %broadcast_in_dim3A_541 = arith.constant true
    %broadcast_in_dim3A_542 = vector.broadcast %broadcast_in_dim3A_541 : i1 to vector<16xi1>
    %unique3A_543, %unique3A_544 = tpu.scan_count mask(%broadcast_in_dim3A_542 : vector<16xi1>) value(%get3A_534 : vector<16xi32>) : vector<16xi1>, vector<16xi32>
    tpu.vector_store_idx %arg8[%get3A_534], %add3A_540 masked %unique3A_543 : memref<1024xi32, #tpu.memory_space<vmem>>[vector<16xi32>], vector<16xi32>, vector<16xi1>
    %get3A_545 = arith.constant 2 : i32
    %get3A_546 = arith.index_cast %get3A_545 : i32 to index
    %get3A_547 = arith.constant 32 : index
    %get3A_548 = tpu.vector_load %arg6[%get3A_546, %get3A_547] {strides = array<i32>} : memref<4x128xi32, #tpu.memory_space<vmem>>, vector<16xi32>,
    %add3A_549 = arith.constant 256 : i32
    %add3A_550 = arith.addi %mul3A_2, %add3A_549 : i32
    %add3A_551 = arith.constant 32 : i32
    %add3A_552 = arith.addi %add3A_550, %add3A_551 : i32
    %broadcast_in_dim3A_553 = vector.broadcast %add3A_552 : i32 to vector<16xi32>
    %add3A_554 = arith.addi %broadcast_in_dim3A_553, %iota3A : vector<16xi32>
    %broadcast_in_dim3A_555 = arith.constant true
    %broadcast_in_dim3A_556 = vector.broadcast %broadcast_in_dim3A_555 : i1 to vector<16xi1>
    %unique3A_557, %unique3A_558 = tpu.scan_count mask(%broadcast_in_dim3A_556 : vector<16xi1>) value(%get3A_548 : vector<16xi32>) : vector<16xi1>, vector<16xi32>
    tpu.vector_store_idx %arg8[%get3A_548], %add3A_554 masked %unique3A_557 : memref<1024xi32, #tpu.memory_space<vmem>>[vector<16xi32>], vector<16xi32>, vector<16xi1>
    %get3A_559 = arith.constant 2 : i32
    %get3A_560 = arith.index_cast %get3A_559 : i32 to index
    %get3A_561 = arith.constant 48 : index
    %get3A_562 = tpu.vector_load %arg6[%get3A_560, %get3A_561] {strides = array<i32>} : memref<4x128xi32, #tpu.memory_space<vmem>>, vector<16xi32>,
    %add3A_563 = arith.constant 256 : i32
    %add3A_564 = arith.addi %mul3A_2, %add3A_563 : i32
    %add3A_565 = arith.constant 48 : i32
    %add3A_566 = arith.addi %add3A_564, %add3A_565 : i32
    %broadcast_in_dim3A_567 = vector.broadcast %add3A_566 : i32 to vector<16xi32>
    %add3A_568 = arith.addi %broadcast_in_dim3A_567, %iota3A : vector<16xi32>
    %broadcast_in_dim3A_569 = arith.constant true
    %broadcast_in_dim3A_570 = vector.broadcast %broadcast_in_dim3A_569 : i1 to vector<16xi1>
    %unique3A_571, %unique3A_572 = tpu.scan_count mask(%broadcast_in_dim3A_570 : vector<16xi1>) value(%get3A_562 : vector<16xi32>) : vector<16xi1>, vector<16xi32>
    tpu.vector_store_idx %arg8[%get3A_562], %add3A_568 masked %unique3A_571 : memref<1024xi32, #tpu.memory_space<vmem>>[vector<16xi32>], vector<16xi32>, vector<16xi1>
    %get3A_573 = arith.constant 2 : i32
    %get3A_574 = arith.index_cast %get3A_573 : i32 to index
    %get3A_575 = arith.constant 64 : index
    %get3A_576 = tpu.vector_load %arg6[%get3A_574, %get3A_575] {strides = array<i32>} : memref<4x128xi32, #tpu.memory_space<vmem>>, vector<16xi32>,
    %add3A_577 = arith.constant 256 : i32
    %add3A_578 = arith.addi %mul3A_2, %add3A_577 : i32
    %add3A_579 = arith.constant 64 : i32
    %add3A_580 = arith.addi %add3A_578, %add3A_579 : i32
    %broadcast_in_dim3A_581 = vector.broadcast %add3A_580 : i32 to vector<16xi32>
    %add3A_582 = arith.addi %broadcast_in_dim3A_581, %iota3A : vector<16xi32>
    %broadcast_in_dim3A_583 = arith.constant true
    %broadcast_in_dim3A_584 = vector.broadcast %broadcast_in_dim3A_583 : i1 to vector<16xi1>
    %unique3A_585, %unique3A_586 = tpu.scan_count mask(%broadcast_in_dim3A_584 : vector<16xi1>) value(%get3A_576 : vector<16xi32>) : vector<16xi1>, vector<16xi32>
    tpu.vector_store_idx %arg8[%get3A_576], %add3A_582 masked %unique3A_585 : memref<1024xi32, #tpu.memory_space<vmem>>[vector<16xi32>], vector<16xi32>, vector<16xi1>
    %get3A_587 = arith.constant 2 : i32
    %get3A_588 = arith.index_cast %get3A_587 : i32 to index
    %get3A_589 = arith.constant 80 : index
    %get3A_590 = tpu.vector_load %arg6[%get3A_588, %get3A_589] {strides = array<i32>} : memref<4x128xi32, #tpu.memory_space<vmem>>, vector<16xi32>,
    %add3A_591 = arith.constant 256 : i32
    %add3A_592 = arith.addi %mul3A_2, %add3A_591 : i32
    %add3A_593 = arith.constant 80 : i32
    %add3A_594 = arith.addi %add3A_592, %add3A_593 : i32
    %broadcast_in_dim3A_595 = vector.broadcast %add3A_594 : i32 to vector<16xi32>
    %add3A_596 = arith.addi %broadcast_in_dim3A_595, %iota3A : vector<16xi32>
    %broadcast_in_dim3A_597 = arith.constant true
    %broadcast_in_dim3A_598 = vector.broadcast %broadcast_in_dim3A_597 : i1 to vector<16xi1>
    %unique3A_599, %unique3A_600 = tpu.scan_count mask(%broadcast_in_dim3A_598 : vector<16xi1>) value(%get3A_590 : vector<16xi32>) : vector<16xi1>, vector<16xi32>
    tpu.vector_store_idx %arg8[%get3A_590], %add3A_596 masked %unique3A_599 : memref<1024xi32, #tpu.memory_space<vmem>>[vector<16xi32>], vector<16xi32>, vector<16xi1>
    %get3A_601 = arith.constant 2 : i32
    %get3A_602 = arith.index_cast %get3A_601 : i32 to index
    %get3A_603 = arith.constant 96 : index
    %get3A_604 = tpu.vector_load %arg6[%get3A_602, %get3A_603] {strides = array<i32>} : memref<4x128xi32, #tpu.memory_space<vmem>>, vector<16xi32>,
    %add3A_605 = arith.constant 256 : i32
    %add3A_606 = arith.addi %mul3A_2, %add3A_605 : i32
    %add3A_607 = arith.constant 96 : i32
    %add3A_608 = arith.addi %add3A_606, %add3A_607 : i32
    %broadcast_in_dim3A_609 = vector.broadcast %add3A_608 : i32 to vector<16xi32>
    %add3A_610 = arith.addi %broadcast_in_dim3A_609, %iota3A : vector<16xi32>
    %broadcast_in_dim3A_611 = arith.constant true
    %broadcast_in_dim3A_612 = vector.broadcast %broadcast_in_dim3A_611 : i1 to vector<16xi1>
    %unique3A_613, %unique3A_614 = tpu.scan_count mask(%broadcast_in_dim3A_612 : vector<16xi1>) value(%get3A_604 : vector<16xi32>) : vector<16xi1>, vector<16xi32>
    tpu.vector_store_idx %arg8[%get3A_604], %add3A_610 masked %unique3A_613 : memref<1024xi32, #tpu.memory_space<vmem>>[vector<16xi32>], vector<16xi32>, vector<16xi1>
    %get3A_615 = arith.constant 2 : i32
    %get3A_616 = arith.index_cast %get3A_615 : i32 to index
    %get3A_617 = arith.constant 112 : index
    %get3A_618 = tpu.vector_load %arg6[%get3A_616, %get3A_617] {strides = array<i32>} : memref<4x128xi32, #tpu.memory_space<vmem>>, vector<16xi32>,
    %add3A_619 = arith.constant 256 : i32
    %add3A_620 = arith.addi %mul3A_2, %add3A_619 : i32
    %add3A_621 = arith.constant 112 : i32
    %add3A_622 = arith.addi %add3A_620, %add3A_621 : i32
    %broadcast_in_dim3A_623 = vector.broadcast %add3A_622 : i32 to vector<16xi32>
    %add3A_624 = arith.addi %broadcast_in_dim3A_623, %iota3A : vector<16xi32>
    %broadcast_in_dim3A_625 = arith.constant true
    %broadcast_in_dim3A_626 = vector.broadcast %broadcast_in_dim3A_625 : i1 to vector<16xi1>
    %unique3A_627, %unique3A_628 = tpu.scan_count mask(%broadcast_in_dim3A_626 : vector<16xi1>) value(%get3A_618 : vector<16xi32>) : vector<16xi1>, vector<16xi32>
    tpu.vector_store_idx %arg8[%get3A_618], %add3A_624 masked %unique3A_627 : memref<1024xi32, #tpu.memory_space<vmem>>[vector<16xi32>], vector<16xi32>, vector<16xi1>
    %get3A_629 = arith.constant 3 : i32
    %get3A_630 = arith.index_cast %get3A_629 : i32 to index
    %get3A_631 = arith.constant 0 : index
    %get3A_632 = tpu.vector_load %arg6[%get3A_630, %get3A_631] {strides = array<i32>} : memref<4x128xi32, #tpu.memory_space<vmem>>, vector<16xi32>,
    %add3A_633 = arith.constant 384 : i32
    %add3A_634 = arith.addi %mul3A_2, %add3A_633 : i32
    %add3A_635 = arith.constant 0 : i32
    %add3A_636 = arith.addi %add3A_634, %add3A_635 : i32
    %broadcast_in_dim3A_637 = vector.broadcast %add3A_636 : i32 to vector<16xi32>
    %add3A_638 = arith.addi %broadcast_in_dim3A_637, %iota3A : vector<16xi32>
    %broadcast_in_dim3A_639 = arith.constant true
    %broadcast_in_dim3A_640 = vector.broadcast %broadcast_in_dim3A_639 : i1 to vector<16xi1>
    %unique3A_641, %unique3A_642 = tpu.scan_count mask(%broadcast_in_dim3A_640 : vector<16xi1>) value(%get3A_632 : vector<16xi32>) : vector<16xi1>, vector<16xi32>
    tpu.vector_store_idx %arg8[%get3A_632], %add3A_638 masked %unique3A_641 : memref<1024xi32, #tpu.memory_space<vmem>>[vector<16xi32>], vector<16xi32>, vector<16xi1>
    %get3A_643 = arith.constant 3 : i32
    %get3A_644 = arith.index_cast %get3A_643 : i32 to index
    %get3A_645 = arith.constant 16 : index
    %get3A_646 = tpu.vector_load %arg6[%get3A_644, %get3A_645] {strides = array<i32>} : memref<4x128xi32, #tpu.memory_space<vmem>>, vector<16xi32>,
    %add3A_647 = arith.constant 384 : i32
    %add3A_648 = arith.addi %mul3A_2, %add3A_647 : i32
    %add3A_649 = arith.constant 16 : i32
    %add3A_650 = arith.addi %add3A_648, %add3A_649 : i32
    %broadcast_in_dim3A_651 = vector.broadcast %add3A_650 : i32 to vector<16xi32>
    %add3A_652 = arith.addi %broadcast_in_dim3A_651, %iota3A : vector<16xi32>
    %broadcast_in_dim3A_653 = arith.constant true
    %broadcast_in_dim3A_654 = vector.broadcast %broadcast_in_dim3A_653 : i1 to vector<16xi1>
    %unique3A_655, %unique3A_656 = tpu.scan_count mask(%broadcast_in_dim3A_654 : vector<16xi1>) value(%get3A_646 : vector<16xi32>) : vector<16xi1>, vector<16xi32>
    tpu.vector_store_idx %arg8[%get3A_646], %add3A_652 masked %unique3A_655 : memref<1024xi32, #tpu.memory_space<vmem>>[vector<16xi32>], vector<16xi32>, vector<16xi1>
    %get3A_657 = arith.constant 3 : i32
    %get3A_658 = arith.index_cast %get3A_657 : i32 to index
    %get3A_659 = arith.constant 32 : index
    %get3A_660 = tpu.vector_load %arg6[%get3A_658, %get3A_659] {strides = array<i32>} : memref<4x128xi32, #tpu.memory_space<vmem>>, vector<16xi32>,
    %add3A_661 = arith.constant 384 : i32
    %add3A_662 = arith.addi %mul3A_2, %add3A_661 : i32
    %add3A_663 = arith.constant 32 : i32
    %add3A_664 = arith.addi %add3A_662, %add3A_663 : i32
    %broadcast_in_dim3A_665 = vector.broadcast %add3A_664 : i32 to vector<16xi32>
    %add3A_666 = arith.addi %broadcast_in_dim3A_665, %iota3A : vector<16xi32>
    %broadcast_in_dim3A_667 = arith.constant true
    %broadcast_in_dim3A_668 = vector.broadcast %broadcast_in_dim3A_667 : i1 to vector<16xi1>
    %unique3A_669, %unique3A_670 = tpu.scan_count mask(%broadcast_in_dim3A_668 : vector<16xi1>) value(%get3A_660 : vector<16xi32>) : vector<16xi1>, vector<16xi32>
    tpu.vector_store_idx %arg8[%get3A_660], %add3A_666 masked %unique3A_669 : memref<1024xi32, #tpu.memory_space<vmem>>[vector<16xi32>], vector<16xi32>, vector<16xi1>
    %get3A_671 = arith.constant 3 : i32
    %get3A_672 = arith.index_cast %get3A_671 : i32 to index
    %get3A_673 = arith.constant 48 : index
    %get3A_674 = tpu.vector_load %arg6[%get3A_672, %get3A_673] {strides = array<i32>} : memref<4x128xi32, #tpu.memory_space<vmem>>, vector<16xi32>,
    %add3A_675 = arith.constant 384 : i32
    %add3A_676 = arith.addi %mul3A_2, %add3A_675 : i32
    %add3A_677 = arith.constant 48 : i32
    %add3A_678 = arith.addi %add3A_676, %add3A_677 : i32
    %broadcast_in_dim3A_679 = vector.broadcast %add3A_678 : i32 to vector<16xi32>
    %add3A_680 = arith.addi %broadcast_in_dim3A_679, %iota3A : vector<16xi32>
    %broadcast_in_dim3A_681 = arith.constant true
    %broadcast_in_dim3A_682 = vector.broadcast %broadcast_in_dim3A_681 : i1 to vector<16xi1>
    %unique3A_683, %unique3A_684 = tpu.scan_count mask(%broadcast_in_dim3A_682 : vector<16xi1>) value(%get3A_674 : vector<16xi32>) : vector<16xi1>, vector<16xi32>
    tpu.vector_store_idx %arg8[%get3A_674], %add3A_680 masked %unique3A_683 : memref<1024xi32, #tpu.memory_space<vmem>>[vector<16xi32>], vector<16xi32>, vector<16xi1>
    %get3A_685 = arith.constant 3 : i32
    %get3A_686 = arith.index_cast %get3A_685 : i32 to index
    %get3A_687 = arith.constant 64 : index
    %get3A_688 = tpu.vector_load %arg6[%get3A_686, %get3A_687] {strides = array<i32>} : memref<4x128xi32, #tpu.memory_space<vmem>>, vector<16xi32>,
    %add3A_689 = arith.constant 384 : i32
    %add3A_690 = arith.addi %mul3A_2, %add3A_689 : i32
    %add3A_691 = arith.constant 64 : i32
    %add3A_692 = arith.addi %add3A_690, %add3A_691 : i32
    %broadcast_in_dim3A_693 = vector.broadcast %add3A_692 : i32 to vector<16xi32>
    %add3A_694 = arith.addi %broadcast_in_dim3A_693, %iota3A : vector<16xi32>
    %broadcast_in_dim3A_695 = arith.constant true
    %broadcast_in_dim3A_696 = vector.broadcast %broadcast_in_dim3A_695 : i1 to vector<16xi1>
    %unique3A_697, %unique3A_698 = tpu.scan_count mask(%broadcast_in_dim3A_696 : vector<16xi1>) value(%get3A_688 : vector<16xi32>) : vector<16xi1>, vector<16xi32>
    tpu.vector_store_idx %arg8[%get3A_688], %add3A_694 masked %unique3A_697 : memref<1024xi32, #tpu.memory_space<vmem>>[vector<16xi32>], vector<16xi32>, vector<16xi1>
    %get3A_699 = arith.constant 3 : i32
    %get3A_700 = arith.index_cast %get3A_699 : i32 to index
    %get3A_701 = arith.constant 80 : index
    %get3A_702 = tpu.vector_load %arg6[%get3A_700, %get3A_701] {strides = array<i32>} : memref<4x128xi32, #tpu.memory_space<vmem>>, vector<16xi32>,
    %add3A_703 = arith.constant 384 : i32
    %add3A_704 = arith.addi %mul3A_2, %add3A_703 : i32
    %add3A_705 = arith.constant 80 : i32
    %add3A_706 = arith.addi %add3A_704, %add3A_705 : i32
    %broadcast_in_dim3A_707 = vector.broadcast %add3A_706 : i32 to vector<16xi32>
    %add3A_708 = arith.addi %broadcast_in_dim3A_707, %iota3A : vector<16xi32>
    %broadcast_in_dim3A_709 = arith.constant true
    %broadcast_in_dim3A_710 = vector.broadcast %broadcast_in_dim3A_709 : i1 to vector<16xi1>
    %unique3A_711, %unique3A_712 = tpu.scan_count mask(%broadcast_in_dim3A_710 : vector<16xi1>) value(%get3A_702 : vector<16xi32>) : vector<16xi1>, vector<16xi32>
    tpu.vector_store_idx %arg8[%get3A_702], %add3A_708 masked %unique3A_711 : memref<1024xi32, #tpu.memory_space<vmem>>[vector<16xi32>], vector<16xi32>, vector<16xi1>
    %get3A_713 = arith.constant 3 : i32
    %get3A_714 = arith.index_cast %get3A_713 : i32 to index
    %get3A_715 = arith.constant 96 : index
    %get3A_716 = tpu.vector_load %arg6[%get3A_714, %get3A_715] {strides = array<i32>} : memref<4x128xi32, #tpu.memory_space<vmem>>, vector<16xi32>,
    %add3A_717 = arith.constant 384 : i32
    %add3A_718 = arith.addi %mul3A_2, %add3A_717 : i32
    %add3A_719 = arith.constant 96 : i32
    %add3A_720 = arith.addi %add3A_718, %add3A_719 : i32
    %broadcast_in_dim3A_721 = vector.broadcast %add3A_720 : i32 to vector<16xi32>
    %add3A_722 = arith.addi %broadcast_in_dim3A_721, %iota3A : vector<16xi32>
    %broadcast_in_dim3A_723 = arith.constant true
    %broadcast_in_dim3A_724 = vector.broadcast %broadcast_in_dim3A_723 : i1 to vector<16xi1>
    %unique3A_725, %unique3A_726 = tpu.scan_count mask(%broadcast_in_dim3A_724 : vector<16xi1>) value(%get3A_716 : vector<16xi32>) : vector<16xi1>, vector<16xi32>
    tpu.vector_store_idx %arg8[%get3A_716], %add3A_722 masked %unique3A_725 : memref<1024xi32, #tpu.memory_space<vmem>>[vector<16xi32>], vector<16xi32>, vector<16xi1>
    %get3A_727 = arith.constant 3 : i32
    %get3A_728 = arith.index_cast %get3A_727 : i32 to index
    %get3A_729 = arith.constant 112 : index
    %get3A_730 = tpu.vector_load %arg6[%get3A_728, %get3A_729] {strides = array<i32>} : memref<4x128xi32, #tpu.memory_space<vmem>>, vector<16xi32>,
    %add3A_731 = arith.constant 384 : i32
    %add3A_732 = arith.addi %mul3A_2, %add3A_731 : i32
    %add3A_733 = arith.constant 112 : i32
    %add3A_734 = arith.addi %add3A_732, %add3A_733 : i32
    %broadcast_in_dim3A_735 = vector.broadcast %add3A_734 : i32 to vector<16xi32>
    %add3A_736 = arith.addi %broadcast_in_dim3A_735, %iota3A : vector<16xi32>
    %broadcast_in_dim3A_737 = arith.constant true
    %broadcast_in_dim3A_738 = vector.broadcast %broadcast_in_dim3A_737 : i1 to vector<16xi1>
    %unique3A_739, %unique3A_740 = tpu.scan_count mask(%broadcast_in_dim3A_738 : vector<16xi1>) value(%get3A_730 : vector<16xi32>) : vector<16xi1>, vector<16xi32>
    tpu.vector_store_idx %arg8[%get3A_730], %add3A_736 masked %unique3A_739 : memref<1024xi32, #tpu.memory_space<vmem>>[vector<16xi32>], vector<16xi32>, vector<16xi1>
    "tpu.region"() ({
      %run_scoped3A = tpu.sem_alloc : memref<!tpu.dma_semaphore, #tpu.memory_space<semaphore_mem>>
      %dma_start3A_745 = arith.constant 0 : i32
      %dma_start3A_746 = tpu.memref_slice %arg5[%add3A, %dma_start3A_745] : memref<32x1024xi32, #tpu.memory_space<hbm>> -> memref<1x1024xi32, #tpu.memory_space<hbm>>
      %dma_start3A_747 = tpu.memref_squeeze %dma_start3A_746 : memref<1x1024xi32, #tpu.memory_space<hbm>> -> memref<1024xi32, #tpu.memory_space<hbm>>
      %dma_start3A_748 = arith.constant 0 : i32
      %dma_start3A_749 = tpu.memref_slice %arg5[%add3A, %dma_start3A_748] : memref<32x1024xi32, #tpu.memory_space<hbm>> -> memref<1x1024xi32, #tpu.memory_space<hbm>>
      %dma_start3A_750 = tpu.memref_squeeze %dma_start3A_749 : memref<1x1024xi32, #tpu.memory_space<hbm>> -> memref<1024xi32, #tpu.memory_space<hbm>>
      tpu.enqueue_dma source(%arg8 : memref<1024xi32, #tpu.memory_space<vmem>>) target(%dma_start3A_750 : memref<1024xi32, #tpu.memory_space<hbm>>) target_semaphore(%run_scoped3A : memref<!tpu.dma_semaphore, #tpu.memory_space<semaphore_mem>>)
      %dma_wait3A_751 = arith.constant 0 : i32
      %dma_wait3A_752 = tpu.memref_slice %arg5[%add3A, %dma_wait3A_751] : memref<32x1024xi32, #tpu.memory_space<hbm>> -> memref<1x1024xi32, #tpu.memory_space<hbm>>
      %dma_wait3A_753 = tpu.memref_squeeze %dma_wait3A_752 : memref<1x1024xi32, #tpu.memory_space<hbm>> -> memref<1024xi32, #tpu.memory_space<hbm>>
      %dma_wait3A_754 = arith.constant 0 : i32
      %dma_wait3A_755 = tpu.memref_slice %arg5[%add3A, %dma_wait3A_754] : memref<32x1024xi32, #tpu.memory_space<hbm>> -> memref<1x1024xi32, #tpu.memory_space<hbm>>
      %dma_wait3A_756 = tpu.memref_squeeze %dma_wait3A_755 : memref<1x1024xi32, #tpu.memory_space<hbm>> -> memref<1024xi32, #tpu.memory_space<hbm>>
      tpu.wait_dma2 semaphore(%run_scoped3A : memref<!tpu.dma_semaphore, #tpu.memory_space<semaphore_mem>>) src(%arg8 : memref<1024xi32, #tpu.memory_space<vmem>>) dst(%dma_wait3A_756 : memref<1024xi32, #tpu.memory_space<hbm>>)
      tpu.yield
    }) : () -> ()
    %dma_wait3A_741 = arith.constant 0 : i32
    %dma_wait3A_742 = tpu.memref_slice %arg4[%mul3A_2, %dma_wait3A_741] : memref<16384x128xf32, #tpu.memory_space<hbm>> -> memref<512x128xf32, #tpu.memory_space<hbm>>
    %dma_wait3A_743 = arith.constant 0 : i32
    %dma_wait3A_744 = tpu.memref_slice %arg4[%mul3A_2, %dma_wait3A_743] : memref<16384x128xf32, #tpu.memory_space<hbm>> -> memref<512x128xf32, #tpu.memory_space<hbm>>
    tpu.wait_dma2 semaphore(%arg11 : memref<!tpu.dma_semaphore, #tpu.memory_space<semaphore_mem>>) src(%arg7 : memref<512x128xf32, #tpu.memory_space<vmem>>) dst(%dma_wait3A_744 : memref<512x128xf32, #tpu.memory_space<hbm>>)
    return
  }
}

#map = affine_map<(d0, d1) -> (0, 0)>
module attributes {stable_mosaic.version = 14 : i64} {
  func.func @_sc_scatter(%arg0: i32, %arg1: i32, %arg2: memref<32x1024xi32, #tpu.memory_space<hbm>>, %arg3: memref<18432x128xf32, #tpu.memory_space<hbm>>, %arg4: memref<1000x128xf32, #tpu.memory_space<hbm>>, %arg5: memref<32x128xi32, #tpu.memory_space<vmem>>, %arg6: memref<128xi32, #tpu.memory_space<vmem>>, %arg7: memref<128x128xf32, #tpu.memory_space<vmem>>, %arg8: memref<!tpu.dma_semaphore, #tpu.memory_space<semaphore_mem>>) attributes {dimension_semantics = [#tpu.dimension_semantics<core_parallel>, #tpu.dimension_semantics<subcore_parallel>], iteration_bounds = array<i64: 2, 16>, scalar_prefetch = 0 : i64, scratch_operands = 4 : i64, tpu.core_type = #tpu.core_type<sc_vector_subcore>, window_params = [{transform_indices = #map}, {transform_indices = #map}, {transform_indices = #map}]} {
    %mul3A = arith.constant 2 : i32
    %mul3A_0 = arith.muli %arg1, %mul3A : i32
    %add3A = arith.addi %mul3A_0, %arg0 : i32
    %lt3A = arith.constant 8 : i32
    %lt3A_1 = arith.cmpi slt, %add3A, %lt3A : i32
    %convert_element_type3A = arith.extui %lt3A_1 : i1 to i32
    %cond3A = arith.constant 0 : i32
    %cond3A_2 = arith.cmpi ne, %convert_element_type3A, %cond3A : i32
    scf.if %cond3A_2 {
      %mul3A_3 = arith.constant 128 : i32
      %mul3A_4 = arith.muli %add3A, %mul3A_3 : i32
      "tpu.region"() ({
        %run_scoped3A = tpu.sem_alloc : memref<!tpu.dma_semaphore, #tpu.memory_space<semaphore_mem>>
        %dma_start3A_1381 = arith.constant 0 : i32
        %dma_start3A_1382 = tpu.memref_slice %arg2[%dma_start3A_1381, %mul3A_4] : memref<32x1024xi32, #tpu.memory_space<hbm>> -> memref<32x128xi32, #tpu.memory_space<hbm>>
        %dma_start3A_1383 = arith.constant 0 : i32
        %dma_start3A_1384 = tpu.memref_slice %arg2[%dma_start3A_1383, %mul3A_4] : memref<32x1024xi32, #tpu.memory_space<hbm>> -> memref<32x128xi32, #tpu.memory_space<hbm>>
        tpu.enqueue_dma source(%dma_start3A_1384 : memref<32x128xi32, #tpu.memory_space<hbm>>) target(%arg5 : memref<32x128xi32, #tpu.memory_space<vmem>>) target_semaphore(%run_scoped3A : memref<!tpu.dma_semaphore, #tpu.memory_space<semaphore_mem>>)
        %dma_wait3A_1385 = arith.constant 0 : i32
        %dma_wait3A_1386 = tpu.memref_slice %arg2[%dma_wait3A_1385, %mul3A_4] : memref<32x1024xi32, #tpu.memory_space<hbm>> -> memref<32x128xi32, #tpu.memory_space<hbm>>
        %dma_wait3A_1387 = arith.constant 0 : i32
        %dma_wait3A_1388 = tpu.memref_slice %arg2[%dma_wait3A_1387, %mul3A_4] : memref<32x1024xi32, #tpu.memory_space<hbm>> -> memref<32x128xi32, #tpu.memory_space<hbm>>
        tpu.wait_dma2 semaphore(%run_scoped3A : memref<!tpu.dma_semaphore, #tpu.memory_space<semaphore_mem>>) src(%dma_wait3A_1388 : memref<32x128xi32, #tpu.memory_space<hbm>>) dst(%arg5 : memref<32x128xi32, #tpu.memory_space<vmem>>)
        tpu.yield
      }) : () -> ()
      %iota3A = tpu.iota {dimensions = array<i32: 0>} : vector<16xi32>
      %get3A = arith.constant 0 : i32
      %get3A_5 = arith.index_cast %get3A : i32 to index
      %get3A_6 = arith.constant 0 : index
      %get3A_7 = tpu.vector_load %arg5[%get3A_5, %get3A_6] {strides = array<i32>} : memref<32x128xi32, #tpu.memory_space<vmem>>, vector<16xi32>,
      %get3A_8 = arith.constant 1 : i32
      %get3A_9 = arith.index_cast %get3A_8 : i32 to index
      %get3A_10 = arith.constant 0 : index
      %get3A_11 = tpu.vector_load %arg5[%get3A_9, %get3A_10] {strides = array<i32>} : memref<32x128xi32, #tpu.memory_space<vmem>>, vector<16xi32>,
      %max3A = arith.maxsi %get3A_7, %get3A_11 : vector<16xi32>
      %get3A_12 = arith.constant 2 : i32
      %get3A_13 = arith.index_cast %get3A_12 : i32 to index
      %get3A_14 = arith.constant 0 : index
      %get3A_15 = tpu.vector_load %arg5[%get3A_13, %get3A_14] {strides = array<i32>} : memref<32x128xi32, #tpu.memory_space<vmem>>, vector<16xi32>,
      %max3A_16 = arith.maxsi %max3A, %get3A_15 : vector<16xi32>
      %get3A_17 = arith.constant 3 : i32
      %get3A_18 = arith.index_cast %get3A_17 : i32 to index
      %get3A_19 = arith.constant 0 : index
      %get3A_20 = tpu.vector_load %arg5[%get3A_18, %get3A_19] {strides = array<i32>} : memref<32x128xi32, #tpu.memory_space<vmem>>, vector<16xi32>,
      %max3A_21 = arith.maxsi %max3A_16, %get3A_20 : vector<16xi32>
      %get3A_22 = arith.constant 4 : i32
      %get3A_23 = arith.index_cast %get3A_22 : i32 to index
      %get3A_24 = arith.constant 0 : index
      %get3A_25 = tpu.vector_load %arg5[%get3A_23, %get3A_24] {strides = array<i32>} : memref<32x128xi32, #tpu.memory_space<vmem>>, vector<16xi32>,
      %max3A_26 = arith.maxsi %max3A_21, %get3A_25 : vector<16xi32>
      %get3A_27 = arith.constant 5 : i32
      %get3A_28 = arith.index_cast %get3A_27 : i32 to index
      %get3A_29 = arith.constant 0 : index
      %get3A_30 = tpu.vector_load %arg5[%get3A_28, %get3A_29] {strides = array<i32>} : memref<32x128xi32, #tpu.memory_space<vmem>>, vector<16xi32>,
      %max3A_31 = arith.maxsi %max3A_26, %get3A_30 : vector<16xi32>
      %get3A_32 = arith.constant 6 : i32
      %get3A_33 = arith.index_cast %get3A_32 : i32 to index
      %get3A_34 = arith.constant 0 : index
      %get3A_35 = tpu.vector_load %arg5[%get3A_33, %get3A_34] {strides = array<i32>} : memref<32x128xi32, #tpu.memory_space<vmem>>, vector<16xi32>,
      %max3A_36 = arith.maxsi %max3A_31, %get3A_35 : vector<16xi32>
      %get3A_37 = arith.constant 7 : i32
      %get3A_38 = arith.index_cast %get3A_37 : i32 to index
      %get3A_39 = arith.constant 0 : index
      %get3A_40 = tpu.vector_load %arg5[%get3A_38, %get3A_39] {strides = array<i32>} : memref<32x128xi32, #tpu.memory_space<vmem>>, vector<16xi32>,
      %max3A_41 = arith.maxsi %max3A_36, %get3A_40 : vector<16xi32>
      %get3A_42 = arith.constant 8 : i32
      %get3A_43 = arith.index_cast %get3A_42 : i32 to index
      %get3A_44 = arith.constant 0 : index
      %get3A_45 = tpu.vector_load %arg5[%get3A_43, %get3A_44] {strides = array<i32>} : memref<32x128xi32, #tpu.memory_space<vmem>>, vector<16xi32>,
      %max3A_46 = arith.maxsi %max3A_41, %get3A_45 : vector<16xi32>
      %get3A_47 = arith.constant 9 : i32
      %get3A_48 = arith.index_cast %get3A_47 : i32 to index
      %get3A_49 = arith.constant 0 : index
      %get3A_50 = tpu.vector_load %arg5[%get3A_48, %get3A_49] {strides = array<i32>} : memref<32x128xi32, #tpu.memory_space<vmem>>, vector<16xi32>,
      %max3A_51 = arith.maxsi %max3A_46, %get3A_50 : vector<16xi32>
      %get3A_52 = arith.constant 10 : i32
      %get3A_53 = arith.index_cast %get3A_52 : i32 to index
      %get3A_54 = arith.constant 0 : index
      %get3A_55 = tpu.vector_load %arg5[%get3A_53, %get3A_54] {strides = array<i32>} : memref<32x128xi32, #tpu.memory_space<vmem>>, vector<16xi32>,
      %max3A_56 = arith.maxsi %max3A_51, %get3A_55 : vector<16xi32>
      %get3A_57 = arith.constant 11 : i32
      %get3A_58 = arith.index_cast %get3A_57 : i32 to index
      %get3A_59 = arith.constant 0 : index
      %get3A_60 = tpu.vector_load %arg5[%get3A_58, %get3A_59] {strides = array<i32>} : memref<32x128xi32, #tpu.memory_space<vmem>>, vector<16xi32>,
      %max3A_61 = arith.maxsi %max3A_56, %get3A_60 : vector<16xi32>
      %get3A_62 = arith.constant 12 : i32
      %get3A_63 = arith.index_cast %get3A_62 : i32 to index
      %get3A_64 = arith.constant 0 : index
      %get3A_65 = tpu.vector_load %arg5[%get3A_63, %get3A_64] {strides = array<i32>} : memref<32x128xi32, #tpu.memory_space<vmem>>, vector<16xi32>,
      %max3A_66 = arith.maxsi %max3A_61, %get3A_65 : vector<16xi32>
      %get3A_67 = arith.constant 13 : i32
      %get3A_68 = arith.index_cast %get3A_67 : i32 to index
      %get3A_69 = arith.constant 0 : index
      %get3A_70 = tpu.vector_load %arg5[%get3A_68, %get3A_69] {strides = array<i32>} : memref<32x128xi32, #tpu.memory_space<vmem>>, vector<16xi32>,
      %max3A_71 = arith.maxsi %max3A_66, %get3A_70 : vector<16xi32>
      %get3A_72 = arith.constant 14 : i32
      %get3A_73 = arith.index_cast %get3A_72 : i32 to index
      %get3A_74 = arith.constant 0 : index
      %get3A_75 = tpu.vector_load %arg5[%get3A_73, %get3A_74] {strides = array<i32>} : memref<32x128xi32, #tpu.memory_space<vmem>>, vector<16xi32>,
      %max3A_76 = arith.maxsi %max3A_71, %get3A_75 : vector<16xi32>
      %get3A_77 = arith.constant 15 : i32
      %get3A_78 = arith.index_cast %get3A_77 : i32 to index
      %get3A_79 = arith.constant 0 : index
      %get3A_80 = tpu.vector_load %arg5[%get3A_78, %get3A_79] {strides = array<i32>} : memref<32x128xi32, #tpu.memory_space<vmem>>, vector<16xi32>,
      %max3A_81 = arith.maxsi %max3A_76, %get3A_80 : vector<16xi32>
      %get3A_82 = arith.constant 16 : i32
      %get3A_83 = arith.index_cast %get3A_82 : i32 to index
      %get3A_84 = arith.constant 0 : index
      %get3A_85 = tpu.vector_load %arg5[%get3A_83, %get3A_84] {strides = array<i32>} : memref<32x128xi32, #tpu.memory_space<vmem>>, vector<16xi32>,
      %max3A_86 = arith.maxsi %max3A_81, %get3A_85 : vector<16xi32>
      %get3A_87 = arith.constant 17 : i32
      %get3A_88 = arith.index_cast %get3A_87 : i32 to index
      %get3A_89 = arith.constant 0 : index
      %get3A_90 = tpu.vector_load %arg5[%get3A_88, %get3A_89] {strides = array<i32>} : memref<32x128xi32, #tpu.memory_space<vmem>>, vector<16xi32>,
      %max3A_91 = arith.maxsi %max3A_86, %get3A_90 : vector<16xi32>
      %get3A_92 = arith.constant 18 : i32
      %get3A_93 = arith.index_cast %get3A_92 : i32 to index
      %get3A_94 = arith.constant 0 : index
      %get3A_95 = tpu.vector_load %arg5[%get3A_93, %get3A_94] {strides = array<i32>} : memref<32x128xi32, #tpu.memory_space<vmem>>, vector<16xi32>,
      %max3A_96 = arith.maxsi %max3A_91, %get3A_95 : vector<16xi32>
      %get3A_97 = arith.constant 19 : i32
      %get3A_98 = arith.index_cast %get3A_97 : i32 to index
      %get3A_99 = arith.constant 0 : index
      %get3A_100 = tpu.vector_load %arg5[%get3A_98, %get3A_99] {strides = array<i32>} : memref<32x128xi32, #tpu.memory_space<vmem>>, vector<16xi32>,
      %max3A_101 = arith.maxsi %max3A_96, %get3A_100 : vector<16xi32>
      %get3A_102 = arith.constant 20 : i32
      %get3A_103 = arith.index_cast %get3A_102 : i32 to index
      %get3A_104 = arith.constant 0 : index
      %get3A_105 = tpu.vector_load %arg5[%get3A_103, %get3A_104] {strides = array<i32>} : memref<32x128xi32, #tpu.memory_space<vmem>>, vector<16xi32>,
      %max3A_106 = arith.maxsi %max3A_101, %get3A_105 : vector<16xi32>
      %get3A_107 = arith.constant 21 : i32
      %get3A_108 = arith.index_cast %get3A_107 : i32 to index
      %get3A_109 = arith.constant 0 : index
      %get3A_110 = tpu.vector_load %arg5[%get3A_108, %get3A_109] {strides = array<i32>} : memref<32x128xi32, #tpu.memory_space<vmem>>, vector<16xi32>,
      %max3A_111 = arith.maxsi %max3A_106, %get3A_110 : vector<16xi32>
      %get3A_112 = arith.constant 22 : i32
      %get3A_113 = arith.index_cast %get3A_112 : i32 to index
      %get3A_114 = arith.constant 0 : index
      %get3A_115 = tpu.vector_load %arg5[%get3A_113, %get3A_114] {strides = array<i32>} : memref<32x128xi32, #tpu.memory_space<vmem>>, vector<16xi32>,
      %max3A_116 = arith.maxsi %max3A_111, %get3A_115 : vector<16xi32>
      %get3A_117 = arith.constant 23 : i32
      %get3A_118 = arith.index_cast %get3A_117 : i32 to index
      %get3A_119 = arith.constant 0 : index
      %get3A_120 = tpu.vector_load %arg5[%get3A_118, %get3A_119] {strides = array<i32>} : memref<32x128xi32, #tpu.memory_space<vmem>>, vector<16xi32>,
      %max3A_121 = arith.maxsi %max3A_116, %get3A_120 : vector<16xi32>
      %get3A_122 = arith.constant 24 : i32
      %get3A_123 = arith.index_cast %get3A_122 : i32 to index
      %get3A_124 = arith.constant 0 : index
      %get3A_125 = tpu.vector_load %arg5[%get3A_123, %get3A_124] {strides = array<i32>} : memref<32x128xi32, #tpu.memory_space<vmem>>, vector<16xi32>,
      %max3A_126 = arith.maxsi %max3A_121, %get3A_125 : vector<16xi32>
      %get3A_127 = arith.constant 25 : i32
      %get3A_128 = arith.index_cast %get3A_127 : i32 to index
      %get3A_129 = arith.constant 0 : index
      %get3A_130 = tpu.vector_load %arg5[%get3A_128, %get3A_129] {strides = array<i32>} : memref<32x128xi32, #tpu.memory_space<vmem>>, vector<16xi32>,
      %max3A_131 = arith.maxsi %max3A_126, %get3A_130 : vector<16xi32>
      %get3A_132 = arith.constant 26 : i32
      %get3A_133 = arith.index_cast %get3A_132 : i32 to index
      %get3A_134 = arith.constant 0 : index
      %get3A_135 = tpu.vector_load %arg5[%get3A_133, %get3A_134] {strides = array<i32>} : memref<32x128xi32, #tpu.memory_space<vmem>>, vector<16xi32>,
      %max3A_136 = arith.maxsi %max3A_131, %get3A_135 : vector<16xi32>
      %get3A_137 = arith.constant 27 : i32
      %get3A_138 = arith.index_cast %get3A_137 : i32 to index
      %get3A_139 = arith.constant 0 : index
      %get3A_140 = tpu.vector_load %arg5[%get3A_138, %get3A_139] {strides = array<i32>} : memref<32x128xi32, #tpu.memory_space<vmem>>, vector<16xi32>,
      %max3A_141 = arith.maxsi %max3A_136, %get3A_140 : vector<16xi32>
      %get3A_142 = arith.constant 28 : i32
      %get3A_143 = arith.index_cast %get3A_142 : i32 to index
      %get3A_144 = arith.constant 0 : index
      %get3A_145 = tpu.vector_load %arg5[%get3A_143, %get3A_144] {strides = array<i32>} : memref<32x128xi32, #tpu.memory_space<vmem>>, vector<16xi32>,
      %max3A_146 = arith.maxsi %max3A_141, %get3A_145 : vector<16xi32>
      %get3A_147 = arith.constant 29 : i32
      %get3A_148 = arith.index_cast %get3A_147 : i32 to index
      %get3A_149 = arith.constant 0 : index
      %get3A_150 = tpu.vector_load %arg5[%get3A_148, %get3A_149] {strides = array<i32>} : memref<32x128xi32, #tpu.memory_space<vmem>>, vector<16xi32>,
      %max3A_151 = arith.maxsi %max3A_146, %get3A_150 : vector<16xi32>
      %get3A_152 = arith.constant 30 : i32
      %get3A_153 = arith.index_cast %get3A_152 : i32 to index
      %get3A_154 = arith.constant 0 : index
      %get3A_155 = tpu.vector_load %arg5[%get3A_153, %get3A_154] {strides = array<i32>} : memref<32x128xi32, #tpu.memory_space<vmem>>, vector<16xi32>,
      %max3A_156 = arith.maxsi %max3A_151, %get3A_155 : vector<16xi32>
      %get3A_157 = arith.constant 31 : i32
      %get3A_158 = arith.index_cast %get3A_157 : i32 to index
      %get3A_159 = arith.constant 0 : index
      %get3A_160 = tpu.vector_load %arg5[%get3A_158, %get3A_159] {strides = array<i32>} : memref<32x128xi32, #tpu.memory_space<vmem>>, vector<16xi32>,
      %max3A_161 = arith.maxsi %max3A_156, %get3A_160 : vector<16xi32>
      %add3A_162 = arith.constant 16384 : i32
      %add3A_163 = arith.addi %add3A_162, %mul3A_4 : i32
      %add3A_164 = arith.constant 0 : i32
      %add3A_165 = arith.addi %add3A_163, %add3A_164 : i32
      %broadcast_in_dim3A = vector.broadcast %add3A_165 : i32 to vector<16xi32>
      %add3A_166 = arith.addi %broadcast_in_dim3A, %iota3A : vector<16xi32>
      %lt3A_167 = arith.constant 0 : i32
      %lt3A_168 = vector.broadcast %lt3A_167 : i32 to vector<16xi32>
      %lt3A_169 = arith.cmpi slt, %max3A_161, %lt3A_168 : vector<16xi32>
      %select_n3A = arith.select %lt3A_169, %add3A_166, %max3A_161 : vector<16xi1>, vector<16xi32>
      %swap3A = arith.constant 0 : index
      %swap3A_170 = tpu.vector_load %arg6[%swap3A] {strides = array<i32>} : memref<128xi32, #tpu.memory_space<vmem>>, vector<16xi32>,
      tpu.vector_store %arg6[%swap3A], %select_n3A {strides = array<i32>} : memref<128xi32, #tpu.memory_space<vmem>>, vector<16xi32>,
      %get3A_171 = arith.constant 0 : i32
      %get3A_172 = arith.index_cast %get3A_171 : i32 to index
      %get3A_173 = arith.constant 16 : index
      %get3A_174 = tpu.vector_load %arg5[%get3A_172, %get3A_173] {strides = array<i32>} : memref<32x128xi32, #tpu.memory_space<vmem>>, vector<16xi32>,
      %get3A_175 = arith.constant 1 : i32
      %get3A_176 = arith.index_cast %get3A_175 : i32 to index
      %get3A_177 = arith.constant 16 : index
      %get3A_178 = tpu.vector_load %arg5[%get3A_176, %get3A_177] {strides = array<i32>} : memref<32x128xi32, #tpu.memory_space<vmem>>, vector<16xi32>,
      %max3A_179 = arith.maxsi %get3A_174, %get3A_178 : vector<16xi32>
      %get3A_180 = arith.constant 2 : i32
      %get3A_181 = arith.index_cast %get3A_180 : i32 to index
      %get3A_182 = arith.constant 16 : index
      %get3A_183 = tpu.vector_load %arg5[%get3A_181, %get3A_182] {strides = array<i32>} : memref<32x128xi32, #tpu.memory_space<vmem>>, vector<16xi32>,
      %max3A_184 = arith.maxsi %max3A_179, %get3A_183 : vector<16xi32>
      %get3A_185 = arith.constant 3 : i32
      %get3A_186 = arith.index_cast %get3A_185 : i32 to index
      %get3A_187 = arith.constant 16 : index
      %get3A_188 = tpu.vector_load %arg5[%get3A_186, %get3A_187] {strides = array<i32>} : memref<32x128xi32, #tpu.memory_space<vmem>>, vector<16xi32>,
      %max3A_189 = arith.maxsi %max3A_184, %get3A_188 : vector<16xi32>
      %get3A_190 = arith.constant 4 : i32
      %get3A_191 = arith.index_cast %get3A_190 : i32 to index
      %get3A_192 = arith.constant 16 : index
      %get3A_193 = tpu.vector_load %arg5[%get3A_191, %get3A_192] {strides = array<i32>} : memref<32x128xi32, #tpu.memory_space<vmem>>, vector<16xi32>,
      %max3A_194 = arith.maxsi %max3A_189, %get3A_193 : vector<16xi32>
      %get3A_195 = arith.constant 5 : i32
      %get3A_196 = arith.index_cast %get3A_195 : i32 to index
      %get3A_197 = arith.constant 16 : index
      %get3A_198 = tpu.vector_load %arg5[%get3A_196, %get3A_197] {strides = array<i32>} : memref<32x128xi32, #tpu.memory_space<vmem>>, vector<16xi32>,
      %max3A_199 = arith.maxsi %max3A_194, %get3A_198 : vector<16xi32>
      %get3A_200 = arith.constant 6 : i32
      %get3A_201 = arith.index_cast %get3A_200 : i32 to index
      %get3A_202 = arith.constant 16 : index
      %get3A_203 = tpu.vector_load %arg5[%get3A_201, %get3A_202] {strides = array<i32>} : memref<32x128xi32, #tpu.memory_space<vmem>>, vector<16xi32>,
      %max3A_204 = arith.maxsi %max3A_199, %get3A_203 : vector<16xi32>
      %get3A_205 = arith.constant 7 : i32
      %get3A_206 = arith.index_cast %get3A_205 : i32 to index
      %get3A_207 = arith.constant 16 : index
      %get3A_208 = tpu.vector_load %arg5[%get3A_206, %get3A_207] {strides = array<i32>} : memref<32x128xi32, #tpu.memory_space<vmem>>, vector<16xi32>,
      %max3A_209 = arith.maxsi %max3A_204, %get3A_208 : vector<16xi32>
      %get3A_210 = arith.constant 8 : i32
      %get3A_211 = arith.index_cast %get3A_210 : i32 to index
      %get3A_212 = arith.constant 16 : index
      %get3A_213 = tpu.vector_load %arg5[%get3A_211, %get3A_212] {strides = array<i32>} : memref<32x128xi32, #tpu.memory_space<vmem>>, vector<16xi32>,
      %max3A_214 = arith.maxsi %max3A_209, %get3A_213 : vector<16xi32>
      %get3A_215 = arith.constant 9 : i32
      %get3A_216 = arith.index_cast %get3A_215 : i32 to index
      %get3A_217 = arith.constant 16 : index
      %get3A_218 = tpu.vector_load %arg5[%get3A_216, %get3A_217] {strides = array<i32>} : memref<32x128xi32, #tpu.memory_space<vmem>>, vector<16xi32>,
      %max3A_219 = arith.maxsi %max3A_214, %get3A_218 : vector<16xi32>
      %get3A_220 = arith.constant 10 : i32
      %get3A_221 = arith.index_cast %get3A_220 : i32 to index
      %get3A_222 = arith.constant 16 : index
      %get3A_223 = tpu.vector_load %arg5[%get3A_221, %get3A_222] {strides = array<i32>} : memref<32x128xi32, #tpu.memory_space<vmem>>, vector<16xi32>,
      %max3A_224 = arith.maxsi %max3A_219, %get3A_223 : vector<16xi32>
      %get3A_225 = arith.constant 11 : i32
      %get3A_226 = arith.index_cast %get3A_225 : i32 to index
      %get3A_227 = arith.constant 16 : index
      %get3A_228 = tpu.vector_load %arg5[%get3A_226, %get3A_227] {strides = array<i32>} : memref<32x128xi32, #tpu.memory_space<vmem>>, vector<16xi32>,
      %max3A_229 = arith.maxsi %max3A_224, %get3A_228 : vector<16xi32>
      %get3A_230 = arith.constant 12 : i32
      %get3A_231 = arith.index_cast %get3A_230 : i32 to index
      %get3A_232 = arith.constant 16 : index
      %get3A_233 = tpu.vector_load %arg5[%get3A_231, %get3A_232] {strides = array<i32>} : memref<32x128xi32, #tpu.memory_space<vmem>>, vector<16xi32>,
      %max3A_234 = arith.maxsi %max3A_229, %get3A_233 : vector<16xi32>
      %get3A_235 = arith.constant 13 : i32
      %get3A_236 = arith.index_cast %get3A_235 : i32 to index
      %get3A_237 = arith.constant 16 : index
      %get3A_238 = tpu.vector_load %arg5[%get3A_236, %get3A_237] {strides = array<i32>} : memref<32x128xi32, #tpu.memory_space<vmem>>, vector<16xi32>,
      %max3A_239 = arith.maxsi %max3A_234, %get3A_238 : vector<16xi32>
      %get3A_240 = arith.constant 14 : i32
      %get3A_241 = arith.index_cast %get3A_240 : i32 to index
      %get3A_242 = arith.constant 16 : index
      %get3A_243 = tpu.vector_load %arg5[%get3A_241, %get3A_242] {strides = array<i32>} : memref<32x128xi32, #tpu.memory_space<vmem>>, vector<16xi32>,
      %max3A_244 = arith.maxsi %max3A_239, %get3A_243 : vector<16xi32>
      %get3A_245 = arith.constant 15 : i32
      %get3A_246 = arith.index_cast %get3A_245 : i32 to index
      %get3A_247 = arith.constant 16 : index
      %get3A_248 = tpu.vector_load %arg5[%get3A_246, %get3A_247] {strides = array<i32>} : memref<32x128xi32, #tpu.memory_space<vmem>>, vector<16xi32>,
      %max3A_249 = arith.maxsi %max3A_244, %get3A_248 : vector<16xi32>
      %get3A_250 = arith.constant 16 : i32
      %get3A_251 = arith.index_cast %get3A_250 : i32 to index
      %get3A_252 = arith.constant 16 : index
      %get3A_253 = tpu.vector_load %arg5[%get3A_251, %get3A_252] {strides = array<i32>} : memref<32x128xi32, #tpu.memory_space<vmem>>, vector<16xi32>,
      %max3A_254 = arith.maxsi %max3A_249, %get3A_253 : vector<16xi32>
      %get3A_255 = arith.constant 17 : i32
      %get3A_256 = arith.index_cast %get3A_255 : i32 to index
      %get3A_257 = arith.constant 16 : index
      %get3A_258 = tpu.vector_load %arg5[%get3A_256, %get3A_257] {strides = array<i32>} : memref<32x128xi32, #tpu.memory_space<vmem>>, vector<16xi32>,
      %max3A_259 = arith.maxsi %max3A_254, %get3A_258 : vector<16xi32>
      %get3A_260 = arith.constant 18 : i32
      %get3A_261 = arith.index_cast %get3A_260 : i32 to index
      %get3A_262 = arith.constant 16 : index
      %get3A_263 = tpu.vector_load %arg5[%get3A_261, %get3A_262] {strides = array<i32>} : memref<32x128xi32, #tpu.memory_space<vmem>>, vector<16xi32>,
      %max3A_264 = arith.maxsi %max3A_259, %get3A_263 : vector<16xi32>
      %get3A_265 = arith.constant 19 : i32
      %get3A_266 = arith.index_cast %get3A_265 : i32 to index
      %get3A_267 = arith.constant 16 : index
      %get3A_268 = tpu.vector_load %arg5[%get3A_266, %get3A_267] {strides = array<i32>} : memref<32x128xi32, #tpu.memory_space<vmem>>, vector<16xi32>,
      %max3A_269 = arith.maxsi %max3A_264, %get3A_268 : vector<16xi32>
      %get3A_270 = arith.constant 20 : i32
      %get3A_271 = arith.index_cast %get3A_270 : i32 to index
      %get3A_272 = arith.constant 16 : index
      %get3A_273 = tpu.vector_load %arg5[%get3A_271, %get3A_272] {strides = array<i32>} : memref<32x128xi32, #tpu.memory_space<vmem>>, vector<16xi32>,
      %max3A_274 = arith.maxsi %max3A_269, %get3A_273 : vector<16xi32>
      %get3A_275 = arith.constant 21 : i32
      %get3A_276 = arith.index_cast %get3A_275 : i32 to index
      %get3A_277 = arith.constant 16 : index
      %get3A_278 = tpu.vector_load %arg5[%get3A_276, %get3A_277] {strides = array<i32>} : memref<32x128xi32, #tpu.memory_space<vmem>>, vector<16xi32>,
      %max3A_279 = arith.maxsi %max3A_274, %get3A_278 : vector<16xi32>
      %get3A_280 = arith.constant 22 : i32
      %get3A_281 = arith.index_cast %get3A_280 : i32 to index
      %get3A_282 = arith.constant 16 : index
      %get3A_283 = tpu.vector_load %arg5[%get3A_281, %get3A_282] {strides = array<i32>} : memref<32x128xi32, #tpu.memory_space<vmem>>, vector<16xi32>,
      %max3A_284 = arith.maxsi %max3A_279, %get3A_283 : vector<16xi32>
      %get3A_285 = arith.constant 23 : i32
      %get3A_286 = arith.index_cast %get3A_285 : i32 to index
      %get3A_287 = arith.constant 16 : index
      %get3A_288 = tpu.vector_load %arg5[%get3A_286, %get3A_287] {strides = array<i32>} : memref<32x128xi32, #tpu.memory_space<vmem>>, vector<16xi32>,
      %max3A_289 = arith.maxsi %max3A_284, %get3A_288 : vector<16xi32>
      %get3A_290 = arith.constant 24 : i32
      %get3A_291 = arith.index_cast %get3A_290 : i32 to index
      %get3A_292 = arith.constant 16 : index
      %get3A_293 = tpu.vector_load %arg5[%get3A_291, %get3A_292] {strides = array<i32>} : memref<32x128xi32, #tpu.memory_space<vmem>>, vector<16xi32>,
      %max3A_294 = arith.maxsi %max3A_289, %get3A_293 : vector<16xi32>
      %get3A_295 = arith.constant 25 : i32
      %get3A_296 = arith.index_cast %get3A_295 : i32 to index
      %get3A_297 = arith.constant 16 : index
      %get3A_298 = tpu.vector_load %arg5[%get3A_296, %get3A_297] {strides = array<i32>} : memref<32x128xi32, #tpu.memory_space<vmem>>, vector<16xi32>,
      %max3A_299 = arith.maxsi %max3A_294, %get3A_298 : vector<16xi32>
      %get3A_300 = arith.constant 26 : i32
      %get3A_301 = arith.index_cast %get3A_300 : i32 to index
      %get3A_302 = arith.constant 16 : index
      %get3A_303 = tpu.vector_load %arg5[%get3A_301, %get3A_302] {strides = array<i32>} : memref<32x128xi32, #tpu.memory_space<vmem>>, vector<16xi32>,
      %max3A_304 = arith.maxsi %max3A_299, %get3A_303 : vector<16xi32>
      %get3A_305 = arith.constant 27 : i32
      %get3A_306 = arith.index_cast %get3A_305 : i32 to index
      %get3A_307 = arith.constant 16 : index
      %get3A_308 = tpu.vector_load %arg5[%get3A_306, %get3A_307] {strides = array<i32>} : memref<32x128xi32, #tpu.memory_space<vmem>>, vector<16xi32>,
      %max3A_309 = arith.maxsi %max3A_304, %get3A_308 : vector<16xi32>
      %get3A_310 = arith.constant 28 : i32
      %get3A_311 = arith.index_cast %get3A_310 : i32 to index
      %get3A_312 = arith.constant 16 : index
      %get3A_313 = tpu.vector_load %arg5[%get3A_311, %get3A_312] {strides = array<i32>} : memref<32x128xi32, #tpu.memory_space<vmem>>, vector<16xi32>,
      %max3A_314 = arith.maxsi %max3A_309, %get3A_313 : vector<16xi32>
      %get3A_315 = arith.constant 29 : i32
      %get3A_316 = arith.index_cast %get3A_315 : i32 to index
      %get3A_317 = arith.constant 16 : index
      %get3A_318 = tpu.vector_load %arg5[%get3A_316, %get3A_317] {strides = array<i32>} : memref<32x128xi32, #tpu.memory_space<vmem>>, vector<16xi32>,
      %max3A_319 = arith.maxsi %max3A_314, %get3A_318 : vector<16xi32>
      %get3A_320 = arith.constant 30 : i32
      %get3A_321 = arith.index_cast %get3A_320 : i32 to index
      %get3A_322 = arith.constant 16 : index
      %get3A_323 = tpu.vector_load %arg5[%get3A_321, %get3A_322] {strides = array<i32>} : memref<32x128xi32, #tpu.memory_space<vmem>>, vector<16xi32>,
      %max3A_324 = arith.maxsi %max3A_319, %get3A_323 : vector<16xi32>
      %get3A_325 = arith.constant 31 : i32
      %get3A_326 = arith.index_cast %get3A_325 : i32 to index
      %get3A_327 = arith.constant 16 : index
      %get3A_328 = tpu.vector_load %arg5[%get3A_326, %get3A_327] {strides = array<i32>} : memref<32x128xi32, #tpu.memory_space<vmem>>, vector<16xi32>,
      %max3A_329 = arith.maxsi %max3A_324, %get3A_328 : vector<16xi32>
      %add3A_330 = arith.constant 16384 : i32
      %add3A_331 = arith.addi %add3A_330, %mul3A_4 : i32
      %add3A_332 = arith.constant 16 : i32
      %add3A_333 = arith.addi %add3A_331, %add3A_332 : i32
      %broadcast_in_dim3A_334 = vector.broadcast %add3A_333 : i32 to vector<16xi32>
      %add3A_335 = arith.addi %broadcast_in_dim3A_334, %iota3A : vector<16xi32>
      %lt3A_336 = arith.constant 0 : i32
      %lt3A_337 = vector.broadcast %lt3A_336 : i32 to vector<16xi32>
      %lt3A_338 = arith.cmpi slt, %max3A_329, %lt3A_337 : vector<16xi32>
      %select_n3A_339 = arith.select %lt3A_338, %add3A_335, %max3A_329 : vector<16xi1>, vector<16xi32>
      %swap3A_340 = arith.constant 16 : index
      %swap3A_341 = tpu.vector_load %arg6[%swap3A_340] {strides = array<i32>} : memref<128xi32, #tpu.memory_space<vmem>>, vector<16xi32>,
      tpu.vector_store %arg6[%swap3A_340], %select_n3A_339 {strides = array<i32>} : memref<128xi32, #tpu.memory_space<vmem>>, vector<16xi32>,
      %get3A_342 = arith.constant 0 : i32
      %get3A_343 = arith.index_cast %get3A_342 : i32 to index
      %get3A_344 = arith.constant 32 : index
      %get3A_345 = tpu.vector_load %arg5[%get3A_343, %get3A_344] {strides = array<i32>} : memref<32x128xi32, #tpu.memory_space<vmem>>, vector<16xi32>,
      %get3A_346 = arith.constant 1 : i32
      %get3A_347 = arith.index_cast %get3A_346 : i32 to index
      %get3A_348 = arith.constant 32 : index
      %get3A_349 = tpu.vector_load %arg5[%get3A_347, %get3A_348] {strides = array<i32>} : memref<32x128xi32, #tpu.memory_space<vmem>>, vector<16xi32>,
      %max3A_350 = arith.maxsi %get3A_345, %get3A_349 : vector<16xi32>
      %get3A_351 = arith.constant 2 : i32
      %get3A_352 = arith.index_cast %get3A_351 : i32 to index
      %get3A_353 = arith.constant 32 : index
      %get3A_354 = tpu.vector_load %arg5[%get3A_352, %get3A_353] {strides = array<i32>} : memref<32x128xi32, #tpu.memory_space<vmem>>, vector<16xi32>,
      %max3A_355 = arith.maxsi %max3A_350, %get3A_354 : vector<16xi32>
      %get3A_356 = arith.constant 3 : i32
      %get3A_357 = arith.index_cast %get3A_356 : i32 to index
      %get3A_358 = arith.constant 32 : index
      %get3A_359 = tpu.vector_load %arg5[%get3A_357, %get3A_358] {strides = array<i32>} : memref<32x128xi32, #tpu.memory_space<vmem>>, vector<16xi32>,
      %max3A_360 = arith.maxsi %max3A_355, %get3A_359 : vector<16xi32>
      %get3A_361 = arith.constant 4 : i32
      %get3A_362 = arith.index_cast %get3A_361 : i32 to index
      %get3A_363 = arith.constant 32 : index
      %get3A_364 = tpu.vector_load %arg5[%get3A_362, %get3A_363] {strides = array<i32>} : memref<32x128xi32, #tpu.memory_space<vmem>>, vector<16xi32>,
      %max3A_365 = arith.maxsi %max3A_360, %get3A_364 : vector<16xi32>
      %get3A_366 = arith.constant 5 : i32
      %get3A_367 = arith.index_cast %get3A_366 : i32 to index
      %get3A_368 = arith.constant 32 : index
      %get3A_369 = tpu.vector_load %arg5[%get3A_367, %get3A_368] {strides = array<i32>} : memref<32x128xi32, #tpu.memory_space<vmem>>, vector<16xi32>,
      %max3A_370 = arith.maxsi %max3A_365, %get3A_369 : vector<16xi32>
      %get3A_371 = arith.constant 6 : i32
      %get3A_372 = arith.index_cast %get3A_371 : i32 to index
      %get3A_373 = arith.constant 32 : index
      %get3A_374 = tpu.vector_load %arg5[%get3A_372, %get3A_373] {strides = array<i32>} : memref<32x128xi32, #tpu.memory_space<vmem>>, vector<16xi32>,
      %max3A_375 = arith.maxsi %max3A_370, %get3A_374 : vector<16xi32>
      %get3A_376 = arith.constant 7 : i32
      %get3A_377 = arith.index_cast %get3A_376 : i32 to index
      %get3A_378 = arith.constant 32 : index
      %get3A_379 = tpu.vector_load %arg5[%get3A_377, %get3A_378] {strides = array<i32>} : memref<32x128xi32, #tpu.memory_space<vmem>>, vector<16xi32>,
      %max3A_380 = arith.maxsi %max3A_375, %get3A_379 : vector<16xi32>
      %get3A_381 = arith.constant 8 : i32
      %get3A_382 = arith.index_cast %get3A_381 : i32 to index
      %get3A_383 = arith.constant 32 : index
      %get3A_384 = tpu.vector_load %arg5[%get3A_382, %get3A_383] {strides = array<i32>} : memref<32x128xi32, #tpu.memory_space<vmem>>, vector<16xi32>,
      %max3A_385 = arith.maxsi %max3A_380, %get3A_384 : vector<16xi32>
      %get3A_386 = arith.constant 9 : i32
      %get3A_387 = arith.index_cast %get3A_386 : i32 to index
      %get3A_388 = arith.constant 32 : index
      %get3A_389 = tpu.vector_load %arg5[%get3A_387, %get3A_388] {strides = array<i32>} : memref<32x128xi32, #tpu.memory_space<vmem>>, vector<16xi32>,
      %max3A_390 = arith.maxsi %max3A_385, %get3A_389 : vector<16xi32>
      %get3A_391 = arith.constant 10 : i32
      %get3A_392 = arith.index_cast %get3A_391 : i32 to index
      %get3A_393 = arith.constant 32 : index
      %get3A_394 = tpu.vector_load %arg5[%get3A_392, %get3A_393] {strides = array<i32>} : memref<32x128xi32, #tpu.memory_space<vmem>>, vector<16xi32>,
      %max3A_395 = arith.maxsi %max3A_390, %get3A_394 : vector<16xi32>
      %get3A_396 = arith.constant 11 : i32
      %get3A_397 = arith.index_cast %get3A_396 : i32 to index
      %get3A_398 = arith.constant 32 : index
      %get3A_399 = tpu.vector_load %arg5[%get3A_397, %get3A_398] {strides = array<i32>} : memref<32x128xi32, #tpu.memory_space<vmem>>, vector<16xi32>,
      %max3A_400 = arith.maxsi %max3A_395, %get3A_399 : vector<16xi32>
      %get3A_401 = arith.constant 12 : i32
      %get3A_402 = arith.index_cast %get3A_401 : i32 to index
      %get3A_403 = arith.constant 32 : index
      %get3A_404 = tpu.vector_load %arg5[%get3A_402, %get3A_403] {strides = array<i32>} : memref<32x128xi32, #tpu.memory_space<vmem>>, vector<16xi32>,
      %max3A_405 = arith.maxsi %max3A_400, %get3A_404 : vector<16xi32>
      %get3A_406 = arith.constant 13 : i32
      %get3A_407 = arith.index_cast %get3A_406 : i32 to index
      %get3A_408 = arith.constant 32 : index
      %get3A_409 = tpu.vector_load %arg5[%get3A_407, %get3A_408] {strides = array<i32>} : memref<32x128xi32, #tpu.memory_space<vmem>>, vector<16xi32>,
      %max3A_410 = arith.maxsi %max3A_405, %get3A_409 : vector<16xi32>
      %get3A_411 = arith.constant 14 : i32
      %get3A_412 = arith.index_cast %get3A_411 : i32 to index
      %get3A_413 = arith.constant 32 : index
      %get3A_414 = tpu.vector_load %arg5[%get3A_412, %get3A_413] {strides = array<i32>} : memref<32x128xi32, #tpu.memory_space<vmem>>, vector<16xi32>,
      %max3A_415 = arith.maxsi %max3A_410, %get3A_414 : vector<16xi32>
      %get3A_416 = arith.constant 15 : i32
      %get3A_417 = arith.index_cast %get3A_416 : i32 to index
      %get3A_418 = arith.constant 32 : index
      %get3A_419 = tpu.vector_load %arg5[%get3A_417, %get3A_418] {strides = array<i32>} : memref<32x128xi32, #tpu.memory_space<vmem>>, vector<16xi32>,
      %max3A_420 = arith.maxsi %max3A_415, %get3A_419 : vector<16xi32>
      %get3A_421 = arith.constant 16 : i32
      %get3A_422 = arith.index_cast %get3A_421 : i32 to index
      %get3A_423 = arith.constant 32 : index
      %get3A_424 = tpu.vector_load %arg5[%get3A_422, %get3A_423] {strides = array<i32>} : memref<32x128xi32, #tpu.memory_space<vmem>>, vector<16xi32>,
      %max3A_425 = arith.maxsi %max3A_420, %get3A_424 : vector<16xi32>
      %get3A_426 = arith.constant 17 : i32
      %get3A_427 = arith.index_cast %get3A_426 : i32 to index
      %get3A_428 = arith.constant 32 : index
      %get3A_429 = tpu.vector_load %arg5[%get3A_427, %get3A_428] {strides = array<i32>} : memref<32x128xi32, #tpu.memory_space<vmem>>, vector<16xi32>,
      %max3A_430 = arith.maxsi %max3A_425, %get3A_429 : vector<16xi32>
      %get3A_431 = arith.constant 18 : i32
      %get3A_432 = arith.index_cast %get3A_431 : i32 to index
      %get3A_433 = arith.constant 32 : index
      %get3A_434 = tpu.vector_load %arg5[%get3A_432, %get3A_433] {strides = array<i32>} : memref<32x128xi32, #tpu.memory_space<vmem>>, vector<16xi32>,
      %max3A_435 = arith.maxsi %max3A_430, %get3A_434 : vector<16xi32>
      %get3A_436 = arith.constant 19 : i32
      %get3A_437 = arith.index_cast %get3A_436 : i32 to index
      %get3A_438 = arith.constant 32 : index
      %get3A_439 = tpu.vector_load %arg5[%get3A_437, %get3A_438] {strides = array<i32>} : memref<32x128xi32, #tpu.memory_space<vmem>>, vector<16xi32>,
      %max3A_440 = arith.maxsi %max3A_435, %get3A_439 : vector<16xi32>
      %get3A_441 = arith.constant 20 : i32
      %get3A_442 = arith.index_cast %get3A_441 : i32 to index
      %get3A_443 = arith.constant 32 : index
      %get3A_444 = tpu.vector_load %arg5[%get3A_442, %get3A_443] {strides = array<i32>} : memref<32x128xi32, #tpu.memory_space<vmem>>, vector<16xi32>,
      %max3A_445 = arith.maxsi %max3A_440, %get3A_444 : vector<16xi32>
      %get3A_446 = arith.constant 21 : i32
      %get3A_447 = arith.index_cast %get3A_446 : i32 to index
      %get3A_448 = arith.constant 32 : index
      %get3A_449 = tpu.vector_load %arg5[%get3A_447, %get3A_448] {strides = array<i32>} : memref<32x128xi32, #tpu.memory_space<vmem>>, vector<16xi32>,
      %max3A_450 = arith.maxsi %max3A_445, %get3A_449 : vector<16xi32>
      %get3A_451 = arith.constant 22 : i32
      %get3A_452 = arith.index_cast %get3A_451 : i32 to index
      %get3A_453 = arith.constant 32 : index
      %get3A_454 = tpu.vector_load %arg5[%get3A_452, %get3A_453] {strides = array<i32>} : memref<32x128xi32, #tpu.memory_space<vmem>>, vector<16xi32>,
      %max3A_455 = arith.maxsi %max3A_450, %get3A_454 : vector<16xi32>
      %get3A_456 = arith.constant 23 : i32
      %get3A_457 = arith.index_cast %get3A_456 : i32 to index
      %get3A_458 = arith.constant 32 : index
      %get3A_459 = tpu.vector_load %arg5[%get3A_457, %get3A_458] {strides = array<i32>} : memref<32x128xi32, #tpu.memory_space<vmem>>, vector<16xi32>,
      %max3A_460 = arith.maxsi %max3A_455, %get3A_459 : vector<16xi32>
      %get3A_461 = arith.constant 24 : i32
      %get3A_462 = arith.index_cast %get3A_461 : i32 to index
      %get3A_463 = arith.constant 32 : index
      %get3A_464 = tpu.vector_load %arg5[%get3A_462, %get3A_463] {strides = array<i32>} : memref<32x128xi32, #tpu.memory_space<vmem>>, vector<16xi32>,
      %max3A_465 = arith.maxsi %max3A_460, %get3A_464 : vector<16xi32>
      %get3A_466 = arith.constant 25 : i32
      %get3A_467 = arith.index_cast %get3A_466 : i32 to index
      %get3A_468 = arith.constant 32 : index
      %get3A_469 = tpu.vector_load %arg5[%get3A_467, %get3A_468] {strides = array<i32>} : memref<32x128xi32, #tpu.memory_space<vmem>>, vector<16xi32>,
      %max3A_470 = arith.maxsi %max3A_465, %get3A_469 : vector<16xi32>
      %get3A_471 = arith.constant 26 : i32
      %get3A_472 = arith.index_cast %get3A_471 : i32 to index
      %get3A_473 = arith.constant 32 : index
      %get3A_474 = tpu.vector_load %arg5[%get3A_472, %get3A_473] {strides = array<i32>} : memref<32x128xi32, #tpu.memory_space<vmem>>, vector<16xi32>,
      %max3A_475 = arith.maxsi %max3A_470, %get3A_474 : vector<16xi32>
      %get3A_476 = arith.constant 27 : i32
      %get3A_477 = arith.index_cast %get3A_476 : i32 to index
      %get3A_478 = arith.constant 32 : index
      %get3A_479 = tpu.vector_load %arg5[%get3A_477, %get3A_478] {strides = array<i32>} : memref<32x128xi32, #tpu.memory_space<vmem>>, vector<16xi32>,
      %max3A_480 = arith.maxsi %max3A_475, %get3A_479 : vector<16xi32>
      %get3A_481 = arith.constant 28 : i32
      %get3A_482 = arith.index_cast %get3A_481 : i32 to index
      %get3A_483 = arith.constant 32 : index
      %get3A_484 = tpu.vector_load %arg5[%get3A_482, %get3A_483] {strides = array<i32>} : memref<32x128xi32, #tpu.memory_space<vmem>>, vector<16xi32>,
      %max3A_485 = arith.maxsi %max3A_480, %get3A_484 : vector<16xi32>
      %get3A_486 = arith.constant 29 : i32
      %get3A_487 = arith.index_cast %get3A_486 : i32 to index
      %get3A_488 = arith.constant 32 : index
      %get3A_489 = tpu.vector_load %arg5[%get3A_487, %get3A_488] {strides = array<i32>} : memref<32x128xi32, #tpu.memory_space<vmem>>, vector<16xi32>,
      %max3A_490 = arith.maxsi %max3A_485, %get3A_489 : vector<16xi32>
      %get3A_491 = arith.constant 30 : i32
      %get3A_492 = arith.index_cast %get3A_491 : i32 to index
      %get3A_493 = arith.constant 32 : index
      %get3A_494 = tpu.vector_load %arg5[%get3A_492, %get3A_493] {strides = array<i32>} : memref<32x128xi32, #tpu.memory_space<vmem>>, vector<16xi32>,
      %max3A_495 = arith.maxsi %max3A_490, %get3A_494 : vector<16xi32>
      %get3A_496 = arith.constant 31 : i32
      %get3A_497 = arith.index_cast %get3A_496 : i32 to index
      %get3A_498 = arith.constant 32 : index
      %get3A_499 = tpu.vector_load %arg5[%get3A_497, %get3A_498] {strides = array<i32>} : memref<32x128xi32, #tpu.memory_space<vmem>>, vector<16xi32>,
      %max3A_500 = arith.maxsi %max3A_495, %get3A_499 : vector<16xi32>
      %add3A_501 = arith.constant 16384 : i32
      %add3A_502 = arith.addi %add3A_501, %mul3A_4 : i32
      %add3A_503 = arith.constant 32 : i32
      %add3A_504 = arith.addi %add3A_502, %add3A_503 : i32
      %broadcast_in_dim3A_505 = vector.broadcast %add3A_504 : i32 to vector<16xi32>
      %add3A_506 = arith.addi %broadcast_in_dim3A_505, %iota3A : vector<16xi32>
      %lt3A_507 = arith.constant 0 : i32
      %lt3A_508 = vector.broadcast %lt3A_507 : i32 to vector<16xi32>
      %lt3A_509 = arith.cmpi slt, %max3A_500, %lt3A_508 : vector<16xi32>
      %select_n3A_510 = arith.select %lt3A_509, %add3A_506, %max3A_500 : vector<16xi1>, vector<16xi32>
      %swap3A_511 = arith.constant 32 : index
      %swap3A_512 = tpu.vector_load %arg6[%swap3A_511] {strides = array<i32>} : memref<128xi32, #tpu.memory_space<vmem>>, vector<16xi32>,
      tpu.vector_store %arg6[%swap3A_511], %select_n3A_510 {strides = array<i32>} : memref<128xi32, #tpu.memory_space<vmem>>, vector<16xi32>,
      %get3A_513 = arith.constant 0 : i32
      %get3A_514 = arith.index_cast %get3A_513 : i32 to index
      %get3A_515 = arith.constant 48 : index
      %get3A_516 = tpu.vector_load %arg5[%get3A_514, %get3A_515] {strides = array<i32>} : memref<32x128xi32, #tpu.memory_space<vmem>>, vector<16xi32>,
      %get3A_517 = arith.constant 1 : i32
      %get3A_518 = arith.index_cast %get3A_517 : i32 to index
      %get3A_519 = arith.constant 48 : index
      %get3A_520 = tpu.vector_load %arg5[%get3A_518, %get3A_519] {strides = array<i32>} : memref<32x128xi32, #tpu.memory_space<vmem>>, vector<16xi32>,
      %max3A_521 = arith.maxsi %get3A_516, %get3A_520 : vector<16xi32>
      %get3A_522 = arith.constant 2 : i32
      %get3A_523 = arith.index_cast %get3A_522 : i32 to index
      %get3A_524 = arith.constant 48 : index
      %get3A_525 = tpu.vector_load %arg5[%get3A_523, %get3A_524] {strides = array<i32>} : memref<32x128xi32, #tpu.memory_space<vmem>>, vector<16xi32>,
      %max3A_526 = arith.maxsi %max3A_521, %get3A_525 : vector<16xi32>
      %get3A_527 = arith.constant 3 : i32
      %get3A_528 = arith.index_cast %get3A_527 : i32 to index
      %get3A_529 = arith.constant 48 : index
      %get3A_530 = tpu.vector_load %arg5[%get3A_528, %get3A_529] {strides = array<i32>} : memref<32x128xi32, #tpu.memory_space<vmem>>, vector<16xi32>,
      %max3A_531 = arith.maxsi %max3A_526, %get3A_530 : vector<16xi32>
      %get3A_532 = arith.constant 4 : i32
      %get3A_533 = arith.index_cast %get3A_532 : i32 to index
      %get3A_534 = arith.constant 48 : index
      %get3A_535 = tpu.vector_load %arg5[%get3A_533, %get3A_534] {strides = array<i32>} : memref<32x128xi32, #tpu.memory_space<vmem>>, vector<16xi32>,
      %max3A_536 = arith.maxsi %max3A_531, %get3A_535 : vector<16xi32>
      %get3A_537 = arith.constant 5 : i32
      %get3A_538 = arith.index_cast %get3A_537 : i32 to index
      %get3A_539 = arith.constant 48 : index
      %get3A_540 = tpu.vector_load %arg5[%get3A_538, %get3A_539] {strides = array<i32>} : memref<32x128xi32, #tpu.memory_space<vmem>>, vector<16xi32>,
      %max3A_541 = arith.maxsi %max3A_536, %get3A_540 : vector<16xi32>
      %get3A_542 = arith.constant 6 : i32
      %get3A_543 = arith.index_cast %get3A_542 : i32 to index
      %get3A_544 = arith.constant 48 : index
      %get3A_545 = tpu.vector_load %arg5[%get3A_543, %get3A_544] {strides = array<i32>} : memref<32x128xi32, #tpu.memory_space<vmem>>, vector<16xi32>,
      %max3A_546 = arith.maxsi %max3A_541, %get3A_545 : vector<16xi32>
      %get3A_547 = arith.constant 7 : i32
      %get3A_548 = arith.index_cast %get3A_547 : i32 to index
      %get3A_549 = arith.constant 48 : index
      %get3A_550 = tpu.vector_load %arg5[%get3A_548, %get3A_549] {strides = array<i32>} : memref<32x128xi32, #tpu.memory_space<vmem>>, vector<16xi32>,
      %max3A_551 = arith.maxsi %max3A_546, %get3A_550 : vector<16xi32>
      %get3A_552 = arith.constant 8 : i32
      %get3A_553 = arith.index_cast %get3A_552 : i32 to index
      %get3A_554 = arith.constant 48 : index
      %get3A_555 = tpu.vector_load %arg5[%get3A_553, %get3A_554] {strides = array<i32>} : memref<32x128xi32, #tpu.memory_space<vmem>>, vector<16xi32>,
      %max3A_556 = arith.maxsi %max3A_551, %get3A_555 : vector<16xi32>
      %get3A_557 = arith.constant 9 : i32
      %get3A_558 = arith.index_cast %get3A_557 : i32 to index
      %get3A_559 = arith.constant 48 : index
      %get3A_560 = tpu.vector_load %arg5[%get3A_558, %get3A_559] {strides = array<i32>} : memref<32x128xi32, #tpu.memory_space<vmem>>, vector<16xi32>,
      %max3A_561 = arith.maxsi %max3A_556, %get3A_560 : vector<16xi32>
      %get3A_562 = arith.constant 10 : i32
      %get3A_563 = arith.index_cast %get3A_562 : i32 to index
      %get3A_564 = arith.constant 48 : index
      %get3A_565 = tpu.vector_load %arg5[%get3A_563, %get3A_564] {strides = array<i32>} : memref<32x128xi32, #tpu.memory_space<vmem>>, vector<16xi32>,
      %max3A_566 = arith.maxsi %max3A_561, %get3A_565 : vector<16xi32>
      %get3A_567 = arith.constant 11 : i32
      %get3A_568 = arith.index_cast %get3A_567 : i32 to index
      %get3A_569 = arith.constant 48 : index
      %get3A_570 = tpu.vector_load %arg5[%get3A_568, %get3A_569] {strides = array<i32>} : memref<32x128xi32, #tpu.memory_space<vmem>>, vector<16xi32>,
      %max3A_571 = arith.maxsi %max3A_566, %get3A_570 : vector<16xi32>
      %get3A_572 = arith.constant 12 : i32
      %get3A_573 = arith.index_cast %get3A_572 : i32 to index
      %get3A_574 = arith.constant 48 : index
      %get3A_575 = tpu.vector_load %arg5[%get3A_573, %get3A_574] {strides = array<i32>} : memref<32x128xi32, #tpu.memory_space<vmem>>, vector<16xi32>,
      %max3A_576 = arith.maxsi %max3A_571, %get3A_575 : vector<16xi32>
      %get3A_577 = arith.constant 13 : i32
      %get3A_578 = arith.index_cast %get3A_577 : i32 to index
      %get3A_579 = arith.constant 48 : index
      %get3A_580 = tpu.vector_load %arg5[%get3A_578, %get3A_579] {strides = array<i32>} : memref<32x128xi32, #tpu.memory_space<vmem>>, vector<16xi32>,
      %max3A_581 = arith.maxsi %max3A_576, %get3A_580 : vector<16xi32>
      %get3A_582 = arith.constant 14 : i32
      %get3A_583 = arith.index_cast %get3A_582 : i32 to index
      %get3A_584 = arith.constant 48 : index
      %get3A_585 = tpu.vector_load %arg5[%get3A_583, %get3A_584] {strides = array<i32>} : memref<32x128xi32, #tpu.memory_space<vmem>>, vector<16xi32>,
      %max3A_586 = arith.maxsi %max3A_581, %get3A_585 : vector<16xi32>
      %get3A_587 = arith.constant 15 : i32
      %get3A_588 = arith.index_cast %get3A_587 : i32 to index
      %get3A_589 = arith.constant 48 : index
      %get3A_590 = tpu.vector_load %arg5[%get3A_588, %get3A_589] {strides = array<i32>} : memref<32x128xi32, #tpu.memory_space<vmem>>, vector<16xi32>,
      %max3A_591 = arith.maxsi %max3A_586, %get3A_590 : vector<16xi32>
      %get3A_592 = arith.constant 16 : i32
      %get3A_593 = arith.index_cast %get3A_592 : i32 to index
      %get3A_594 = arith.constant 48 : index
      %get3A_595 = tpu.vector_load %arg5[%get3A_593, %get3A_594] {strides = array<i32>} : memref<32x128xi32, #tpu.memory_space<vmem>>, vector<16xi32>,
      %max3A_596 = arith.maxsi %max3A_591, %get3A_595 : vector<16xi32>
      %get3A_597 = arith.constant 17 : i32
      %get3A_598 = arith.index_cast %get3A_597 : i32 to index
      %get3A_599 = arith.constant 48 : index
      %get3A_600 = tpu.vector_load %arg5[%get3A_598, %get3A_599] {strides = array<i32>} : memref<32x128xi32, #tpu.memory_space<vmem>>, vector<16xi32>,
      %max3A_601 = arith.maxsi %max3A_596, %get3A_600 : vector<16xi32>
      %get3A_602 = arith.constant 18 : i32
      %get3A_603 = arith.index_cast %get3A_602 : i32 to index
      %get3A_604 = arith.constant 48 : index
      %get3A_605 = tpu.vector_load %arg5[%get3A_603, %get3A_604] {strides = array<i32>} : memref<32x128xi32, #tpu.memory_space<vmem>>, vector<16xi32>,
      %max3A_606 = arith.maxsi %max3A_601, %get3A_605 : vector<16xi32>
      %get3A_607 = arith.constant 19 : i32
      %get3A_608 = arith.index_cast %get3A_607 : i32 to index
      %get3A_609 = arith.constant 48 : index
      %get3A_610 = tpu.vector_load %arg5[%get3A_608, %get3A_609] {strides = array<i32>} : memref<32x128xi32, #tpu.memory_space<vmem>>, vector<16xi32>,
      %max3A_611 = arith.maxsi %max3A_606, %get3A_610 : vector<16xi32>
      %get3A_612 = arith.constant 20 : i32
      %get3A_613 = arith.index_cast %get3A_612 : i32 to index
      %get3A_614 = arith.constant 48 : index
      %get3A_615 = tpu.vector_load %arg5[%get3A_613, %get3A_614] {strides = array<i32>} : memref<32x128xi32, #tpu.memory_space<vmem>>, vector<16xi32>,
      %max3A_616 = arith.maxsi %max3A_611, %get3A_615 : vector<16xi32>
      %get3A_617 = arith.constant 21 : i32
      %get3A_618 = arith.index_cast %get3A_617 : i32 to index
      %get3A_619 = arith.constant 48 : index
      %get3A_620 = tpu.vector_load %arg5[%get3A_618, %get3A_619] {strides = array<i32>} : memref<32x128xi32, #tpu.memory_space<vmem>>, vector<16xi32>,
      %max3A_621 = arith.maxsi %max3A_616, %get3A_620 : vector<16xi32>
      %get3A_622 = arith.constant 22 : i32
      %get3A_623 = arith.index_cast %get3A_622 : i32 to index
      %get3A_624 = arith.constant 48 : index
      %get3A_625 = tpu.vector_load %arg5[%get3A_623, %get3A_624] {strides = array<i32>} : memref<32x128xi32, #tpu.memory_space<vmem>>, vector<16xi32>,
      %max3A_626 = arith.maxsi %max3A_621, %get3A_625 : vector<16xi32>
      %get3A_627 = arith.constant 23 : i32
      %get3A_628 = arith.index_cast %get3A_627 : i32 to index
      %get3A_629 = arith.constant 48 : index
      %get3A_630 = tpu.vector_load %arg5[%get3A_628, %get3A_629] {strides = array<i32>} : memref<32x128xi32, #tpu.memory_space<vmem>>, vector<16xi32>,
      %max3A_631 = arith.maxsi %max3A_626, %get3A_630 : vector<16xi32>
      %get3A_632 = arith.constant 24 : i32
      %get3A_633 = arith.index_cast %get3A_632 : i32 to index
      %get3A_634 = arith.constant 48 : index
      %get3A_635 = tpu.vector_load %arg5[%get3A_633, %get3A_634] {strides = array<i32>} : memref<32x128xi32, #tpu.memory_space<vmem>>, vector<16xi32>,
      %max3A_636 = arith.maxsi %max3A_631, %get3A_635 : vector<16xi32>
      %get3A_637 = arith.constant 25 : i32
      %get3A_638 = arith.index_cast %get3A_637 : i32 to index
      %get3A_639 = arith.constant 48 : index
      %get3A_640 = tpu.vector_load %arg5[%get3A_638, %get3A_639] {strides = array<i32>} : memref<32x128xi32, #tpu.memory_space<vmem>>, vector<16xi32>,
      %max3A_641 = arith.maxsi %max3A_636, %get3A_640 : vector<16xi32>
      %get3A_642 = arith.constant 26 : i32
      %get3A_643 = arith.index_cast %get3A_642 : i32 to index
      %get3A_644 = arith.constant 48 : index
      %get3A_645 = tpu.vector_load %arg5[%get3A_643, %get3A_644] {strides = array<i32>} : memref<32x128xi32, #tpu.memory_space<vmem>>, vector<16xi32>,
      %max3A_646 = arith.maxsi %max3A_641, %get3A_645 : vector<16xi32>
      %get3A_647 = arith.constant 27 : i32
      %get3A_648 = arith.index_cast %get3A_647 : i32 to index
      %get3A_649 = arith.constant 48 : index
      %get3A_650 = tpu.vector_load %arg5[%get3A_648, %get3A_649] {strides = array<i32>} : memref<32x128xi32, #tpu.memory_space<vmem>>, vector<16xi32>,
      %max3A_651 = arith.maxsi %max3A_646, %get3A_650 : vector<16xi32>
      %get3A_652 = arith.constant 28 : i32
      %get3A_653 = arith.index_cast %get3A_652 : i32 to index
      %get3A_654 = arith.constant 48 : index
      %get3A_655 = tpu.vector_load %arg5[%get3A_653, %get3A_654] {strides = array<i32>} : memref<32x128xi32, #tpu.memory_space<vmem>>, vector<16xi32>,
      %max3A_656 = arith.maxsi %max3A_651, %get3A_655 : vector<16xi32>
      %get3A_657 = arith.constant 29 : i32
      %get3A_658 = arith.index_cast %get3A_657 : i32 to index
      %get3A_659 = arith.constant 48 : index
      %get3A_660 = tpu.vector_load %arg5[%get3A_658, %get3A_659] {strides = array<i32>} : memref<32x128xi32, #tpu.memory_space<vmem>>, vector<16xi32>,
      %max3A_661 = arith.maxsi %max3A_656, %get3A_660 : vector<16xi32>
      %get3A_662 = arith.constant 30 : i32
      %get3A_663 = arith.index_cast %get3A_662 : i32 to index
      %get3A_664 = arith.constant 48 : index
      %get3A_665 = tpu.vector_load %arg5[%get3A_663, %get3A_664] {strides = array<i32>} : memref<32x128xi32, #tpu.memory_space<vmem>>, vector<16xi32>,
      %max3A_666 = arith.maxsi %max3A_661, %get3A_665 : vector<16xi32>
      %get3A_667 = arith.constant 31 : i32
      %get3A_668 = arith.index_cast %get3A_667 : i32 to index
      %get3A_669 = arith.constant 48 : index
      %get3A_670 = tpu.vector_load %arg5[%get3A_668, %get3A_669] {strides = array<i32>} : memref<32x128xi32, #tpu.memory_space<vmem>>, vector<16xi32>,
      %max3A_671 = arith.maxsi %max3A_666, %get3A_670 : vector<16xi32>
      %add3A_672 = arith.constant 16384 : i32
      %add3A_673 = arith.addi %add3A_672, %mul3A_4 : i32
      %add3A_674 = arith.constant 48 : i32
      %add3A_675 = arith.addi %add3A_673, %add3A_674 : i32
      %broadcast_in_dim3A_676 = vector.broadcast %add3A_675 : i32 to vector<16xi32>
      %add3A_677 = arith.addi %broadcast_in_dim3A_676, %iota3A : vector<16xi32>
      %lt3A_678 = arith.constant 0 : i32
      %lt3A_679 = vector.broadcast %lt3A_678 : i32 to vector<16xi32>
      %lt3A_680 = arith.cmpi slt, %max3A_671, %lt3A_679 : vector<16xi32>
      %select_n3A_681 = arith.select %lt3A_680, %add3A_677, %max3A_671 : vector<16xi1>, vector<16xi32>
      %swap3A_682 = arith.constant 48 : index
      %swap3A_683 = tpu.vector_load %arg6[%swap3A_682] {strides = array<i32>} : memref<128xi32, #tpu.memory_space<vmem>>, vector<16xi32>,
      tpu.vector_store %arg6[%swap3A_682], %select_n3A_681 {strides = array<i32>} : memref<128xi32, #tpu.memory_space<vmem>>, vector<16xi32>,
      %get3A_684 = arith.constant 0 : i32
      %get3A_685 = arith.index_cast %get3A_684 : i32 to index
      %get3A_686 = arith.constant 64 : index
      %get3A_687 = tpu.vector_load %arg5[%get3A_685, %get3A_686] {strides = array<i32>} : memref<32x128xi32, #tpu.memory_space<vmem>>, vector<16xi32>,
      %get3A_688 = arith.constant 1 : i32
      %get3A_689 = arith.index_cast %get3A_688 : i32 to index
      %get3A_690 = arith.constant 64 : index
      %get3A_691 = tpu.vector_load %arg5[%get3A_689, %get3A_690] {strides = array<i32>} : memref<32x128xi32, #tpu.memory_space<vmem>>, vector<16xi32>,
      %max3A_692 = arith.maxsi %get3A_687, %get3A_691 : vector<16xi32>
      %get3A_693 = arith.constant 2 : i32
      %get3A_694 = arith.index_cast %get3A_693 : i32 to index
      %get3A_695 = arith.constant 64 : index
      %get3A_696 = tpu.vector_load %arg5[%get3A_694, %get3A_695] {strides = array<i32>} : memref<32x128xi32, #tpu.memory_space<vmem>>, vector<16xi32>,
      %max3A_697 = arith.maxsi %max3A_692, %get3A_696 : vector<16xi32>
      %get3A_698 = arith.constant 3 : i32
      %get3A_699 = arith.index_cast %get3A_698 : i32 to index
      %get3A_700 = arith.constant 64 : index
      %get3A_701 = tpu.vector_load %arg5[%get3A_699, %get3A_700] {strides = array<i32>} : memref<32x128xi32, #tpu.memory_space<vmem>>, vector<16xi32>,
      %max3A_702 = arith.maxsi %max3A_697, %get3A_701 : vector<16xi32>
      %get3A_703 = arith.constant 4 : i32
      %get3A_704 = arith.index_cast %get3A_703 : i32 to index
      %get3A_705 = arith.constant 64 : index
      %get3A_706 = tpu.vector_load %arg5[%get3A_704, %get3A_705] {strides = array<i32>} : memref<32x128xi32, #tpu.memory_space<vmem>>, vector<16xi32>,
      %max3A_707 = arith.maxsi %max3A_702, %get3A_706 : vector<16xi32>
      %get3A_708 = arith.constant 5 : i32
      %get3A_709 = arith.index_cast %get3A_708 : i32 to index
      %get3A_710 = arith.constant 64 : index
      %get3A_711 = tpu.vector_load %arg5[%get3A_709, %get3A_710] {strides = array<i32>} : memref<32x128xi32, #tpu.memory_space<vmem>>, vector<16xi32>,
      %max3A_712 = arith.maxsi %max3A_707, %get3A_711 : vector<16xi32>
      %get3A_713 = arith.constant 6 : i32
      %get3A_714 = arith.index_cast %get3A_713 : i32 to index
      %get3A_715 = arith.constant 64 : index
      %get3A_716 = tpu.vector_load %arg5[%get3A_714, %get3A_715] {strides = array<i32>} : memref<32x128xi32, #tpu.memory_space<vmem>>, vector<16xi32>,
      %max3A_717 = arith.maxsi %max3A_712, %get3A_716 : vector<16xi32>
      %get3A_718 = arith.constant 7 : i32
      %get3A_719 = arith.index_cast %get3A_718 : i32 to index
      %get3A_720 = arith.constant 64 : index
      %get3A_721 = tpu.vector_load %arg5[%get3A_719, %get3A_720] {strides = array<i32>} : memref<32x128xi32, #tpu.memory_space<vmem>>, vector<16xi32>,
      %max3A_722 = arith.maxsi %max3A_717, %get3A_721 : vector<16xi32>
      %get3A_723 = arith.constant 8 : i32
      %get3A_724 = arith.index_cast %get3A_723 : i32 to index
      %get3A_725 = arith.constant 64 : index
      %get3A_726 = tpu.vector_load %arg5[%get3A_724, %get3A_725] {strides = array<i32>} : memref<32x128xi32, #tpu.memory_space<vmem>>, vector<16xi32>,
      %max3A_727 = arith.maxsi %max3A_722, %get3A_726 : vector<16xi32>
      %get3A_728 = arith.constant 9 : i32
      %get3A_729 = arith.index_cast %get3A_728 : i32 to index
      %get3A_730 = arith.constant 64 : index
      %get3A_731 = tpu.vector_load %arg5[%get3A_729, %get3A_730] {strides = array<i32>} : memref<32x128xi32, #tpu.memory_space<vmem>>, vector<16xi32>,
      %max3A_732 = arith.maxsi %max3A_727, %get3A_731 : vector<16xi32>
      %get3A_733 = arith.constant 10 : i32
      %get3A_734 = arith.index_cast %get3A_733 : i32 to index
      %get3A_735 = arith.constant 64 : index
      %get3A_736 = tpu.vector_load %arg5[%get3A_734, %get3A_735] {strides = array<i32>} : memref<32x128xi32, #tpu.memory_space<vmem>>, vector<16xi32>,
      %max3A_737 = arith.maxsi %max3A_732, %get3A_736 : vector<16xi32>
      %get3A_738 = arith.constant 11 : i32
      %get3A_739 = arith.index_cast %get3A_738 : i32 to index
      %get3A_740 = arith.constant 64 : index
      %get3A_741 = tpu.vector_load %arg5[%get3A_739, %get3A_740] {strides = array<i32>} : memref<32x128xi32, #tpu.memory_space<vmem>>, vector<16xi32>,
      %max3A_742 = arith.maxsi %max3A_737, %get3A_741 : vector<16xi32>
      %get3A_743 = arith.constant 12 : i32
      %get3A_744 = arith.index_cast %get3A_743 : i32 to index
      %get3A_745 = arith.constant 64 : index
      %get3A_746 = tpu.vector_load %arg5[%get3A_744, %get3A_745] {strides = array<i32>} : memref<32x128xi32, #tpu.memory_space<vmem>>, vector<16xi32>,
      %max3A_747 = arith.maxsi %max3A_742, %get3A_746 : vector<16xi32>
      %get3A_748 = arith.constant 13 : i32
      %get3A_749 = arith.index_cast %get3A_748 : i32 to index
      %get3A_750 = arith.constant 64 : index
      %get3A_751 = tpu.vector_load %arg5[%get3A_749, %get3A_750] {strides = array<i32>} : memref<32x128xi32, #tpu.memory_space<vmem>>, vector<16xi32>,
      %max3A_752 = arith.maxsi %max3A_747, %get3A_751 : vector<16xi32>
      %get3A_753 = arith.constant 14 : i32
      %get3A_754 = arith.index_cast %get3A_753 : i32 to index
      %get3A_755 = arith.constant 64 : index
      %get3A_756 = tpu.vector_load %arg5[%get3A_754, %get3A_755] {strides = array<i32>} : memref<32x128xi32, #tpu.memory_space<vmem>>, vector<16xi32>,
      %max3A_757 = arith.maxsi %max3A_752, %get3A_756 : vector<16xi32>
      %get3A_758 = arith.constant 15 : i32
      %get3A_759 = arith.index_cast %get3A_758 : i32 to index
      %get3A_760 = arith.constant 64 : index
      %get3A_761 = tpu.vector_load %arg5[%get3A_759, %get3A_760] {strides = array<i32>} : memref<32x128xi32, #tpu.memory_space<vmem>>, vector<16xi32>,
      %max3A_762 = arith.maxsi %max3A_757, %get3A_761 : vector<16xi32>
      %get3A_763 = arith.constant 16 : i32
      %get3A_764 = arith.index_cast %get3A_763 : i32 to index
      %get3A_765 = arith.constant 64 : index
      %get3A_766 = tpu.vector_load %arg5[%get3A_764, %get3A_765] {strides = array<i32>} : memref<32x128xi32, #tpu.memory_space<vmem>>, vector<16xi32>,
      %max3A_767 = arith.maxsi %max3A_762, %get3A_766 : vector<16xi32>
      %get3A_768 = arith.constant 17 : i32
      %get3A_769 = arith.index_cast %get3A_768 : i32 to index
      %get3A_770 = arith.constant 64 : index
      %get3A_771 = tpu.vector_load %arg5[%get3A_769, %get3A_770] {strides = array<i32>} : memref<32x128xi32, #tpu.memory_space<vmem>>, vector<16xi32>,
      %max3A_772 = arith.maxsi %max3A_767, %get3A_771 : vector<16xi32>
      %get3A_773 = arith.constant 18 : i32
      %get3A_774 = arith.index_cast %get3A_773 : i32 to index
      %get3A_775 = arith.constant 64 : index
      %get3A_776 = tpu.vector_load %arg5[%get3A_774, %get3A_775] {strides = array<i32>} : memref<32x128xi32, #tpu.memory_space<vmem>>, vector<16xi32>,
      %max3A_777 = arith.maxsi %max3A_772, %get3A_776 : vector<16xi32>
      %get3A_778 = arith.constant 19 : i32
      %get3A_779 = arith.index_cast %get3A_778 : i32 to index
      %get3A_780 = arith.constant 64 : index
      %get3A_781 = tpu.vector_load %arg5[%get3A_779, %get3A_780] {strides = array<i32>} : memref<32x128xi32, #tpu.memory_space<vmem>>, vector<16xi32>,
      %max3A_782 = arith.maxsi %max3A_777, %get3A_781 : vector<16xi32>
      %get3A_783 = arith.constant 20 : i32
      %get3A_784 = arith.index_cast %get3A_783 : i32 to index
      %get3A_785 = arith.constant 64 : index
      %get3A_786 = tpu.vector_load %arg5[%get3A_784, %get3A_785] {strides = array<i32>} : memref<32x128xi32, #tpu.memory_space<vmem>>, vector<16xi32>,
      %max3A_787 = arith.maxsi %max3A_782, %get3A_786 : vector<16xi32>
      %get3A_788 = arith.constant 21 : i32
      %get3A_789 = arith.index_cast %get3A_788 : i32 to index
      %get3A_790 = arith.constant 64 : index
      %get3A_791 = tpu.vector_load %arg5[%get3A_789, %get3A_790] {strides = array<i32>} : memref<32x128xi32, #tpu.memory_space<vmem>>, vector<16xi32>,
      %max3A_792 = arith.maxsi %max3A_787, %get3A_791 : vector<16xi32>
      %get3A_793 = arith.constant 22 : i32
      %get3A_794 = arith.index_cast %get3A_793 : i32 to index
      %get3A_795 = arith.constant 64 : index
      %get3A_796 = tpu.vector_load %arg5[%get3A_794, %get3A_795] {strides = array<i32>} : memref<32x128xi32, #tpu.memory_space<vmem>>, vector<16xi32>,
      %max3A_797 = arith.maxsi %max3A_792, %get3A_796 : vector<16xi32>
      %get3A_798 = arith.constant 23 : i32
      %get3A_799 = arith.index_cast %get3A_798 : i32 to index
      %get3A_800 = arith.constant 64 : index
      %get3A_801 = tpu.vector_load %arg5[%get3A_799, %get3A_800] {strides = array<i32>} : memref<32x128xi32, #tpu.memory_space<vmem>>, vector<16xi32>,
      %max3A_802 = arith.maxsi %max3A_797, %get3A_801 : vector<16xi32>
      %get3A_803 = arith.constant 24 : i32
      %get3A_804 = arith.index_cast %get3A_803 : i32 to index
      %get3A_805 = arith.constant 64 : index
      %get3A_806 = tpu.vector_load %arg5[%get3A_804, %get3A_805] {strides = array<i32>} : memref<32x128xi32, #tpu.memory_space<vmem>>, vector<16xi32>,
      %max3A_807 = arith.maxsi %max3A_802, %get3A_806 : vector<16xi32>
      %get3A_808 = arith.constant 25 : i32
      %get3A_809 = arith.index_cast %get3A_808 : i32 to index
      %get3A_810 = arith.constant 64 : index
      %get3A_811 = tpu.vector_load %arg5[%get3A_809, %get3A_810] {strides = array<i32>} : memref<32x128xi32, #tpu.memory_space<vmem>>, vector<16xi32>,
      %max3A_812 = arith.maxsi %max3A_807, %get3A_811 : vector<16xi32>
      %get3A_813 = arith.constant 26 : i32
      %get3A_814 = arith.index_cast %get3A_813 : i32 to index
      %get3A_815 = arith.constant 64 : index
      %get3A_816 = tpu.vector_load %arg5[%get3A_814, %get3A_815] {strides = array<i32>} : memref<32x128xi32, #tpu.memory_space<vmem>>, vector<16xi32>,
      %max3A_817 = arith.maxsi %max3A_812, %get3A_816 : vector<16xi32>
      %get3A_818 = arith.constant 27 : i32
      %get3A_819 = arith.index_cast %get3A_818 : i32 to index
      %get3A_820 = arith.constant 64 : index
      %get3A_821 = tpu.vector_load %arg5[%get3A_819, %get3A_820] {strides = array<i32>} : memref<32x128xi32, #tpu.memory_space<vmem>>, vector<16xi32>,
      %max3A_822 = arith.maxsi %max3A_817, %get3A_821 : vector<16xi32>
      %get3A_823 = arith.constant 28 : i32
      %get3A_824 = arith.index_cast %get3A_823 : i32 to index
      %get3A_825 = arith.constant 64 : index
      %get3A_826 = tpu.vector_load %arg5[%get3A_824, %get3A_825] {strides = array<i32>} : memref<32x128xi32, #tpu.memory_space<vmem>>, vector<16xi32>,
      %max3A_827 = arith.maxsi %max3A_822, %get3A_826 : vector<16xi32>
      %get3A_828 = arith.constant 29 : i32
      %get3A_829 = arith.index_cast %get3A_828 : i32 to index
      %get3A_830 = arith.constant 64 : index
      %get3A_831 = tpu.vector_load %arg5[%get3A_829, %get3A_830] {strides = array<i32>} : memref<32x128xi32, #tpu.memory_space<vmem>>, vector<16xi32>,
      %max3A_832 = arith.maxsi %max3A_827, %get3A_831 : vector<16xi32>
      %get3A_833 = arith.constant 30 : i32
      %get3A_834 = arith.index_cast %get3A_833 : i32 to index
      %get3A_835 = arith.constant 64 : index
      %get3A_836 = tpu.vector_load %arg5[%get3A_834, %get3A_835] {strides = array<i32>} : memref<32x128xi32, #tpu.memory_space<vmem>>, vector<16xi32>,
      %max3A_837 = arith.maxsi %max3A_832, %get3A_836 : vector<16xi32>
      %get3A_838 = arith.constant 31 : i32
      %get3A_839 = arith.index_cast %get3A_838 : i32 to index
      %get3A_840 = arith.constant 64 : index
      %get3A_841 = tpu.vector_load %arg5[%get3A_839, %get3A_840] {strides = array<i32>} : memref<32x128xi32, #tpu.memory_space<vmem>>, vector<16xi32>,
      %max3A_842 = arith.maxsi %max3A_837, %get3A_841 : vector<16xi32>
      %add3A_843 = arith.constant 16384 : i32
      %add3A_844 = arith.addi %add3A_843, %mul3A_4 : i32
      %add3A_845 = arith.constant 64 : i32
      %add3A_846 = arith.addi %add3A_844, %add3A_845 : i32
      %broadcast_in_dim3A_847 = vector.broadcast %add3A_846 : i32 to vector<16xi32>
      %add3A_848 = arith.addi %broadcast_in_dim3A_847, %iota3A : vector<16xi32>
      %lt3A_849 = arith.constant 0 : i32
      %lt3A_850 = vector.broadcast %lt3A_849 : i32 to vector<16xi32>
      %lt3A_851 = arith.cmpi slt, %max3A_842, %lt3A_850 : vector<16xi32>
      %select_n3A_852 = arith.select %lt3A_851, %add3A_848, %max3A_842 : vector<16xi1>, vector<16xi32>
      %swap3A_853 = arith.constant 64 : index
      %swap3A_854 = tpu.vector_load %arg6[%swap3A_853] {strides = array<i32>} : memref<128xi32, #tpu.memory_space<vmem>>, vector<16xi32>,
      tpu.vector_store %arg6[%swap3A_853], %select_n3A_852 {strides = array<i32>} : memref<128xi32, #tpu.memory_space<vmem>>, vector<16xi32>,
      %get3A_855 = arith.constant 0 : i32
      %get3A_856 = arith.index_cast %get3A_855 : i32 to index
      %get3A_857 = arith.constant 80 : index
      %get3A_858 = tpu.vector_load %arg5[%get3A_856, %get3A_857] {strides = array<i32>} : memref<32x128xi32, #tpu.memory_space<vmem>>, vector<16xi32>,
      %get3A_859 = arith.constant 1 : i32
      %get3A_860 = arith.index_cast %get3A_859 : i32 to index
      %get3A_861 = arith.constant 80 : index
      %get3A_862 = tpu.vector_load %arg5[%get3A_860, %get3A_861] {strides = array<i32>} : memref<32x128xi32, #tpu.memory_space<vmem>>, vector<16xi32>,
      %max3A_863 = arith.maxsi %get3A_858, %get3A_862 : vector<16xi32>
      %get3A_864 = arith.constant 2 : i32
      %get3A_865 = arith.index_cast %get3A_864 : i32 to index
      %get3A_866 = arith.constant 80 : index
      %get3A_867 = tpu.vector_load %arg5[%get3A_865, %get3A_866] {strides = array<i32>} : memref<32x128xi32, #tpu.memory_space<vmem>>, vector<16xi32>,
      %max3A_868 = arith.maxsi %max3A_863, %get3A_867 : vector<16xi32>
      %get3A_869 = arith.constant 3 : i32
      %get3A_870 = arith.index_cast %get3A_869 : i32 to index
      %get3A_871 = arith.constant 80 : index
      %get3A_872 = tpu.vector_load %arg5[%get3A_870, %get3A_871] {strides = array<i32>} : memref<32x128xi32, #tpu.memory_space<vmem>>, vector<16xi32>,
      %max3A_873 = arith.maxsi %max3A_868, %get3A_872 : vector<16xi32>
      %get3A_874 = arith.constant 4 : i32
      %get3A_875 = arith.index_cast %get3A_874 : i32 to index
      %get3A_876 = arith.constant 80 : index
      %get3A_877 = tpu.vector_load %arg5[%get3A_875, %get3A_876] {strides = array<i32>} : memref<32x128xi32, #tpu.memory_space<vmem>>, vector<16xi32>,
      %max3A_878 = arith.maxsi %max3A_873, %get3A_877 : vector<16xi32>
      %get3A_879 = arith.constant 5 : i32
      %get3A_880 = arith.index_cast %get3A_879 : i32 to index
      %get3A_881 = arith.constant 80 : index
      %get3A_882 = tpu.vector_load %arg5[%get3A_880, %get3A_881] {strides = array<i32>} : memref<32x128xi32, #tpu.memory_space<vmem>>, vector<16xi32>,
      %max3A_883 = arith.maxsi %max3A_878, %get3A_882 : vector<16xi32>
      %get3A_884 = arith.constant 6 : i32
      %get3A_885 = arith.index_cast %get3A_884 : i32 to index
      %get3A_886 = arith.constant 80 : index
      %get3A_887 = tpu.vector_load %arg5[%get3A_885, %get3A_886] {strides = array<i32>} : memref<32x128xi32, #tpu.memory_space<vmem>>, vector<16xi32>,
      %max3A_888 = arith.maxsi %max3A_883, %get3A_887 : vector<16xi32>
      %get3A_889 = arith.constant 7 : i32
      %get3A_890 = arith.index_cast %get3A_889 : i32 to index
      %get3A_891 = arith.constant 80 : index
      %get3A_892 = tpu.vector_load %arg5[%get3A_890, %get3A_891] {strides = array<i32>} : memref<32x128xi32, #tpu.memory_space<vmem>>, vector<16xi32>,
      %max3A_893 = arith.maxsi %max3A_888, %get3A_892 : vector<16xi32>
      %get3A_894 = arith.constant 8 : i32
      %get3A_895 = arith.index_cast %get3A_894 : i32 to index
      %get3A_896 = arith.constant 80 : index
      %get3A_897 = tpu.vector_load %arg5[%get3A_895, %get3A_896] {strides = array<i32>} : memref<32x128xi32, #tpu.memory_space<vmem>>, vector<16xi32>,
      %max3A_898 = arith.maxsi %max3A_893, %get3A_897 : vector<16xi32>
      %get3A_899 = arith.constant 9 : i32
      %get3A_900 = arith.index_cast %get3A_899 : i32 to index
      %get3A_901 = arith.constant 80 : index
      %get3A_902 = tpu.vector_load %arg5[%get3A_900, %get3A_901] {strides = array<i32>} : memref<32x128xi32, #tpu.memory_space<vmem>>, vector<16xi32>,
      %max3A_903 = arith.maxsi %max3A_898, %get3A_902 : vector<16xi32>
      %get3A_904 = arith.constant 10 : i32
      %get3A_905 = arith.index_cast %get3A_904 : i32 to index
      %get3A_906 = arith.constant 80 : index
      %get3A_907 = tpu.vector_load %arg5[%get3A_905, %get3A_906] {strides = array<i32>} : memref<32x128xi32, #tpu.memory_space<vmem>>, vector<16xi32>,
      %max3A_908 = arith.maxsi %max3A_903, %get3A_907 : vector<16xi32>
      %get3A_909 = arith.constant 11 : i32
      %get3A_910 = arith.index_cast %get3A_909 : i32 to index
      %get3A_911 = arith.constant 80 : index
      %get3A_912 = tpu.vector_load %arg5[%get3A_910, %get3A_911] {strides = array<i32>} : memref<32x128xi32, #tpu.memory_space<vmem>>, vector<16xi32>,
      %max3A_913 = arith.maxsi %max3A_908, %get3A_912 : vector<16xi32>
      %get3A_914 = arith.constant 12 : i32
      %get3A_915 = arith.index_cast %get3A_914 : i32 to index
      %get3A_916 = arith.constant 80 : index
      %get3A_917 = tpu.vector_load %arg5[%get3A_915, %get3A_916] {strides = array<i32>} : memref<32x128xi32, #tpu.memory_space<vmem>>, vector<16xi32>,
      %max3A_918 = arith.maxsi %max3A_913, %get3A_917 : vector<16xi32>
      %get3A_919 = arith.constant 13 : i32
      %get3A_920 = arith.index_cast %get3A_919 : i32 to index
      %get3A_921 = arith.constant 80 : index
      %get3A_922 = tpu.vector_load %arg5[%get3A_920, %get3A_921] {strides = array<i32>} : memref<32x128xi32, #tpu.memory_space<vmem>>, vector<16xi32>,
      %max3A_923 = arith.maxsi %max3A_918, %get3A_922 : vector<16xi32>
      %get3A_924 = arith.constant 14 : i32
      %get3A_925 = arith.index_cast %get3A_924 : i32 to index
      %get3A_926 = arith.constant 80 : index
      %get3A_927 = tpu.vector_load %arg5[%get3A_925, %get3A_926] {strides = array<i32>} : memref<32x128xi32, #tpu.memory_space<vmem>>, vector<16xi32>,
      %max3A_928 = arith.maxsi %max3A_923, %get3A_927 : vector<16xi32>
      %get3A_929 = arith.constant 15 : i32
      %get3A_930 = arith.index_cast %get3A_929 : i32 to index
      %get3A_931 = arith.constant 80 : index
      %get3A_932 = tpu.vector_load %arg5[%get3A_930, %get3A_931] {strides = array<i32>} : memref<32x128xi32, #tpu.memory_space<vmem>>, vector<16xi32>,
      %max3A_933 = arith.maxsi %max3A_928, %get3A_932 : vector<16xi32>
      %get3A_934 = arith.constant 16 : i32
      %get3A_935 = arith.index_cast %get3A_934 : i32 to index
      %get3A_936 = arith.constant 80 : index
      %get3A_937 = tpu.vector_load %arg5[%get3A_935, %get3A_936] {strides = array<i32>} : memref<32x128xi32, #tpu.memory_space<vmem>>, vector<16xi32>,
      %max3A_938 = arith.maxsi %max3A_933, %get3A_937 : vector<16xi32>
      %get3A_939 = arith.constant 17 : i32
      %get3A_940 = arith.index_cast %get3A_939 : i32 to index
      %get3A_941 = arith.constant 80 : index
      %get3A_942 = tpu.vector_load %arg5[%get3A_940, %get3A_941] {strides = array<i32>} : memref<32x128xi32, #tpu.memory_space<vmem>>, vector<16xi32>,
      %max3A_943 = arith.maxsi %max3A_938, %get3A_942 : vector<16xi32>
      %get3A_944 = arith.constant 18 : i32
      %get3A_945 = arith.index_cast %get3A_944 : i32 to index
      %get3A_946 = arith.constant 80 : index
      %get3A_947 = tpu.vector_load %arg5[%get3A_945, %get3A_946] {strides = array<i32>} : memref<32x128xi32, #tpu.memory_space<vmem>>, vector<16xi32>,
      %max3A_948 = arith.maxsi %max3A_943, %get3A_947 : vector<16xi32>
      %get3A_949 = arith.constant 19 : i32
      %get3A_950 = arith.index_cast %get3A_949 : i32 to index
      %get3A_951 = arith.constant 80 : index
      %get3A_952 = tpu.vector_load %arg5[%get3A_950, %get3A_951] {strides = array<i32>} : memref<32x128xi32, #tpu.memory_space<vmem>>, vector<16xi32>,
      %max3A_953 = arith.maxsi %max3A_948, %get3A_952 : vector<16xi32>
      %get3A_954 = arith.constant 20 : i32
      %get3A_955 = arith.index_cast %get3A_954 : i32 to index
      %get3A_956 = arith.constant 80 : index
      %get3A_957 = tpu.vector_load %arg5[%get3A_955, %get3A_956] {strides = array<i32>} : memref<32x128xi32, #tpu.memory_space<vmem>>, vector<16xi32>,
      %max3A_958 = arith.maxsi %max3A_953, %get3A_957 : vector<16xi32>
      %get3A_959 = arith.constant 21 : i32
      %get3A_960 = arith.index_cast %get3A_959 : i32 to index
      %get3A_961 = arith.constant 80 : index
      %get3A_962 = tpu.vector_load %arg5[%get3A_960, %get3A_961] {strides = array<i32>} : memref<32x128xi32, #tpu.memory_space<vmem>>, vector<16xi32>,
      %max3A_963 = arith.maxsi %max3A_958, %get3A_962 : vector<16xi32>
      %get3A_964 = arith.constant 22 : i32
      %get3A_965 = arith.index_cast %get3A_964 : i32 to index
      %get3A_966 = arith.constant 80 : index
      %get3A_967 = tpu.vector_load %arg5[%get3A_965, %get3A_966] {strides = array<i32>} : memref<32x128xi32, #tpu.memory_space<vmem>>, vector<16xi32>,
      %max3A_968 = arith.maxsi %max3A_963, %get3A_967 : vector<16xi32>
      %get3A_969 = arith.constant 23 : i32
      %get3A_970 = arith.index_cast %get3A_969 : i32 to index
      %get3A_971 = arith.constant 80 : index
      %get3A_972 = tpu.vector_load %arg5[%get3A_970, %get3A_971] {strides = array<i32>} : memref<32x128xi32, #tpu.memory_space<vmem>>, vector<16xi32>,
      %max3A_973 = arith.maxsi %max3A_968, %get3A_972 : vector<16xi32>
      %get3A_974 = arith.constant 24 : i32
      %get3A_975 = arith.index_cast %get3A_974 : i32 to index
      %get3A_976 = arith.constant 80 : index
      %get3A_977 = tpu.vector_load %arg5[%get3A_975, %get3A_976] {strides = array<i32>} : memref<32x128xi32, #tpu.memory_space<vmem>>, vector<16xi32>,
      %max3A_978 = arith.maxsi %max3A_973, %get3A_977 : vector<16xi32>
      %get3A_979 = arith.constant 25 : i32
      %get3A_980 = arith.index_cast %get3A_979 : i32 to index
      %get3A_981 = arith.constant 80 : index
      %get3A_982 = tpu.vector_load %arg5[%get3A_980, %get3A_981] {strides = array<i32>} : memref<32x128xi32, #tpu.memory_space<vmem>>, vector<16xi32>,
      %max3A_983 = arith.maxsi %max3A_978, %get3A_982 : vector<16xi32>
      %get3A_984 = arith.constant 26 : i32
      %get3A_985 = arith.index_cast %get3A_984 : i32 to index
      %get3A_986 = arith.constant 80 : index
      %get3A_987 = tpu.vector_load %arg5[%get3A_985, %get3A_986] {strides = array<i32>} : memref<32x128xi32, #tpu.memory_space<vmem>>, vector<16xi32>,
      %max3A_988 = arith.maxsi %max3A_983, %get3A_987 : vector<16xi32>
      %get3A_989 = arith.constant 27 : i32
      %get3A_990 = arith.index_cast %get3A_989 : i32 to index
      %get3A_991 = arith.constant 80 : index
      %get3A_992 = tpu.vector_load %arg5[%get3A_990, %get3A_991] {strides = array<i32>} : memref<32x128xi32, #tpu.memory_space<vmem>>, vector<16xi32>,
      %max3A_993 = arith.maxsi %max3A_988, %get3A_992 : vector<16xi32>
      %get3A_994 = arith.constant 28 : i32
      %get3A_995 = arith.index_cast %get3A_994 : i32 to index
      %get3A_996 = arith.constant 80 : index
      %get3A_997 = tpu.vector_load %arg5[%get3A_995, %get3A_996] {strides = array<i32>} : memref<32x128xi32, #tpu.memory_space<vmem>>, vector<16xi32>,
      %max3A_998 = arith.maxsi %max3A_993, %get3A_997 : vector<16xi32>
      %get3A_999 = arith.constant 29 : i32
      %get3A_1000 = arith.index_cast %get3A_999 : i32 to index
      %get3A_1001 = arith.constant 80 : index
      %get3A_1002 = tpu.vector_load %arg5[%get3A_1000, %get3A_1001] {strides = array<i32>} : memref<32x128xi32, #tpu.memory_space<vmem>>, vector<16xi32>,
      %max3A_1003 = arith.maxsi %max3A_998, %get3A_1002 : vector<16xi32>
      %get3A_1004 = arith.constant 30 : i32
      %get3A_1005 = arith.index_cast %get3A_1004 : i32 to index
      %get3A_1006 = arith.constant 80 : index
      %get3A_1007 = tpu.vector_load %arg5[%get3A_1005, %get3A_1006] {strides = array<i32>} : memref<32x128xi32, #tpu.memory_space<vmem>>, vector<16xi32>,
      %max3A_1008 = arith.maxsi %max3A_1003, %get3A_1007 : vector<16xi32>
      %get3A_1009 = arith.constant 31 : i32
      %get3A_1010 = arith.index_cast %get3A_1009 : i32 to index
      %get3A_1011 = arith.constant 80 : index
      %get3A_1012 = tpu.vector_load %arg5[%get3A_1010, %get3A_1011] {strides = array<i32>} : memref<32x128xi32, #tpu.memory_space<vmem>>, vector<16xi32>,
      %max3A_1013 = arith.maxsi %max3A_1008, %get3A_1012 : vector<16xi32>
      %add3A_1014 = arith.constant 16384 : i32
      %add3A_1015 = arith.addi %add3A_1014, %mul3A_4 : i32
      %add3A_1016 = arith.constant 80 : i32
      %add3A_1017 = arith.addi %add3A_1015, %add3A_1016 : i32
      %broadcast_in_dim3A_1018 = vector.broadcast %add3A_1017 : i32 to vector<16xi32>
      %add3A_1019 = arith.addi %broadcast_in_dim3A_1018, %iota3A : vector<16xi32>
      %lt3A_1020 = arith.constant 0 : i32
      %lt3A_1021 = vector.broadcast %lt3A_1020 : i32 to vector<16xi32>
      %lt3A_1022 = arith.cmpi slt, %max3A_1013, %lt3A_1021 : vector<16xi32>
      %select_n3A_1023 = arith.select %lt3A_1022, %add3A_1019, %max3A_1013 : vector<16xi1>, vector<16xi32>
      %swap3A_1024 = arith.constant 80 : index
      %swap3A_1025 = tpu.vector_load %arg6[%swap3A_1024] {strides = array<i32>} : memref<128xi32, #tpu.memory_space<vmem>>, vector<16xi32>,
      tpu.vector_store %arg6[%swap3A_1024], %select_n3A_1023 {strides = array<i32>} : memref<128xi32, #tpu.memory_space<vmem>>, vector<16xi32>,
      %get3A_1026 = arith.constant 0 : i32
      %get3A_1027 = arith.index_cast %get3A_1026 : i32 to index
      %get3A_1028 = arith.constant 96 : index
      %get3A_1029 = tpu.vector_load %arg5[%get3A_1027, %get3A_1028] {strides = array<i32>} : memref<32x128xi32, #tpu.memory_space<vmem>>, vector<16xi32>,
      %get3A_1030 = arith.constant 1 : i32
      %get3A_1031 = arith.index_cast %get3A_1030 : i32 to index
      %get3A_1032 = arith.constant 96 : index
      %get3A_1033 = tpu.vector_load %arg5[%get3A_1031, %get3A_1032] {strides = array<i32>} : memref<32x128xi32, #tpu.memory_space<vmem>>, vector<16xi32>,
      %max3A_1034 = arith.maxsi %get3A_1029, %get3A_1033 : vector<16xi32>
      %get3A_1035 = arith.constant 2 : i32
      %get3A_1036 = arith.index_cast %get3A_1035 : i32 to index
      %get3A_1037 = arith.constant 96 : index
      %get3A_1038 = tpu.vector_load %arg5[%get3A_1036, %get3A_1037] {strides = array<i32>} : memref<32x128xi32, #tpu.memory_space<vmem>>, vector<16xi32>,
      %max3A_1039 = arith.maxsi %max3A_1034, %get3A_1038 : vector<16xi32>
      %get3A_1040 = arith.constant 3 : i32
      %get3A_1041 = arith.index_cast %get3A_1040 : i32 to index
      %get3A_1042 = arith.constant 96 : index
      %get3A_1043 = tpu.vector_load %arg5[%get3A_1041, %get3A_1042] {strides = array<i32>} : memref<32x128xi32, #tpu.memory_space<vmem>>, vector<16xi32>,
      %max3A_1044 = arith.maxsi %max3A_1039, %get3A_1043 : vector<16xi32>
      %get3A_1045 = arith.constant 4 : i32
      %get3A_1046 = arith.index_cast %get3A_1045 : i32 to index
      %get3A_1047 = arith.constant 96 : index
      %get3A_1048 = tpu.vector_load %arg5[%get3A_1046, %get3A_1047] {strides = array<i32>} : memref<32x128xi32, #tpu.memory_space<vmem>>, vector<16xi32>,
      %max3A_1049 = arith.maxsi %max3A_1044, %get3A_1048 : vector<16xi32>
      %get3A_1050 = arith.constant 5 : i32
      %get3A_1051 = arith.index_cast %get3A_1050 : i32 to index
      %get3A_1052 = arith.constant 96 : index
      %get3A_1053 = tpu.vector_load %arg5[%get3A_1051, %get3A_1052] {strides = array<i32>} : memref<32x128xi32, #tpu.memory_space<vmem>>, vector<16xi32>,
      %max3A_1054 = arith.maxsi %max3A_1049, %get3A_1053 : vector<16xi32>
      %get3A_1055 = arith.constant 6 : i32
      %get3A_1056 = arith.index_cast %get3A_1055 : i32 to index
      %get3A_1057 = arith.constant 96 : index
      %get3A_1058 = tpu.vector_load %arg5[%get3A_1056, %get3A_1057] {strides = array<i32>} : memref<32x128xi32, #tpu.memory_space<vmem>>, vector<16xi32>,
      %max3A_1059 = arith.maxsi %max3A_1054, %get3A_1058 : vector<16xi32>
      %get3A_1060 = arith.constant 7 : i32
      %get3A_1061 = arith.index_cast %get3A_1060 : i32 to index
      %get3A_1062 = arith.constant 96 : index
      %get3A_1063 = tpu.vector_load %arg5[%get3A_1061, %get3A_1062] {strides = array<i32>} : memref<32x128xi32, #tpu.memory_space<vmem>>, vector<16xi32>,
      %max3A_1064 = arith.maxsi %max3A_1059, %get3A_1063 : vector<16xi32>
      %get3A_1065 = arith.constant 8 : i32
      %get3A_1066 = arith.index_cast %get3A_1065 : i32 to index
      %get3A_1067 = arith.constant 96 : index
      %get3A_1068 = tpu.vector_load %arg5[%get3A_1066, %get3A_1067] {strides = array<i32>} : memref<32x128xi32, #tpu.memory_space<vmem>>, vector<16xi32>,
      %max3A_1069 = arith.maxsi %max3A_1064, %get3A_1068 : vector<16xi32>
      %get3A_1070 = arith.constant 9 : i32
      %get3A_1071 = arith.index_cast %get3A_1070 : i32 to index
      %get3A_1072 = arith.constant 96 : index
      %get3A_1073 = tpu.vector_load %arg5[%get3A_1071, %get3A_1072] {strides = array<i32>} : memref<32x128xi32, #tpu.memory_space<vmem>>, vector<16xi32>,
      %max3A_1074 = arith.maxsi %max3A_1069, %get3A_1073 : vector<16xi32>
      %get3A_1075 = arith.constant 10 : i32
      %get3A_1076 = arith.index_cast %get3A_1075 : i32 to index
      %get3A_1077 = arith.constant 96 : index
      %get3A_1078 = tpu.vector_load %arg5[%get3A_1076, %get3A_1077] {strides = array<i32>} : memref<32x128xi32, #tpu.memory_space<vmem>>, vector<16xi32>,
      %max3A_1079 = arith.maxsi %max3A_1074, %get3A_1078 : vector<16xi32>
      %get3A_1080 = arith.constant 11 : i32
      %get3A_1081 = arith.index_cast %get3A_1080 : i32 to index
      %get3A_1082 = arith.constant 96 : index
      %get3A_1083 = tpu.vector_load %arg5[%get3A_1081, %get3A_1082] {strides = array<i32>} : memref<32x128xi32, #tpu.memory_space<vmem>>, vector<16xi32>,
      %max3A_1084 = arith.maxsi %max3A_1079, %get3A_1083 : vector<16xi32>
      %get3A_1085 = arith.constant 12 : i32
      %get3A_1086 = arith.index_cast %get3A_1085 : i32 to index
      %get3A_1087 = arith.constant 96 : index
      %get3A_1088 = tpu.vector_load %arg5[%get3A_1086, %get3A_1087] {strides = array<i32>} : memref<32x128xi32, #tpu.memory_space<vmem>>, vector<16xi32>,
      %max3A_1089 = arith.maxsi %max3A_1084, %get3A_1088 : vector<16xi32>
      %get3A_1090 = arith.constant 13 : i32
      %get3A_1091 = arith.index_cast %get3A_1090 : i32 to index
      %get3A_1092 = arith.constant 96 : index
      %get3A_1093 = tpu.vector_load %arg5[%get3A_1091, %get3A_1092] {strides = array<i32>} : memref<32x128xi32, #tpu.memory_space<vmem>>, vector<16xi32>,
      %max3A_1094 = arith.maxsi %max3A_1089, %get3A_1093 : vector<16xi32>
      %get3A_1095 = arith.constant 14 : i32
      %get3A_1096 = arith.index_cast %get3A_1095 : i32 to index
      %get3A_1097 = arith.constant 96 : index
      %get3A_1098 = tpu.vector_load %arg5[%get3A_1096, %get3A_1097] {strides = array<i32>} : memref<32x128xi32, #tpu.memory_space<vmem>>, vector<16xi32>,
      %max3A_1099 = arith.maxsi %max3A_1094, %get3A_1098 : vector<16xi32>
      %get3A_1100 = arith.constant 15 : i32
      %get3A_1101 = arith.index_cast %get3A_1100 : i32 to index
      %get3A_1102 = arith.constant 96 : index
      %get3A_1103 = tpu.vector_load %arg5[%get3A_1101, %get3A_1102] {strides = array<i32>} : memref<32x128xi32, #tpu.memory_space<vmem>>, vector<16xi32>,
      %max3A_1104 = arith.maxsi %max3A_1099, %get3A_1103 : vector<16xi32>
      %get3A_1105 = arith.constant 16 : i32
      %get3A_1106 = arith.index_cast %get3A_1105 : i32 to index
      %get3A_1107 = arith.constant 96 : index
      %get3A_1108 = tpu.vector_load %arg5[%get3A_1106, %get3A_1107] {strides = array<i32>} : memref<32x128xi32, #tpu.memory_space<vmem>>, vector<16xi32>,
      %max3A_1109 = arith.maxsi %max3A_1104, %get3A_1108 : vector<16xi32>
      %get3A_1110 = arith.constant 17 : i32
      %get3A_1111 = arith.index_cast %get3A_1110 : i32 to index
      %get3A_1112 = arith.constant 96 : index
      %get3A_1113 = tpu.vector_load %arg5[%get3A_1111, %get3A_1112] {strides = array<i32>} : memref<32x128xi32, #tpu.memory_space<vmem>>, vector<16xi32>,
      %max3A_1114 = arith.maxsi %max3A_1109, %get3A_1113 : vector<16xi32>
      %get3A_1115 = arith.constant 18 : i32
      %get3A_1116 = arith.index_cast %get3A_1115 : i32 to index
      %get3A_1117 = arith.constant 96 : index
      %get3A_1118 = tpu.vector_load %arg5[%get3A_1116, %get3A_1117] {strides = array<i32>} : memref<32x128xi32, #tpu.memory_space<vmem>>, vector<16xi32>,
      %max3A_1119 = arith.maxsi %max3A_1114, %get3A_1118 : vector<16xi32>
      %get3A_1120 = arith.constant 19 : i32
      %get3A_1121 = arith.index_cast %get3A_1120 : i32 to index
      %get3A_1122 = arith.constant 96 : index
      %get3A_1123 = tpu.vector_load %arg5[%get3A_1121, %get3A_1122] {strides = array<i32>} : memref<32x128xi32, #tpu.memory_space<vmem>>, vector<16xi32>,
      %max3A_1124 = arith.maxsi %max3A_1119, %get3A_1123 : vector<16xi32>
      %get3A_1125 = arith.constant 20 : i32
      %get3A_1126 = arith.index_cast %get3A_1125 : i32 to index
      %get3A_1127 = arith.constant 96 : index
      %get3A_1128 = tpu.vector_load %arg5[%get3A_1126, %get3A_1127] {strides = array<i32>} : memref<32x128xi32, #tpu.memory_space<vmem>>, vector<16xi32>,
      %max3A_1129 = arith.maxsi %max3A_1124, %get3A_1128 : vector<16xi32>
      %get3A_1130 = arith.constant 21 : i32
      %get3A_1131 = arith.index_cast %get3A_1130 : i32 to index
      %get3A_1132 = arith.constant 96 : index
      %get3A_1133 = tpu.vector_load %arg5[%get3A_1131, %get3A_1132] {strides = array<i32>} : memref<32x128xi32, #tpu.memory_space<vmem>>, vector<16xi32>,
      %max3A_1134 = arith.maxsi %max3A_1129, %get3A_1133 : vector<16xi32>
      %get3A_1135 = arith.constant 22 : i32
      %get3A_1136 = arith.index_cast %get3A_1135 : i32 to index
      %get3A_1137 = arith.constant 96 : index
      %get3A_1138 = tpu.vector_load %arg5[%get3A_1136, %get3A_1137] {strides = array<i32>} : memref<32x128xi32, #tpu.memory_space<vmem>>, vector<16xi32>,
      %max3A_1139 = arith.maxsi %max3A_1134, %get3A_1138 : vector<16xi32>
      %get3A_1140 = arith.constant 23 : i32
      %get3A_1141 = arith.index_cast %get3A_1140 : i32 to index
      %get3A_1142 = arith.constant 96 : index
      %get3A_1143 = tpu.vector_load %arg5[%get3A_1141, %get3A_1142] {strides = array<i32>} : memref<32x128xi32, #tpu.memory_space<vmem>>, vector<16xi32>,
      %max3A_1144 = arith.maxsi %max3A_1139, %get3A_1143 : vector<16xi32>
      %get3A_1145 = arith.constant 24 : i32
      %get3A_1146 = arith.index_cast %get3A_1145 : i32 to index
      %get3A_1147 = arith.constant 96 : index
      %get3A_1148 = tpu.vector_load %arg5[%get3A_1146, %get3A_1147] {strides = array<i32>} : memref<32x128xi32, #tpu.memory_space<vmem>>, vector<16xi32>,
      %max3A_1149 = arith.maxsi %max3A_1144, %get3A_1148 : vector<16xi32>
      %get3A_1150 = arith.constant 25 : i32
      %get3A_1151 = arith.index_cast %get3A_1150 : i32 to index
      %get3A_1152 = arith.constant 96 : index
      %get3A_1153 = tpu.vector_load %arg5[%get3A_1151, %get3A_1152] {strides = array<i32>} : memref<32x128xi32, #tpu.memory_space<vmem>>, vector<16xi32>,
      %max3A_1154 = arith.maxsi %max3A_1149, %get3A_1153 : vector<16xi32>
      %get3A_1155 = arith.constant 26 : i32
      %get3A_1156 = arith.index_cast %get3A_1155 : i32 to index
      %get3A_1157 = arith.constant 96 : index
      %get3A_1158 = tpu.vector_load %arg5[%get3A_1156, %get3A_1157] {strides = array<i32>} : memref<32x128xi32, #tpu.memory_space<vmem>>, vector<16xi32>,
      %max3A_1159 = arith.maxsi %max3A_1154, %get3A_1158 : vector<16xi32>
      %get3A_1160 = arith.constant 27 : i32
      %get3A_1161 = arith.index_cast %get3A_1160 : i32 to index
      %get3A_1162 = arith.constant 96 : index
      %get3A_1163 = tpu.vector_load %arg5[%get3A_1161, %get3A_1162] {strides = array<i32>} : memref<32x128xi32, #tpu.memory_space<vmem>>, vector<16xi32>,
      %max3A_1164 = arith.maxsi %max3A_1159, %get3A_1163 : vector<16xi32>
      %get3A_1165 = arith.constant 28 : i32
      %get3A_1166 = arith.index_cast %get3A_1165 : i32 to index
      %get3A_1167 = arith.constant 96 : index
      %get3A_1168 = tpu.vector_load %arg5[%get3A_1166, %get3A_1167] {strides = array<i32>} : memref<32x128xi32, #tpu.memory_space<vmem>>, vector<16xi32>,
      %max3A_1169 = arith.maxsi %max3A_1164, %get3A_1168 : vector<16xi32>
      %get3A_1170 = arith.constant 29 : i32
      %get3A_1171 = arith.index_cast %get3A_1170 : i32 to index
      %get3A_1172 = arith.constant 96 : index
      %get3A_1173 = tpu.vector_load %arg5[%get3A_1171, %get3A_1172] {strides = array<i32>} : memref<32x128xi32, #tpu.memory_space<vmem>>, vector<16xi32>,
      %max3A_1174 = arith.maxsi %max3A_1169, %get3A_1173 : vector<16xi32>
      %get3A_1175 = arith.constant 30 : i32
      %get3A_1176 = arith.index_cast %get3A_1175 : i32 to index
      %get3A_1177 = arith.constant 96 : index
      %get3A_1178 = tpu.vector_load %arg5[%get3A_1176, %get3A_1177] {strides = array<i32>} : memref<32x128xi32, #tpu.memory_space<vmem>>, vector<16xi32>,
      %max3A_1179 = arith.maxsi %max3A_1174, %get3A_1178 : vector<16xi32>
      %get3A_1180 = arith.constant 31 : i32
      %get3A_1181 = arith.index_cast %get3A_1180 : i32 to index
      %get3A_1182 = arith.constant 96 : index
      %get3A_1183 = tpu.vector_load %arg5[%get3A_1181, %get3A_1182] {strides = array<i32>} : memref<32x128xi32, #tpu.memory_space<vmem>>, vector<16xi32>,
      %max3A_1184 = arith.maxsi %max3A_1179, %get3A_1183 : vector<16xi32>
      %add3A_1185 = arith.constant 16384 : i32
      %add3A_1186 = arith.addi %add3A_1185, %mul3A_4 : i32
      %add3A_1187 = arith.constant 96 : i32
      %add3A_1188 = arith.addi %add3A_1186, %add3A_1187 : i32
      %broadcast_in_dim3A_1189 = vector.broadcast %add3A_1188 : i32 to vector<16xi32>
      %add3A_1190 = arith.addi %broadcast_in_dim3A_1189, %iota3A : vector<16xi32>
      %lt3A_1191 = arith.constant 0 : i32
      %lt3A_1192 = vector.broadcast %lt3A_1191 : i32 to vector<16xi32>
      %lt3A_1193 = arith.cmpi slt, %max3A_1184, %lt3A_1192 : vector<16xi32>
      %select_n3A_1194 = arith.select %lt3A_1193, %add3A_1190, %max3A_1184 : vector<16xi1>, vector<16xi32>
      %swap3A_1195 = arith.constant 96 : index
      %swap3A_1196 = tpu.vector_load %arg6[%swap3A_1195] {strides = array<i32>} : memref<128xi32, #tpu.memory_space<vmem>>, vector<16xi32>,
      tpu.vector_store %arg6[%swap3A_1195], %select_n3A_1194 {strides = array<i32>} : memref<128xi32, #tpu.memory_space<vmem>>, vector<16xi32>,
      %get3A_1197 = arith.constant 0 : i32
      %get3A_1198 = arith.index_cast %get3A_1197 : i32 to index
      %get3A_1199 = arith.constant 112 : index
      %get3A_1200 = tpu.vector_load %arg5[%get3A_1198, %get3A_1199] {strides = array<i32>} : memref<32x128xi32, #tpu.memory_space<vmem>>, vector<16xi32>,
      %get3A_1201 = arith.constant 1 : i32
      %get3A_1202 = arith.index_cast %get3A_1201 : i32 to index
      %get3A_1203 = arith.constant 112 : index
      %get3A_1204 = tpu.vector_load %arg5[%get3A_1202, %get3A_1203] {strides = array<i32>} : memref<32x128xi32, #tpu.memory_space<vmem>>, vector<16xi32>,
      %max3A_1205 = arith.maxsi %get3A_1200, %get3A_1204 : vector<16xi32>
      %get3A_1206 = arith.constant 2 : i32
      %get3A_1207 = arith.index_cast %get3A_1206 : i32 to index
      %get3A_1208 = arith.constant 112 : index
      %get3A_1209 = tpu.vector_load %arg5[%get3A_1207, %get3A_1208] {strides = array<i32>} : memref<32x128xi32, #tpu.memory_space<vmem>>, vector<16xi32>,
      %max3A_1210 = arith.maxsi %max3A_1205, %get3A_1209 : vector<16xi32>
      %get3A_1211 = arith.constant 3 : i32
      %get3A_1212 = arith.index_cast %get3A_1211 : i32 to index
      %get3A_1213 = arith.constant 112 : index
      %get3A_1214 = tpu.vector_load %arg5[%get3A_1212, %get3A_1213] {strides = array<i32>} : memref<32x128xi32, #tpu.memory_space<vmem>>, vector<16xi32>,
      %max3A_1215 = arith.maxsi %max3A_1210, %get3A_1214 : vector<16xi32>
      %get3A_1216 = arith.constant 4 : i32
      %get3A_1217 = arith.index_cast %get3A_1216 : i32 to index
      %get3A_1218 = arith.constant 112 : index
      %get3A_1219 = tpu.vector_load %arg5[%get3A_1217, %get3A_1218] {strides = array<i32>} : memref<32x128xi32, #tpu.memory_space<vmem>>, vector<16xi32>,
      %max3A_1220 = arith.maxsi %max3A_1215, %get3A_1219 : vector<16xi32>
      %get3A_1221 = arith.constant 5 : i32
      %get3A_1222 = arith.index_cast %get3A_1221 : i32 to index
      %get3A_1223 = arith.constant 112 : index
      %get3A_1224 = tpu.vector_load %arg5[%get3A_1222, %get3A_1223] {strides = array<i32>} : memref<32x128xi32, #tpu.memory_space<vmem>>, vector<16xi32>,
      %max3A_1225 = arith.maxsi %max3A_1220, %get3A_1224 : vector<16xi32>
      %get3A_1226 = arith.constant 6 : i32
      %get3A_1227 = arith.index_cast %get3A_1226 : i32 to index
      %get3A_1228 = arith.constant 112 : index
      %get3A_1229 = tpu.vector_load %arg5[%get3A_1227, %get3A_1228] {strides = array<i32>} : memref<32x128xi32, #tpu.memory_space<vmem>>, vector<16xi32>,
      %max3A_1230 = arith.maxsi %max3A_1225, %get3A_1229 : vector<16xi32>
      %get3A_1231 = arith.constant 7 : i32
      %get3A_1232 = arith.index_cast %get3A_1231 : i32 to index
      %get3A_1233 = arith.constant 112 : index
      %get3A_1234 = tpu.vector_load %arg5[%get3A_1232, %get3A_1233] {strides = array<i32>} : memref<32x128xi32, #tpu.memory_space<vmem>>, vector<16xi32>,
      %max3A_1235 = arith.maxsi %max3A_1230, %get3A_1234 : vector<16xi32>
      %get3A_1236 = arith.constant 8 : i32
      %get3A_1237 = arith.index_cast %get3A_1236 : i32 to index
      %get3A_1238 = arith.constant 112 : index
      %get3A_1239 = tpu.vector_load %arg5[%get3A_1237, %get3A_1238] {strides = array<i32>} : memref<32x128xi32, #tpu.memory_space<vmem>>, vector<16xi32>,
      %max3A_1240 = arith.maxsi %max3A_1235, %get3A_1239 : vector<16xi32>
      %get3A_1241 = arith.constant 9 : i32
      %get3A_1242 = arith.index_cast %get3A_1241 : i32 to index
      %get3A_1243 = arith.constant 112 : index
      %get3A_1244 = tpu.vector_load %arg5[%get3A_1242, %get3A_1243] {strides = array<i32>} : memref<32x128xi32, #tpu.memory_space<vmem>>, vector<16xi32>,
      %max3A_1245 = arith.maxsi %max3A_1240, %get3A_1244 : vector<16xi32>
      %get3A_1246 = arith.constant 10 : i32
      %get3A_1247 = arith.index_cast %get3A_1246 : i32 to index
      %get3A_1248 = arith.constant 112 : index
      %get3A_1249 = tpu.vector_load %arg5[%get3A_1247, %get3A_1248] {strides = array<i32>} : memref<32x128xi32, #tpu.memory_space<vmem>>, vector<16xi32>,
      %max3A_1250 = arith.maxsi %max3A_1245, %get3A_1249 : vector<16xi32>
      %get3A_1251 = arith.constant 11 : i32
      %get3A_1252 = arith.index_cast %get3A_1251 : i32 to index
      %get3A_1253 = arith.constant 112 : index
      %get3A_1254 = tpu.vector_load %arg5[%get3A_1252, %get3A_1253] {strides = array<i32>} : memref<32x128xi32, #tpu.memory_space<vmem>>, vector<16xi32>,
      %max3A_1255 = arith.maxsi %max3A_1250, %get3A_1254 : vector<16xi32>
      %get3A_1256 = arith.constant 12 : i32
      %get3A_1257 = arith.index_cast %get3A_1256 : i32 to index
      %get3A_1258 = arith.constant 112 : index
      %get3A_1259 = tpu.vector_load %arg5[%get3A_1257, %get3A_1258] {strides = array<i32>} : memref<32x128xi32, #tpu.memory_space<vmem>>, vector<16xi32>,
      %max3A_1260 = arith.maxsi %max3A_1255, %get3A_1259 : vector<16xi32>
      %get3A_1261 = arith.constant 13 : i32
      %get3A_1262 = arith.index_cast %get3A_1261 : i32 to index
      %get3A_1263 = arith.constant 112 : index
      %get3A_1264 = tpu.vector_load %arg5[%get3A_1262, %get3A_1263] {strides = array<i32>} : memref<32x128xi32, #tpu.memory_space<vmem>>, vector<16xi32>,
      %max3A_1265 = arith.maxsi %max3A_1260, %get3A_1264 : vector<16xi32>
      %get3A_1266 = arith.constant 14 : i32
      %get3A_1267 = arith.index_cast %get3A_1266 : i32 to index
      %get3A_1268 = arith.constant 112 : index
      %get3A_1269 = tpu.vector_load %arg5[%get3A_1267, %get3A_1268] {strides = array<i32>} : memref<32x128xi32, #tpu.memory_space<vmem>>, vector<16xi32>,
      %max3A_1270 = arith.maxsi %max3A_1265, %get3A_1269 : vector<16xi32>
      %get3A_1271 = arith.constant 15 : i32
      %get3A_1272 = arith.index_cast %get3A_1271 : i32 to index
      %get3A_1273 = arith.constant 112 : index
      %get3A_1274 = tpu.vector_load %arg5[%get3A_1272, %get3A_1273] {strides = array<i32>} : memref<32x128xi32, #tpu.memory_space<vmem>>, vector<16xi32>,
      %max3A_1275 = arith.maxsi %max3A_1270, %get3A_1274 : vector<16xi32>
      %get3A_1276 = arith.constant 16 : i32
      %get3A_1277 = arith.index_cast %get3A_1276 : i32 to index
      %get3A_1278 = arith.constant 112 : index
      %get3A_1279 = tpu.vector_load %arg5[%get3A_1277, %get3A_1278] {strides = array<i32>} : memref<32x128xi32, #tpu.memory_space<vmem>>, vector<16xi32>,
      %max3A_1280 = arith.maxsi %max3A_1275, %get3A_1279 : vector<16xi32>
      %get3A_1281 = arith.constant 17 : i32
      %get3A_1282 = arith.index_cast %get3A_1281 : i32 to index
      %get3A_1283 = arith.constant 112 : index
      %get3A_1284 = tpu.vector_load %arg5[%get3A_1282, %get3A_1283] {strides = array<i32>} : memref<32x128xi32, #tpu.memory_space<vmem>>, vector<16xi32>,
      %max3A_1285 = arith.maxsi %max3A_1280, %get3A_1284 : vector<16xi32>
      %get3A_1286 = arith.constant 18 : i32
      %get3A_1287 = arith.index_cast %get3A_1286 : i32 to index
      %get3A_1288 = arith.constant 112 : index
      %get3A_1289 = tpu.vector_load %arg5[%get3A_1287, %get3A_1288] {strides = array<i32>} : memref<32x128xi32, #tpu.memory_space<vmem>>, vector<16xi32>,
      %max3A_1290 = arith.maxsi %max3A_1285, %get3A_1289 : vector<16xi32>
      %get3A_1291 = arith.constant 19 : i32
      %get3A_1292 = arith.index_cast %get3A_1291 : i32 to index
      %get3A_1293 = arith.constant 112 : index
      %get3A_1294 = tpu.vector_load %arg5[%get3A_1292, %get3A_1293] {strides = array<i32>} : memref<32x128xi32, #tpu.memory_space<vmem>>, vector<16xi32>,
      %max3A_1295 = arith.maxsi %max3A_1290, %get3A_1294 : vector<16xi32>
      %get3A_1296 = arith.constant 20 : i32
      %get3A_1297 = arith.index_cast %get3A_1296 : i32 to index
      %get3A_1298 = arith.constant 112 : index
      %get3A_1299 = tpu.vector_load %arg5[%get3A_1297, %get3A_1298] {strides = array<i32>} : memref<32x128xi32, #tpu.memory_space<vmem>>, vector<16xi32>,
      %max3A_1300 = arith.maxsi %max3A_1295, %get3A_1299 : vector<16xi32>
      %get3A_1301 = arith.constant 21 : i32
      %get3A_1302 = arith.index_cast %get3A_1301 : i32 to index
      %get3A_1303 = arith.constant 112 : index
      %get3A_1304 = tpu.vector_load %arg5[%get3A_1302, %get3A_1303] {strides = array<i32>} : memref<32x128xi32, #tpu.memory_space<vmem>>, vector<16xi32>,
      %max3A_1305 = arith.maxsi %max3A_1300, %get3A_1304 : vector<16xi32>
      %get3A_1306 = arith.constant 22 : i32
      %get3A_1307 = arith.index_cast %get3A_1306 : i32 to index
      %get3A_1308 = arith.constant 112 : index
      %get3A_1309 = tpu.vector_load %arg5[%get3A_1307, %get3A_1308] {strides = array<i32>} : memref<32x128xi32, #tpu.memory_space<vmem>>, vector<16xi32>,
      %max3A_1310 = arith.maxsi %max3A_1305, %get3A_1309 : vector<16xi32>
      %get3A_1311 = arith.constant 23 : i32
      %get3A_1312 = arith.index_cast %get3A_1311 : i32 to index
      %get3A_1313 = arith.constant 112 : index
      %get3A_1314 = tpu.vector_load %arg5[%get3A_1312, %get3A_1313] {strides = array<i32>} : memref<32x128xi32, #tpu.memory_space<vmem>>, vector<16xi32>,
      %max3A_1315 = arith.maxsi %max3A_1310, %get3A_1314 : vector<16xi32>
      %get3A_1316 = arith.constant 24 : i32
      %get3A_1317 = arith.index_cast %get3A_1316 : i32 to index
      %get3A_1318 = arith.constant 112 : index
      %get3A_1319 = tpu.vector_load %arg5[%get3A_1317, %get3A_1318] {strides = array<i32>} : memref<32x128xi32, #tpu.memory_space<vmem>>, vector<16xi32>,
      %max3A_1320 = arith.maxsi %max3A_1315, %get3A_1319 : vector<16xi32>
      %get3A_1321 = arith.constant 25 : i32
      %get3A_1322 = arith.index_cast %get3A_1321 : i32 to index
      %get3A_1323 = arith.constant 112 : index
      %get3A_1324 = tpu.vector_load %arg5[%get3A_1322, %get3A_1323] {strides = array<i32>} : memref<32x128xi32, #tpu.memory_space<vmem>>, vector<16xi32>,
      %max3A_1325 = arith.maxsi %max3A_1320, %get3A_1324 : vector<16xi32>
      %get3A_1326 = arith.constant 26 : i32
      %get3A_1327 = arith.index_cast %get3A_1326 : i32 to index
      %get3A_1328 = arith.constant 112 : index
      %get3A_1329 = tpu.vector_load %arg5[%get3A_1327, %get3A_1328] {strides = array<i32>} : memref<32x128xi32, #tpu.memory_space<vmem>>, vector<16xi32>,
      %max3A_1330 = arith.maxsi %max3A_1325, %get3A_1329 : vector<16xi32>
      %get3A_1331 = arith.constant 27 : i32
      %get3A_1332 = arith.index_cast %get3A_1331 : i32 to index
      %get3A_1333 = arith.constant 112 : index
      %get3A_1334 = tpu.vector_load %arg5[%get3A_1332, %get3A_1333] {strides = array<i32>} : memref<32x128xi32, #tpu.memory_space<vmem>>, vector<16xi32>,
      %max3A_1335 = arith.maxsi %max3A_1330, %get3A_1334 : vector<16xi32>
      %get3A_1336 = arith.constant 28 : i32
      %get3A_1337 = arith.index_cast %get3A_1336 : i32 to index
      %get3A_1338 = arith.constant 112 : index
      %get3A_1339 = tpu.vector_load %arg5[%get3A_1337, %get3A_1338] {strides = array<i32>} : memref<32x128xi32, #tpu.memory_space<vmem>>, vector<16xi32>,
      %max3A_1340 = arith.maxsi %max3A_1335, %get3A_1339 : vector<16xi32>
      %get3A_1341 = arith.constant 29 : i32
      %get3A_1342 = arith.index_cast %get3A_1341 : i32 to index
      %get3A_1343 = arith.constant 112 : index
      %get3A_1344 = tpu.vector_load %arg5[%get3A_1342, %get3A_1343] {strides = array<i32>} : memref<32x128xi32, #tpu.memory_space<vmem>>, vector<16xi32>,
      %max3A_1345 = arith.maxsi %max3A_1340, %get3A_1344 : vector<16xi32>
      %get3A_1346 = arith.constant 30 : i32
      %get3A_1347 = arith.index_cast %get3A_1346 : i32 to index
      %get3A_1348 = arith.constant 112 : index
      %get3A_1349 = tpu.vector_load %arg5[%get3A_1347, %get3A_1348] {strides = array<i32>} : memref<32x128xi32, #tpu.memory_space<vmem>>, vector<16xi32>,
      %max3A_1350 = arith.maxsi %max3A_1345, %get3A_1349 : vector<16xi32>
      %get3A_1351 = arith.constant 31 : i32
      %get3A_1352 = arith.index_cast %get3A_1351 : i32 to index
      %get3A_1353 = arith.constant 112 : index
      %get3A_1354 = tpu.vector_load %arg5[%get3A_1352, %get3A_1353] {strides = array<i32>} : memref<32x128xi32, #tpu.memory_space<vmem>>, vector<16xi32>,
      %max3A_1355 = arith.maxsi %max3A_1350, %get3A_1354 : vector<16xi32>
      %add3A_1356 = arith.constant 16384 : i32
      %add3A_1357 = arith.addi %add3A_1356, %mul3A_4 : i32
      %add3A_1358 = arith.constant 112 : i32
      %add3A_1359 = arith.addi %add3A_1357, %add3A_1358 : i32
      %broadcast_in_dim3A_1360 = vector.broadcast %add3A_1359 : i32 to vector<16xi32>
      %add3A_1361 = arith.addi %broadcast_in_dim3A_1360, %iota3A : vector<16xi32>
      %lt3A_1362 = arith.constant 0 : i32
      %lt3A_1363 = vector.broadcast %lt3A_1362 : i32 to vector<16xi32>
      %lt3A_1364 = arith.cmpi slt, %max3A_1355, %lt3A_1363 : vector<16xi32>
      %select_n3A_1365 = arith.select %lt3A_1364, %add3A_1361, %max3A_1355 : vector<16xi1>, vector<16xi32>
      %swap3A_1366 = arith.constant 112 : index
      %swap3A_1367 = tpu.vector_load %arg6[%swap3A_1366] {strides = array<i32>} : memref<128xi32, #tpu.memory_space<vmem>>, vector<16xi32>,
      tpu.vector_store %arg6[%swap3A_1366], %select_n3A_1365 {strides = array<i32>} : memref<128xi32, #tpu.memory_space<vmem>>, vector<16xi32>,
      %dma_start3A = arith.constant 0 : i32
      %dma_start3A_1368 = arith.constant 0 : i32
      %dma_start3A_1369 = tpu.memref_slice %arg3[%dma_start3A, %dma_start3A_1368] : memref<18432x128xf32, #tpu.memory_space<hbm>> -> memref<18432x128xf32, #tpu.memory_space<hbm>>
      tpu.enqueue_indirect_dma source(%dma_start3A_1369 : memref<18432x128xf32, #tpu.memory_space<hbm>>) target(%arg7 : memref<128x128xf32, #tpu.memory_space<vmem>>) offsets(%arg6 : memref<128xi32, #tpu.memory_space<vmem>>) semaphore(%arg8 : memref<!tpu.dma_semaphore, #tpu.memory_space<semaphore_mem>>)
      %dma_wait3A = arith.constant 0 : i32
      %dma_wait3A_1370 = arith.constant 0 : i32
      %dma_wait3A_1371 = tpu.memref_slice %arg3[%dma_wait3A, %dma_wait3A_1370] : memref<18432x128xf32, #tpu.memory_space<hbm>> -> memref<18432x128xf32, #tpu.memory_space<hbm>>
      tpu.wait_indirect_dma semaphore(%arg8 : memref<!tpu.dma_semaphore, #tpu.memory_space<semaphore_mem>>) src(%dma_wait3A_1371 : memref<18432x128xf32, #tpu.memory_space<hbm>>) dst(%arg7 : memref<128x128xf32, #tpu.memory_space<vmem>>)
      %lt3A_1372 = arith.constant 7 : i32
      %lt3A_1373 = arith.cmpi slt, %add3A, %lt3A_1372 : i32
      %convert_element_type3A_1374 = arith.extui %lt3A_1373 : i1 to i32
      %cond3A_1375 = arith.constant 0 : i32
      %cond3A_1376 = arith.cmpi ne, %convert_element_type3A_1374, %cond3A_1375 : i32
      scf.if %cond3A_1376 {
        "tpu.region"() ({
          %run_scoped3A = tpu.sem_alloc : memref<!tpu.dma_semaphore, #tpu.memory_space<semaphore_mem>>
          %dma_start3A_1381 = arith.constant 0 : i32
          %dma_start3A_1382 = tpu.memref_slice %arg4[%mul3A_4, %dma_start3A_1381] : memref<1000x128xf32, #tpu.memory_space<hbm>> -> memref<128x128xf32, #tpu.memory_space<hbm>>
          %dma_start3A_1383 = arith.constant 0 : i32
          %dma_start3A_1384 = tpu.memref_slice %arg4[%mul3A_4, %dma_start3A_1383] : memref<1000x128xf32, #tpu.memory_space<hbm>> -> memref<128x128xf32, #tpu.memory_space<hbm>>
          tpu.enqueue_dma source(%arg7 : memref<128x128xf32, #tpu.memory_space<vmem>>) target(%dma_start3A_1384 : memref<128x128xf32, #tpu.memory_space<hbm>>) target_semaphore(%run_scoped3A : memref<!tpu.dma_semaphore, #tpu.memory_space<semaphore_mem>>)
          %dma_wait3A_1385 = arith.constant 0 : i32
          %dma_wait3A_1386 = tpu.memref_slice %arg4[%mul3A_4, %dma_wait3A_1385] : memref<1000x128xf32, #tpu.memory_space<hbm>> -> memref<128x128xf32, #tpu.memory_space<hbm>>
          %dma_wait3A_1387 = arith.constant 0 : i32
          %dma_wait3A_1388 = tpu.memref_slice %arg4[%mul3A_4, %dma_wait3A_1387] : memref<1000x128xf32, #tpu.memory_space<hbm>> -> memref<128x128xf32, #tpu.memory_space<hbm>>
          tpu.wait_dma2 semaphore(%run_scoped3A : memref<!tpu.dma_semaphore, #tpu.memory_space<semaphore_mem>>) src(%arg7 : memref<128x128xf32, #tpu.memory_space<vmem>>) dst(%dma_wait3A_1388 : memref<128x128xf32, #tpu.memory_space<hbm>>)
          tpu.yield
        }) : () -> ()
      } else {
      }
      %eq3A = arith.constant 7 : i32
      %eq3A_1377 = arith.cmpi eq, %add3A, %eq3A : i32
      %convert_element_type3A_1378 = arith.extui %eq3A_1377 : i1 to i32
      %cond3A_1379 = arith.constant 0 : i32
      %cond3A_1380 = arith.cmpi ne, %convert_element_type3A_1378, %cond3A_1379 : i32
      scf.if %cond3A_1380 {
        "tpu.region"() ({
          %run_scoped3A = tpu.sem_alloc : memref<!tpu.dma_semaphore, #tpu.memory_space<semaphore_mem>>
          %dma_start3A_1381 = arith.constant 0 : i32
          %dma_start3A_1382 = arith.constant 0 : i32
          %dma_start3A_1383 = tpu.memref_slice %arg7[%dma_start3A_1381, %dma_start3A_1382] : memref<128x128xf32, #tpu.memory_space<vmem>> -> memref<104x128xf32, #tpu.memory_space<vmem>>
          %dma_start3A_1384 = arith.constant 896 : i32
          %dma_start3A_1385 = arith.constant 0 : i32
          %dma_start3A_1386 = tpu.memref_slice %arg4[%dma_start3A_1384, %dma_start3A_1385] : memref<1000x128xf32, #tpu.memory_space<hbm>> -> memref<104x128xf32, #tpu.memory_space<hbm>>
          %dma_start3A_1387 = arith.constant 896 : i32
          %dma_start3A_1388 = arith.constant 0 : i32
          %dma_start3A_1389 = tpu.memref_slice %arg4[%dma_start3A_1387, %dma_start3A_1388] : memref<1000x128xf32, #tpu.memory_space<hbm>> -> memref<104x128xf32, #tpu.memory_space<hbm>>
          %dma_start3A_1390 = arith.constant 0 : i32
          %dma_start3A_1391 = arith.constant 0 : i32
          %dma_start3A_1392 = tpu.memref_slice %arg7[%dma_start3A_1390, %dma_start3A_1391] : memref<128x128xf32, #tpu.memory_space<vmem>> -> memref<104x128xf32, #tpu.memory_space<vmem>>
          tpu.enqueue_dma source(%dma_start3A_1392 : memref<104x128xf32, #tpu.memory_space<vmem>>) target(%dma_start3A_1389 : memref<104x128xf32, #tpu.memory_space<hbm>>) target_semaphore(%run_scoped3A : memref<!tpu.dma_semaphore, #tpu.memory_space<semaphore_mem>>)
          %dma_wait3A_1393 = arith.constant 0 : i32
          %dma_wait3A_1394 = arith.constant 0 : i32
          %dma_wait3A_1395 = tpu.memref_slice %arg7[%dma_wait3A_1393, %dma_wait3A_1394] : memref<128x128xf32, #tpu.memory_space<vmem>> -> memref<104x128xf32, #tpu.memory_space<vmem>>
          %dma_wait3A_1396 = arith.constant 896 : i32
          %dma_wait3A_1397 = arith.constant 0 : i32
          %dma_wait3A_1398 = tpu.memref_slice %arg4[%dma_wait3A_1396, %dma_wait3A_1397] : memref<1000x128xf32, #tpu.memory_space<hbm>> -> memref<104x128xf32, #tpu.memory_space<hbm>>
          %dma_wait3A_1399 = arith.constant 896 : i32
          %dma_wait3A_1400 = arith.constant 0 : i32
          %dma_wait3A_1401 = tpu.memref_slice %arg4[%dma_wait3A_1399, %dma_wait3A_1400] : memref<1000x128xf32, #tpu.memory_space<hbm>> -> memref<104x128xf32, #tpu.memory_space<hbm>>
          %dma_wait3A_1402 = arith.constant 0 : i32
          %dma_wait3A_1403 = arith.constant 0 : i32
          %dma_wait3A_1404 = tpu.memref_slice %arg7[%dma_wait3A_1402, %dma_wait3A_1403] : memref<128x128xf32, #tpu.memory_space<vmem>> -> memref<104x128xf32, #tpu.memory_space<vmem>>
          tpu.wait_dma2 semaphore(%run_scoped3A : memref<!tpu.dma_semaphore, #tpu.memory_space<semaphore_mem>>) src(%dma_wait3A_1404 : memref<104x128xf32, #tpu.memory_space<vmem>>) dst(%dma_wait3A_1401 : memref<104x128xf32, #tpu.memory_space<hbm>>)
          tpu.yield
        }) : () -> ()
      } else {
      }
    } else {
    }
    return
  }
}

module attributes {stable_mosaic.version = 14 : i64} {
  func.func @_tc_body(%arg0: i32, %arg1: memref<2048x64xf32, #tpu.memory_space<vmem>>, %arg2: memref<2048x128xf32, #tpu.memory_space<vmem>>, %arg3: memref<1000x128xf32, #tpu.memory_space<vmem>>, %arg4: memref<112x168xf32, #tpu.memory_space<vmem>>, %arg5: memref<48x48xf32, #tpu.memory_space<vmem>>, %arg6: memref<48x24xf32, #tpu.memory_space<vmem>>, %arg7: memref<1x168xf32, #tpu.memory_space<vmem>>, %arg8: memref<1x24xf32, #tpu.memory_space<vmem>>, %arg9: memref<24x1xf32, #tpu.memory_space<vmem>>, %arg10: memref<1x1xf32, #tpu.memory_space<vmem>>, %arg11: memref<2048x1xf32, #tpu.memory_space<vmem>>, %arg12: memref<2048x128xf32, #tpu.memory_space<vmem>>) attributes {dimension_semantics = [#tpu.dimension_semantics<arbitrary>], iteration_bounds = array<i64: 9>, scalar_prefetch = 0 : i64, scratch_operands = 0 : i64, tpu.core_type = #tpu.core_type<tc>, window_params = [{transform_indices = @transform_0, window_bounds = array<i64: 2048, 64>}, {transform_indices = @transform_1, window_bounds = array<i64: 2048, 128>}, {pipeline_mode = #tpu.pipeline_mode<synchronous>, transform_indices = @transform_2, window_bounds = array<i64: 1000, 128>}, {pipeline_mode = #tpu.pipeline_mode<synchronous>, transform_indices = @transform_3, window_bounds = array<i64: 112, 168>}, {pipeline_mode = #tpu.pipeline_mode<synchronous>, transform_indices = @transform_4, window_bounds = array<i64: 48, 48>}, {pipeline_mode = #tpu.pipeline_mode<synchronous>, transform_indices = @transform_5, window_bounds = array<i64: 48, 24>}, {pipeline_mode = #tpu.pipeline_mode<synchronous>, transform_indices = @transform_6, window_bounds = array<i64: 1, 168>}, {pipeline_mode = #tpu.pipeline_mode<synchronous>, transform_indices = @transform_7, window_bounds = array<i64: 1, 24>}, {pipeline_mode = #tpu.pipeline_mode<synchronous>, transform_indices = @transform_8, window_bounds = array<i64: 24, 1>}, {pipeline_mode = #tpu.pipeline_mode<synchronous>, transform_indices = @transform_9, window_bounds = array<i64: 1, 1>}, {transform_indices = @transform_10, window_bounds = array<i64: 2048, 1>}, {transform_indices = @transform_11, window_bounds = array<i64: 2048, 128>}]} {
    %lt3A = arith.constant 8 : i32
    %lt3A_0 = arith.cmpi slt, %arg0, %lt3A : i32
    %convert_element_type3A = arith.extui %lt3A_0 : i1 to i32
    %cond3A = arith.constant 0 : i32
    %cond3A_1 = arith.cmpi ne, %convert_element_type3A, %cond3A : i32
    scf.if %cond3A_1 {
      %get3A = arith.constant 0 : index
      %get3A_6 = arith.constant 0 : index
      %get3A_7 = vector.load %arg1[%get3A, %get3A_6] : memref<2048x64xf32, #tpu.memory_space<vmem>>, vector<2048x64xf32>
      %get3A_8 = arith.constant 0 : index
      %get3A_9 = arith.constant 0 : index
      %get3A_10 = vector.load %arg2[%get3A_8, %get3A_9] : memref<2048x128xf32, #tpu.memory_space<vmem>>, vector<2048x48xf32>
      %concatenate3A = tpu.concatenate %get3A_7, %get3A_10 in 1 : vector<2048x64xf32>, vector<2048x48xf32> -> vector<2048x112xf32>
      %get3A_11 = arith.constant 0 : index
      %get3A_12 = arith.constant 0 : index
      %get3A_13 = vector.load %arg4[%get3A_11, %get3A_12] : memref<112x168xf32, #tpu.memory_space<vmem>>, vector<112x168xf32>
      %dot_general3A = arith.constant dense<0.000000e+00> : vector<2048x168xf32>
      %dot_general3A_14 = tpu.matmul %concatenate3A, %get3A_13, %dot_general3A {dimension_numbers = #tpu.dot_dimension_numbers<[1], [0], [0], [1], [0, 0, 1, 1], [], []>, transpose_lhs_hint = false} : vector<2048x112xf32>, vector<112x168xf32>, vector<2048x168xf32> -> vector<2048x168xf32>
      %get3A_15 = arith.constant 0 : index
      %get3A_16 = arith.constant 0 : index
      %get3A_17 = vector.load %arg7[%get3A_15, %get3A_16] : memref<1x168xf32, #tpu.memory_space<vmem>>, vector<1x168xf32>
      %add3A = vector.broadcast %get3A_17 : vector<1x168xf32> to vector<2048x168xf32>
      %add3A_18 = arith.addf %dot_general3A_14, %add3A : vector<2048x168xf32>
      %slice3A = vector.extract_strided_slice %add3A_18 {offsets = [0, 0], sizes = [2048, 96], strides = [1, 1]} : vector<2048x168xf32> to vector<2048x96xf32>
      %logistic3A = arith.negf %slice3A : vector<2048x96xf32>
      %logistic3A_19 = math.exp %logistic3A : vector<2048x96xf32>
      %logistic3A_20 = arith.constant 1.000000e+00 : f32
      %logistic3A_21 = vector.broadcast %logistic3A_20 : f32 to vector<2048x96xf32>
      %logistic3A_22 = arith.addf %logistic3A_21, %logistic3A_19 : vector<2048x96xf32>
      %logistic3A_23 = arith.divf %logistic3A_21, %logistic3A_22 : vector<2048x96xf32>
      %slice3A_24 = vector.extract_strided_slice %logistic3A_23 {offsets = [0, 0], sizes = [2048, 48], strides = [1, 1]} : vector<2048x96xf32> to vector<2048x48xf32>
      %slice3A_25 = vector.extract_strided_slice %logistic3A_23 {offsets = [0, 48], sizes = [2048, 48], strides = [1, 1]} : vector<2048x96xf32> to vector<2048x48xf32>
      %slice3A_26 = vector.extract_strided_slice %add3A_18 {offsets = [0, 96], sizes = [2048, 48], strides = [1, 1]} : vector<2048x168xf32> to vector<2048x48xf32>
      %mul3A = arith.mulf %slice3A_25, %get3A_10 : vector<2048x48xf32>
      %get3A_27 = arith.constant 0 : index
      %get3A_28 = arith.constant 0 : index
      %get3A_29 = vector.load %arg5[%get3A_27, %get3A_28] : memref<48x48xf32, #tpu.memory_space<vmem>>, vector<48x48xf32>
      %dot_general3A_30 = arith.constant dense<0.000000e+00> : vector<2048x48xf32>
      %dot_general3A_31 = tpu.matmul %mul3A, %get3A_29, %dot_general3A_30 {dimension_numbers = #tpu.dot_dimension_numbers<[1], [0], [0], [1], [0, 0, 1, 1], [], []>, transpose_lhs_hint = false} : vector<2048x48xf32>, vector<48x48xf32>, vector<2048x48xf32> -> vector<2048x48xf32>
      %add3A_32 = arith.addf %slice3A_26, %dot_general3A_31 : vector<2048x48xf32>
      %tanh3A = math.tanh %add3A_32 : vector<2048x48xf32>
      %mul3A_33 = arith.mulf %slice3A_24, %get3A_10 : vector<2048x48xf32>
      %sub3A = arith.constant 1.000000e+00 : f32
      %sub3A_34 = vector.broadcast %sub3A : f32 to vector<2048x48xf32>
      %sub3A_35 = arith.subf %sub3A_34, %slice3A_24 : vector<2048x48xf32>
      %mul3A_36 = arith.mulf %sub3A_35, %tanh3A : vector<2048x48xf32>
      %add3A_37 = arith.addf %mul3A_33, %mul3A_36 : vector<2048x48xf32>
      %slice3A_38 = vector.extract_strided_slice %add3A_18 {offsets = [0, 144], sizes = [2048, 24], strides = [1, 1]} : vector<2048x168xf32> to vector<2048x24xf32>
      %get3A_39 = arith.constant 0 : index
      %get3A_40 = arith.constant 0 : index
      %get3A_41 = vector.load %arg6[%get3A_39, %get3A_40] : memref<48x24xf32, #tpu.memory_space<vmem>>, vector<48x24xf32>
      %dot_general3A_42 = arith.constant dense<0.000000e+00> : vector<2048x24xf32>
      %dot_general3A_43 = tpu.matmul %add3A_37, %get3A_41, %dot_general3A_42 {dimension_numbers = #tpu.dot_dimension_numbers<[1], [0], [0], [1], [0, 0, 1, 1], [], []>, transpose_lhs_hint = false} : vector<2048x48xf32>, vector<48x24xf32>, vector<2048x24xf32> -> vector<2048x24xf32>
      %add3A_44 = arith.addf %slice3A_38, %dot_general3A_43 : vector<2048x24xf32>
      %get3A_45 = arith.constant 0 : index
      %get3A_46 = arith.constant 0 : index
      %get3A_47 = vector.load %arg8[%get3A_45, %get3A_46] : memref<1x24xf32, #tpu.memory_space<vmem>>, vector<1x24xf32>
      %add3A_48 = vector.broadcast %get3A_47 : vector<1x24xf32> to vector<2048x24xf32>
      %add3A_49 = arith.addf %add3A_44, %add3A_48 : vector<2048x24xf32>
      %max3A = arith.constant 0.000000e+00 : f32
      %max3A_50 = vector.broadcast %max3A : f32 to vector<2048x24xf32>
      %max3A_51 = arith.maximumf %add3A_49, %max3A_50 : vector<2048x24xf32>
      %get3A_52 = arith.constant 0 : index
      %get3A_53 = arith.constant 0 : index
      %get3A_54 = vector.load %arg9[%get3A_52, %get3A_53] : memref<24x1xf32, #tpu.memory_space<vmem>>, vector<24x1xf32>
      %dot_general3A_55 = arith.constant dense<0.000000e+00> : vector<2048x1xf32>
      %dot_general3A_56 = tpu.matmul %max3A_51, %get3A_54, %dot_general3A_55 {dimension_numbers = #tpu.dot_dimension_numbers<[1], [0], [0], [1], [0, 0, 1, 1], [], []>, transpose_lhs_hint = false} : vector<2048x24xf32>, vector<24x1xf32>, vector<2048x1xf32> -> vector<2048x1xf32>
      %get3A_57 = arith.constant 0 : index
      %get3A_58 = arith.constant 0 : index
      %get3A_59 = vector.load %arg10[%get3A_57, %get3A_58] : memref<1x1xf32, #tpu.memory_space<vmem>>, vector<1x1xf32>
      %add3A_60 = vector.broadcast %get3A_59 : vector<1x1xf32> to vector<2048x1xf32>
      %add3A_61 = arith.addf %dot_general3A_56, %add3A_60 : vector<2048x1xf32>
      %logistic3A_62 = arith.negf %add3A_61 : vector<2048x1xf32>
      %logistic3A_63 = math.exp %logistic3A_62 : vector<2048x1xf32>
      %logistic3A_64 = arith.constant 1.000000e+00 : f32
      %logistic3A_65 = vector.broadcast %logistic3A_64 : f32 to vector<2048x1xf32>
      %logistic3A_66 = arith.addf %logistic3A_65, %logistic3A_63 : vector<2048x1xf32>
      %logistic3A_67 = arith.divf %logistic3A_65, %logistic3A_66 : vector<2048x1xf32>
      %swap3A = arith.constant 0 : index
      %swap3A_68 = arith.constant 0 : index
      %swap3A_69 = vector.load %arg11[%swap3A, %swap3A_68] : memref<2048x1xf32, #tpu.memory_space<vmem>>, vector<2048x1xf32>
      tpu.vector_store %arg11[%swap3A, %swap3A_68], %logistic3A_67 {strides = array<i32>} : memref<2048x1xf32, #tpu.memory_space<vmem>>, vector<2048x1xf32>,
      %broadcast_in_dim3A = arith.constant 0.000000e+00 : f32
      %broadcast_in_dim3A_70 = vector.broadcast %broadcast_in_dim3A : f32 to vector<2048x80xf32>
      %concatenate3A_71 = tpu.concatenate %add3A_37, %broadcast_in_dim3A_70 in 1 : vector<2048x48xf32>, vector<2048x80xf32> -> vector<2048x128xf32>
      %swap3A_72 = arith.constant 0 : index
      %swap3A_73 = arith.constant 0 : index
      %swap3A_74 = vector.load %arg12[%swap3A_72, %swap3A_73] : memref<2048x128xf32, #tpu.memory_space<vmem>>, vector<2048x128xf32>
      tpu.vector_store %arg12[%swap3A_72, %swap3A_73], %concatenate3A_71 {strides = array<i32>} : memref<2048x128xf32, #tpu.memory_space<vmem>>, vector<2048x128xf32>,
    } else {
    }
    %eq3A = arith.constant 8 : i32
    %eq3A_2 = arith.cmpi eq, %arg0, %eq3A : i32
    %convert_element_type3A_3 = arith.extui %eq3A_2 : i1 to i32
    %cond3A_4 = arith.constant 0 : i32
    %cond3A_5 = arith.cmpi ne, %convert_element_type3A_3, %cond3A_4 : i32
    scf.if %cond3A_5 {
      %get3A = arith.constant 0 : index
      %get3A_6 = arith.constant 0 : index
      %get3A_7 = vector.load %arg3[%get3A, %get3A_6] : memref<1000x128xf32, #tpu.memory_space<vmem>>, vector<1000x128xf32>
      %swap3A = arith.constant 0 : index
      %swap3A_8 = arith.constant 0 : index
      %swap3A_9 = vector.load %arg12[%swap3A, %swap3A_8] : memref<2048x128xf32, #tpu.memory_space<vmem>>, vector<1000x128xf32>
      tpu.vector_store %arg12[%swap3A, %swap3A_8], %get3A_7 {strides = array<i32>} : memref<2048x128xf32, #tpu.memory_space<vmem>>, vector<1000x128xf32>,
      %get3A_10 = arith.constant 0 : index
      %get3A_11 = arith.constant 0 : index
      %get3A_12 = vector.load %arg3[%get3A_10, %get3A_11] : memref<1000x128xf32, #tpu.memory_space<vmem>>, vector<24x128xf32>
      %swap3A_13 = arith.constant 1000 : index
      %swap3A_14 = arith.constant 0 : index
      %swap3A_15 = vector.load %arg12[%swap3A_13, %swap3A_14] : memref<2048x128xf32, #tpu.memory_space<vmem>>, vector<24x128xf32>
      tpu.vector_store %arg12[%swap3A_13, %swap3A_14], %get3A_12 {strides = array<i32>} : memref<2048x128xf32, #tpu.memory_space<vmem>>, vector<24x128xf32>,
      %get3A_16 = arith.constant 0 : index
      %get3A_17 = arith.constant 0 : index
      %get3A_18 = vector.load %arg3[%get3A_16, %get3A_17] : memref<1000x128xf32, #tpu.memory_space<vmem>>, vector<1024x128xf32>
      %swap3A_19 = arith.constant 1024 : index
      %swap3A_20 = arith.constant 0 : index
      %swap3A_21 = vector.load %arg12[%swap3A_19, %swap3A_20] : memref<2048x128xf32, #tpu.memory_space<vmem>>, vector<1024x128xf32>
      tpu.vector_store %arg12[%swap3A_19, %swap3A_20], %get3A_18 {strides = array<i32>} : memref<2048x128xf32, #tpu.memory_space<vmem>>, vector<1024x128xf32>,
    } else {
    }
    return
  }
  func.func @transform_0(%arg0: i32) -> (i32, i32) {
    %min3A = arith.constant 7 : i32
    %min3A_0 = arith.minsi %arg0, %min3A : i32
    %c0_i32 = arith.constant 0 : i32
    %c0_i32_1 = arith.constant 0 : i32
    return %min3A_0, %c0_i32 : i32, i32
  }
  func.func @transform_1(%arg0: i32) -> (i32, i32) {
    %min3A = arith.constant 7 : i32
    %min3A_0 = arith.minsi %arg0, %min3A : i32
    %c0_i32 = arith.constant 0 : i32
    %c0_i32_1 = arith.constant 0 : i32
    return %min3A_0, %c0_i32 : i32, i32
  }
  func.func @transform_2(%arg0: i32) -> (i32, i32) {
    %c0_i32 = arith.constant 0 : i32
    %c0_i32_0 = arith.constant 0 : i32
    %c0_i32_1 = arith.constant 0 : i32
    return %c0_i32, %c0_i32_0 : i32, i32
  }
  func.func @transform_3(%arg0: i32) -> (i32, i32) {
    %c0_i32 = arith.constant 0 : i32
    %c0_i32_0 = arith.constant 0 : i32
    %c0_i32_1 = arith.constant 0 : i32
    return %c0_i32, %c0_i32_0 : i32, i32
  }
  func.func @transform_4(%arg0: i32) -> (i32, i32) {
    %c0_i32 = arith.constant 0 : i32
    %c0_i32_0 = arith.constant 0 : i32
    %c0_i32_1 = arith.constant 0 : i32
    return %c0_i32, %c0_i32_0 : i32, i32
  }
  func.func @transform_5(%arg0: i32) -> (i32, i32) {
    %c0_i32 = arith.constant 0 : i32
    %c0_i32_0 = arith.constant 0 : i32
    %c0_i32_1 = arith.constant 0 : i32
    return %c0_i32, %c0_i32_0 : i32, i32
  }
  func.func @transform_6(%arg0: i32) -> (i32, i32) {
    %c0_i32 = arith.constant 0 : i32
    %c0_i32_0 = arith.constant 0 : i32
    %c0_i32_1 = arith.constant 0 : i32
    return %c0_i32, %c0_i32_0 : i32, i32
  }
  func.func @transform_7(%arg0: i32) -> (i32, i32) {
    %c0_i32 = arith.constant 0 : i32
    %c0_i32_0 = arith.constant 0 : i32
    %c0_i32_1 = arith.constant 0 : i32
    return %c0_i32, %c0_i32_0 : i32, i32
  }
  func.func @transform_8(%arg0: i32) -> (i32, i32) {
    %c0_i32 = arith.constant 0 : i32
    %c0_i32_0 = arith.constant 0 : i32
    %c0_i32_1 = arith.constant 0 : i32
    return %c0_i32, %c0_i32_0 : i32, i32
  }
  func.func @transform_9(%arg0: i32) -> (i32, i32) {
    %c0_i32 = arith.constant 0 : i32
    %c0_i32_0 = arith.constant 0 : i32
    %c0_i32_1 = arith.constant 0 : i32
    return %c0_i32, %c0_i32_0 : i32, i32
  }
  func.func @transform_10(%arg0: i32) -> (i32, i32) {
    %min3A = arith.constant 7 : i32
    %min3A_0 = arith.minsi %arg0, %min3A : i32
    %c0_i32 = arith.constant 0 : i32
    %c0_i32_1 = arith.constant 0 : i32
    return %min3A_0, %c0_i32 : i32, i32
  }
  func.func @transform_11(%arg0: i32) -> (i32, i32) {
    %c0_i32 = arith.constant 0 : i32
    %c0_i32_0 = arith.constant 0 : i32
    return %arg0, %c0_i32 : i32, i32
  }
}

</mosaic_0001>

<sc_bundles>
// kernel: kernel.6.cloned.1.call-start
scs
__scs_entry_jumppad:
0x0: {  	(pc) =	sbr.rel $0x88, $3  }
0x1: {  	(tag) =	ssettag $0x0;
	lr =	simm.s32 $0x1  }
0x2: {  	[smem:$0x3F98] =	sst lr;
	_ =	strace $0xD0000000  }
0x3: {  	_ = 	snop  }
0x4: {  	_ = 	snop  }
0x5: {  	_ = 	snop  }
0x6: {  	_ = 	snop  }
0x7: {  	_ = 	snop  }
__scs_overlays_trampoline_lowered:
0x8: {  	[smem:$0x3FA7] =	sst s0  }
0x9: {  	[smem:$0x3FA8] =	sst s1  }
0xa: {  	[smem:$0x3FA9] =	sst s2  }
0xb: {  	[smem:$0x3FAA] =	sst s3  }
0xc: {  	[smem:$0x3FAB] =	sst s4  }
0xd: {  	[smem:$0x3FAC] =	sst s5  }
0xe: {  	[smem:$0x3FAD] =	sst s6  }
0xf: {  	[smem:$0x3FAE] =	sst s7  }
0x10: {  	[smem:$0x3FAF] =	sst s8  }
0x11: {  	[smem:$0x3FB0] =	sst s9;
	s0 =	simm.s32 @!p0 $0x0  }
0x12: {  	s1 =	sld [smem:$0x3F96];
	s0 =	simm.s32 @p0 $0x1  }
0x13: {  	[smem:$0x3FB1] =	sst s0;
	s0 =	simm.s32 @!p1 $0x0  }
0x14: {  	s2 =	sld [smem:$0x3F95];
	s0 =	simm.s32 @p1 $0x1  }
0x15: {  	[smem:$0x3FB2] =	sst s0;
	s0 =	simm.s32 @!p2 $0x0  }
0x16: {  	s3 =	sld [smem:$0x3FDB];
	s0 =	simm.s32 @p2 $0x1  }
0x17: {  	s4 =	simm.s32 $0x1BF5;
	[smem:$0x3FB4] =	sst s0  }
0x18: {  	s0 =	sld [smem:$0x3F97];
	_ =	swait.ge [sflag:s4], $0x0  }
0x19: {  	s7 =	sld [smem:$0x3F98]  }
0x1a: {  	s8 =	sadd.s32 $0xFFFFE003, lr  }
0x1b: {  	s9 =	sadd.s32 $0xFFFFFEF7, lr;
	s5 =	simm.s32 $0xFFFFFFFF;
	p2 =	slt.u32 s8, $0xFFFFF086  }
0x1c: {  	p1 =	slt.u32 s9, $0xF7A;
	s5 =	simm.s32 @!p2 $0x0  }
0x1d: {  	s5 =	simm.s32 @p1 $0x1;
	p0 =	seq.s32 s7, s2  }
0x1e: {  	s7 =	smul.u32 @!p0 $0xF7A, s2;
	p2 =	seq.s32 @!p0 s5, $0x0  }
0x1f: {  	s9 =	smul.u32 $0xF7A, s1;
	s8 =	simm.s32 @!p0 $0x1BF5;
	p2 =	por !p2, p0  }
0x20: {  	[sflag:s8] =	ssyncset.s32 @!p0 $0xFFFFF086;
	s6 =	sadd.s32 @!p0 s3, s7;
	s7 =	simm.s32 @!p0 $0x108  }
0x21: {  	s3 =	sadd.s32 s3, s9;
	s6 =	sadd.s32 @!p0 $0x88, s6;
	s7 =	simm.s32 @p2 $0x1082  }
0x22: {  	[simem:s7], [sflag:s8] =	dma.local @!p0 [hbm:s6], $0xF7A  }
0x23: {  	s9 =	sor.u32 $0xD0000000, s2;
	s6 =	simm.s32 $0x108;
	_ =	swait.ge @!p0 [sflag:s8], $0x0  }
0x24: {  	s3 =	sadd.s32 $0x88, s3;
	s6 =	simm.s32 @!p1 $0x1082;
	[sflag:s4] =	ssyncset.s32 $0xFFFFF086  }
0x25: {  	[simem:s6], [sflag:s4] =	dma.local [hbm:s3], $0xF7A  }
0x26: {  	[smem:$0x3F98] =	sst s1;
	(tag) =	ssettag s2;
	_ =	strace s9  }
0x27: {  	s1 =	sld [smem:$0x3FA8]  }
0x28: {  	s2 =	sld [smem:$0x3FA9]  }
0x29: {  	s4 =	sld [smem:$0x3FAB]  }
0x2a: {  	p0 =	seq.s32 s5, $0x0;
	s5 =	sld [smem:$0x3FAC]  }
0x2b: {  	s6 =	sld [smem:$0x3FAD]  }
0x2c: {  	s7 =	sld [smem:$0x3FAE]  }
0x2d: {  	s3 =	simm.s32 $0x108;
	s8 =	sld [smem:$0x3FAF]  }
0x2e: {  	s3 =	simm.s32 @!p0 $0x1082;
	s9 =	sld [smem:$0x3FB0]  }
0x2f: {  	lr =	sadd.s32 s0, s3;
	s0 =	sld [smem:$0x3FA7]  }
0x30: {  	s3 =	sld [smem:$0x3FAA]  }
0x31: {  	[smem:$0x3FB3] =	sst s10  }
0x32: {  	s10 =	sld [smem:$0x3FB1];
	_ =	sdelay $0x3  }
0x33: {  	p0 =	seq.s32 s10, $0x1;
	s10 =	sld [smem:$0x3FB3];
	_ =	sdelay $0x3  }
0x34: {  	[smem:$0x3FB3] =	sst s10  }
0x35: {  	s10 =	sld [smem:$0x3FB2];
	_ =	sdelay $0x3  }
0x36: {  	p1 =	seq.s32 s10, $0x1;
	s10 =	sld [smem:$0x3FB3];
	_ =	sdelay $0x3  }
0x37: {  	[smem:$0x3FB3] =	sst s10  }
0x38: {  	s10 =	sld [smem:$0x3FB4]  }
0x39: {  	_ = 	snop;
	(pc) =	sbr.ind lr, $3  }
0x3a: {  	_ = 	snop  }
0x3b: {  	_ = 	snop  }
0x3c: {  	p2 =	seq.s32 s10, $0x1;
	s10 =	sld [smem:$0x3FB3]  }
0x3d: {  	_ =	shalt  }
0x3e: {  	_ =	shalt  }
0x3f: {  	_ =	shalt  }
0x40: {  	_ =	shalt  }
0x41: {  	_ =	shalt  }
0x42: {  	_ =	shalt  }
0x43: {  	_ =	shalt  }
0x44: {  	_ =	shalt  }
0x45: {  	_ =	shalt  }
0x46: {  	_ =	shalt  }
0x47: {  	_ =	shalt  }
0x48: {  	_ =	shalt  }
0x49: {  	_ =	shalt  }
0x4a: {  	_ =	shalt  }
0x4b: {  	_ =	shalt  }
0x4c: {  	_ =	shalt  }
0x4d: {  	_ =	shalt  }
0x4e: {  	_ =	shalt  }
0x4f: {  	_ =	shalt  }
0x50: {  	_ =	shalt  }
0x51: {  	_ =	shalt  }
0x52: {  	_ =	shalt  }
0x53: {  	_ =	shalt  }
0x54: {  	_ =	shalt  }
0x55: {  	_ =	shalt  }
0x56: {  	_ =	shalt  }
0x57: {  	_ =	shalt  }
0x58: {  	_ =	shalt  }
0x59: {  	_ =	shalt  }
0x5a: {  	_ =	shalt  }
0x5b: {  	_ =	shalt  }
0x5c: {  	_ =	shalt  }
0x5d: {  	_ =	shalt  }
0x5e: {  	_ =	shalt  }
0x5f: {  	_ =	shalt  }
0x60: {  	_ =	shalt  }
0x61: {  	_ =	shalt  }
0x62: {  	_ =	shalt  }
0x63: {  	_ =	shalt  }
0x64: {  	_ =	shalt  }
0x65: {  	_ =	shalt  }
0x66: {  	_ =	shalt  }
0x67: {  	_ =	shalt  }
0x68: {  	_ =	shalt  }
0x69: {  	_ =	shalt  }
0x6a: {  	_ =	shalt  }
0x6b: {  	_ =	shalt  }
0x6c: {  	_ =	shalt  }
0x6d: {  	_ =	shalt  }
0x6e: {  	_ =	shalt  }
0x6f: {  	_ =	shalt  }
0x70: {  	_ =	shalt  }
0x71: {  	_ =	shalt  }
0x72: {  	_ =	shalt  }
0x73: {  	_ =	shalt  }
0x74: {  	_ =	shalt  }
0x75: {  	_ =	shalt  }
0x76: {  	_ =	shalt  }
0x77: {  	_ =	shalt  }
0x78: {  	_ =	shalt  }
0x79: {  	_ =	shalt  }
0x7a: {  	_ =	shalt  }
0x7b: {  	_ =	shalt  }
0x7c: {  	_ =	shalt  }
0x7d: {  	_ =	shalt  }
0x7e: {  	_ =	shalt  }
0x7f: {  	_ =	shalt  }
0x80: {  	_ =	shalt  }
0x81: {  	_ =	shalt  }
0x82: {  	_ =	shalt  }
0x83: {  	_ =	shalt  }
0x84: {  	_ =	shalt  }
0x85: {  	_ =	shalt  }
0x86: {  	_ =	shalt  }
0x87: {  	_ =	shalt  }
.Lfunc_end0:
.L_simem_size_0:
called_computation_lowered:
.L_overlay_start_0:
0x88: {  	s2 =	sld [smem:$0x3FD9]  }
0x89: {  	s3 =	sld [smem:$0x3FFE];
	_ =	sdelay $0x1  }
0x8a: {  	s1 =	srdreg.scid  }
0x8b: {  	s0 =	sand.u32 $0x1, s1  }
0x8c: {  	s14 =	sshll.u32 s0, $0xA;
	s2 =	sadd.s32 s3, s2  }
0x8d: {  	s2 =	sadd.s32 s2, s14  }
0x8e: {  	[smem:$0x3FBF] =	sst s2  }
0x8f: {  	_ = 	snop  }
0x90: {  	s2 =	sld [smem:$0x3FD0];
	_ =	sdelay $0x2  }
0x91: {  	s15 =	simm.s32 $0xA;
	s4 =	simm.s32 $0x10  }
0x92: {  	[smem:s4], [sflag:s15] =	dma.local [hbm:s2], $0x1  }
0x93: {  	_ =	swait.eq [sflag:s15], $0x1  }
0x94: {  	[sflag:s15] =	ssyncset.done $0x0  }
0x95: {  	s16 =	sld [smem:$0x10];
	[sflag:s15] =	ssyncadd.s32 $0xFFFFFFFF  }
0x96: {  	s17 =	sld [smem:$0x11];
	(tm) =	ssettm $0x1  }
0x97: {  	s18 =	sld [smem:$0x3FFB];
	_ =	sdelay $0x3  }
0x98: {  	_ =	strace s18  }
0x99: {  	s4 =	sld [smem:$0x3FFC];
	_ =	sdelay $0x3  }
0x9a: {  	_ =	strace s4  }
0x9b: {  	s4 =	sld [smem:$0x3FFD];
	_ =	sdelay $0x3  }
0x9c: {  	_ =	strace s4  }
0x9d: {  	_ =	strace $0x8FFFFFFF  }
0x9e: {  	s19 =	sld [smem:$0x3FDB];
	_ =	sdelay $0x1  }
0x9f: {  	s5 =	simm.s32 $_scs_section_size  }
0xa0: {  	s6 =	simm.s32 $_size__tile_overlayer_lowered;
	s7 =	simm.s32 $_tile_overlayer_lowered  }
0xa1: {  	s22 =	simm.s32 $0x1BFF;
	s21 =	sshll.u32 s7, $0x1;
	s4 =	sadd.s32 s5, s19  }
0xa2: {  	s8 =	simm.s32 $0x0;
	s20 =	sshll.u32 s6, $0x1;
	s6 =	sadd.s32 s21, s4  }
0xa3: {  	[timem:s8], [sflag:s22] =	dma.local [hbm:s6], s20  }
0xa4: {  	_ =	swait.ge [sflag:s22], s20  }
0xa5: {  	s5 =	ssub.s32 $0x0, s20;
	[sflag:s22] =	ssyncset.done $0x0  }
0xa6: {  	[sflag:s22] =	ssyncadd.s32 s5;
	_ =	sdelay $0x1  }
0xa7: {  	s23 =	simm.s32 $0x1B8B  }
0xa8: {  	_ =	swait.ge [sflag:s23], $0x1  }
0xa9: {  	[sflag:s23] =	ssyncset.done $0x0  }
0xaa: {  	s25 =	simm.s32 $0x1B8E;
	s24 =	sld [smem:$0x3FFE];
	[sflag:s23] =	ssyncadd.s32 $0xFFFFFFFF  }
0xab: {  	s26 =	simm.s32 $execute0_lowered;
	[smem:$0x3FD2] =	sst s25  }
0xac: {  	s6 =	sshll.u32 s26, $0x1;
	_ =	strace $0x80000046;
	[dreg:$0x1] =	wrdreg $0xFFFFFFFF  }
0xad: {  	s28 =	simm.s32 $_size_execute0_lowered;
	s4 =	sadd.s32 s4, s6;
	[dreg:$0x0] =	wrdreg $0x0  }
0xae: {  	s6 =	sshll.u32 s28, $0x1;
	[dreg:$0x2] =	wrdreg s4  }
0xaf: {  	[dreg:$0x3] =	wrdreg s6  }
0xb0: {  	[dreg:$0x4] =	wrdreg $0xC0  }
0xb1: {  	_ =	task [dreg:s8], $0x5FFFF  }
0xb2: {  	[dreg:$0x1] =	wrdreg $0xFFFFFFFF  }
0xb3: {  	[dreg:$0x0] =	wrdreg $0x60  }
0xb4: {  	[dreg:$0x2] =	wrdreg s16  }
0xb5: {  	[dreg:$0x3] =	wrdreg s24  }
0xb6: {  	[dreg:$0x4] =	wrdreg s17  }
0xb7: {  	[dreg:$0x5] =	wrdreg $0x106000  }
0xb8: {  	[dreg:$0x6] =	wrdreg $0x9  }
0xb9: {  	_ =	task.clear_ibuf [dreg:s8], $0x7FFFF;
	_ =	strace $0x90000046  }
0xba: {  	s29 =	simm.s32 $0x9;
	_ =	strace $0x80000048  }
0xbb: {  	_ =	swait.ge [sflag:s29], $0x1  }
0xbc: {  	[sflag:s29] =	ssyncadd.s32 $0xFFFFFFFF  }
0xbd: {  	_ =	strace $0x90000048  }
0xbe: {  	_ =	sfence  }
0xbf: {  	s30 =	sld [smem:$0x0];
	_ =	sdelay $0x2  }
0xc0: {  	s31 =	sshll.u32 s1, $0xD;
	s1 =	sshrl.u32 s1, $0x2  }
0xc1: {  	s3 =	sand.u32 $0x4000, s31;
	s1 =	sadd.s32 s1, s30  }
0xc2: {  	s0 =	sor.u32 s3, s0;
	s1 =	sshll.u32 s1, $0x11  }
0xc3: {  	s0 =	sor.u32 s1, s0  }
0xc4: {  	s0 =	sadd.s32 $0x8F2B, s0  }
0xc5: {  	[sflag:s0] =	ssyncadd.remote.s32 $0x1  }
0xc6: {  	_ =	sfence.sel $0xFFFF  }
0xc7: {  	[dreg:$0x0] =	wrdreg $0xFFFFFFFF;
	(pc) =	sbr.abs _section_cstart, $3  }
0xc8: {  	[dreg:$0x1] =	wrdreg $0xFFFFFFFF  }
0xc9: {  	_ =	task.clear_ibuf [dreg:s8], $0x2FFFF;
	_ =	strace $0x9FFFFFFF  }
0xca: {  	(tm) =	ssettm $0x7FFFFFFF  }
0xcb: {  	_ =	shalt  }
tec
execute0_lowered:
.L_overlay_start_1:
0x0: {  	(tag) =	ssettag $0x1  }
0x1: {  	s7 =	rddreg [dreg:$0x0]  }
0x2: {  	s4 =	rddreg [dreg:$0x1]  }
0x3: {  	s9 =	rddreg [dreg:$0x2]  }
0x4: {  	s1 =	rddreg [dreg:$0x3]  }
0x5: {  	s0 =	rddreg [dreg:$0x4];
	s3 =	srdreg.scid  }
0x6: {  	s11 =	stileid.u32;
	s2 =	simm.s32 $0x0;
	s3 =	sand.u32 $0x1, s3  }
0x7: {  	s5 =	sshll.u32 s11, $0x1;
	[smem:$0x7FF] =	sst s2;
	s23 =	sshll.u32 s11, $0x8  }
0x8: {  	p0 =	sne.s32 s11, $0x0;
	s11 =	simm.s32 $0x80;
	s13 =	sor.u32 s3, s5  }
0x9: {  	_ =	strace $0x80000047;
	s6 =	ssub.s32 $0x2, s3;
	s3 =	sadd.s32 $0x1E00, s4  }
0xa: {  	s23 =	sand.u32 $0xC00, s23;
	s5 =	sshll.u32 s13, $0xD;
	s26 =	sshrl.u32 s6, $0x1  }
0xb: {  	s12 =	sshll.u32 s13, $0x9;
	s28 =	sshll.u32 s13, $0x6;
	s9 =	sadd.s32 s9, s23  }
0xc: {  	s13 =	sshll.u32 s13, $0x4;
	s8 =	sadd.s32 s5, s4;
	s10 =	ssub.s32 s6, s26  }
0xd: {  	s4 =	sadd.s32 s7, s28;
	s14 =	sor.u32 $0x80, s12;
	s16 =	sor.u32 $0x100, s12  }
0xe: {  	s15 =	sor.u32 $0x180, s12;
	s31 =	sor.u32 $0x10, s12;
	s18 =	sor.u32 $0x20, s12  }
0xf: {  	s19 =	sor.u32 $0x30, s12;
	s20 =	sor.u32 $0x40, s12;
	s21 =	sor.u32 $0x50, s12  }
0x10: {  	s22 =	sor.u32 $0x60, s12;
	s24 =	sor.u32 $0x70, s12;
	s25 =	sor.u32 $0x90, s12  }
0x11: {  	s23 =	sor.u32 $0xA0, s12;
	s26 =	sor.u32 $0xB0, s12;
	s28 =	sor.u32 $0xC0, s12  }
0x12: {  	v31 =	vlaneseq.u32;
	s13 =	sand.u32 $0x70, s13;
	s29 =	sshrl.u32 s14, $0x3;
	s30 =	sshrl.u32 s16, $0x3  }
0x13: {  	s17 =	sshrl.u32 s15, $0x3;
	s8 =	sadd.s32 $0x5E00, s8;
	v2 =	vor.u32 s19, v31;
	s19 =	sor.u32 $0xE0, s12  }
0x14: {  	v0 =	vor.u32 s31, v31;
	s31 =	sor.u32 $0x110, s12;
	v3 =	vor.u32 s20, v31;
	v4 =	vor.u32 s21, v31;
	s20 =	sor.u32 $0x120, s12;
	s21 =	sor.u32 $0x130, s12  }
0x15: {  	v5 =	vor.u32 s22, v31;
	s22 =	sor.u32 $0x140, s12;
	v6 =	vor.u32 s24, v31;
	v7 =	vor.u32 s14, v31;
	s14 =	sor.u32 $0x150, s12;
	s24 =	sor.u32 $0x160, s12  }
0x16: {  	v8 =	vor.u32 s25, v31;
	s25 =	sor.u32 $0x170, s12;
	v9 =	vor.u32 s23, v31;
	v10 =	vor.u32 s26, v31;
	s23 =	sor.u32 $0x190, s12;
	s26 =	sor.u32 $0x1A0, s12  }
0x17: {  	v1 =	vor.u32 s18, v31;
	v11 =	vor.u32 s28, v31;
	s28 =	sor.u32 $0x1B0, s12;
	s18 =	sor.u32 $0x1C0, s12;
	s9 =	sadd.s32 s13, s9  }
0x18: {  	v32 =	vimm.s32 $0xFFFFFFFF;
	v17 =	vor.u32 s12, v31;
	s10 =	smax.u32 s10, $0x1;
	s13 =	simm.s32 $0x180;
	v24 =	vor.u32 s15, v31;
	s15 =	simm.s32 $0x2  }
0x19: {  	v15 =	vor.u32 s16, v31;
	s16 =	simm.s32 $0x200;
	s5 =	sadd.s32 s7, s29;
	s6 =	sadd.s32 s7, s30;
	v13 =	vor.u32 s19, v31;
	v16 =	vor.u32 s31, v31  }
0x1a: {  	s7 =	sadd.s32 s7, s17;
	s29 =	sor.u32 $0xD0, s12;
	s30 =	sor.u32 $0xF0, s12;
	v18 =	vor.u32 s20, v31;
	v19 =	vor.u32 s21, v31;
	v20 =	vor.u32 s22, v31  }
0x1b: {  	s31 =	sor.u32 $0x1F0, s12;
	v21 =	vor.u32 s14, v31;
	v22 =	vor.u32 s24, v31;
	v23 =	vor.u32 s25, v31;
	s14 =	sshrl.u32 @!p0 s1, $0x3;
	s17 =	simm.s32 $0x4200  }
0x1c: {  	v25 =	vor.u32 s23, v31;
	v26 =	vor.u32 s26, v31;
	v28 =	vor.u32 s18, v31;
	s18 =	simm.s32 $0x8200;
	s19 =	simm.s32 $0xC200;
	s20 =	simm.s32 $0x1  }
0x1d: {  	v27 =	vor.u32 s28, v31;
	s21 =	simm.s32 $0x10200;
	v12 =	vor.u32 s29, v31;
	v14 =	vor.u32 s30, v31;
	s29 =	sor.u32 $0x1D0, s12;
	s30 =	sor.u32 $0x1E0, s12  }
0x1e: {  	s22 =	simm.s32 $0x400;
	s23 =	simm.s32 $0x3;
	s12 =	simm.s32 $0x100;
	v29 =	vor.u32 s29, v31;
	v30 =	vor.u32 s30, v31;
	v31 =	vor.u32 s31, v31  }
.LBB2_1:
0x1f: {  	[tilespmem:s2], [sflag:$0x2] =	stream.linear.gather [hbm4b:s4+s2], $0x80, $0x38;
	[tilespmem:$0x12540] =	vst v63  }
0x20: {  	_ = 	snop  }
0x21: {  	[tilespmem:s11], [sflag:$0x2] =	stream.linear.gather [hbm4b:s5+s2], $0x80, $0x38;
	[tilespmem:$0x12540] =	vst v63  }
0x22: {  	_ = 	snop  }
0x23: {  	[tilespmem:s12], [sflag:$0x2] =	stream.linear.gather [hbm4b:s6+s2], $0x80, $0x38;
	[tilespmem:$0x12540] =	vst v63  }
0x24: {  	s24 =	simm.s32 @!p0 $0x1C03  }
0x25: {  	[tilespmem:s13], [sflag:$0x2] =	stream.linear.gather [hbm4b:s7+s2], $0x80, $0x38;
	[tilespmem:$0x12540] =	vst v63  }
0x26: {  	[spmem:s14], [sflag:s24] =	dma.local @!p0 [hbm:s3], $0x3E80  }
0x27: {  	s24 =	simm.s32 @!p0 $0x3  }
0x28: {  	_ =	swait.ge @!p0 [sflag:s24], $0x3E80  }
0x29: {  	[sflag:s24] =	ssyncset.done @!p0 $0x0  }
0x2a: {  	[sflag:s24] =	ssyncadd.s32 @!p0 $0xFFFFC180  }
0x2b: {  	[bflag:$0x0] =	sbarrier.arrive $0xFFFF  }
0x2c: {  	_ =	swait.ge [sflag:s15], $0x80  }
0x2d: {  	[sflag:s15] =	ssyncset.done $0x0  }
0x2e: {  	[sflag:s15] =	ssyncadd.s32 $0xFFFFFF80  }
0x2f: {  	[tilespmem:s16], [sflag:$0x1] =	stream.indirect.gather [spmem:s1], $0x80, s2, s11, $0xb8;
	[tilespmem:$0x12540] =	vst v63  }
0x30: {  	_ =	swait.ge [sflag:s15], $0x80  }
0x31: {  	[sflag:s15] =	ssyncset.done $0x0  }
0x32: {  	[sflag:s15] =	ssyncadd.s32 $0xFFFFFF80  }
0x33: {  	[tilespmem:s17], [sflag:$0x1] =	stream.indirect.gather [spmem:s1], $0x80, s11, s11, $0xb8;
	[tilespmem:$0x12540] =	vst v63  }
0x34: {  	_ =	swait.ge [sflag:s15], $0x80  }
0x35: {  	[sflag:s15] =	ssyncset.done $0x0  }
0x36: {  	[sflag:s15] =	ssyncadd.s32 $0xFFFFFF80  }
0x37: {  	[tilespmem:s18], [sflag:$0x1] =	stream.indirect.gather [spmem:s1], $0x80, s12, s11, $0xb8;
	[tilespmem:$0x12540] =	vst v63  }
0x38: {  	_ =	swait.ge [sflag:s15], $0x80  }
0x39: {  	[sflag:s15] =	ssyncset.done $0x0  }
0x3a: {  	[sflag:s15] =	ssyncadd.s32 $0xFFFFFF80  }
0x3b: {  	[tilespmem:s19], [sflag:$0x1] =	stream.indirect.gather [spmem:s1], $0x80, s13, s11, $0xb8;
	[tilespmem:$0x12540] =	vst v63  }
0x3c: {  	_ =	swait.ge [sflag:s20], $0x4000  }
0x3d: {  	[sflag:s20] =	ssyncset.done $0x0  }
0x3e: {  	[sflag:s20] =	ssyncadd.s32 $0xFFFFC000  }
0x3f: {  	_ =	swait.ge [sflag:s20], $0x4000  }
0x40: {  	[sflag:s20] =	ssyncset.done $0x0  }
0x41: {  	[sflag:s20] =	ssyncadd.s32 $0xFFFFC000  }
0x42: {  	_ =	swait.ge [sflag:s20], $0x4000  }
0x43: {  	[sflag:s20] =	ssyncset.done $0x0  }
0x44: {  	[sflag:s20] =	ssyncadd.s32 $0xFFFFC000  }
0x45: {  	_ =	swait.ge [sflag:s20], $0x4000  }
0x46: {  	[sflag:s20] =	ssyncset.done $0x0  }
0x47: {  	[sflag:s20] =	ssyncadd.s32 $0xFFFFC000  }
0x48: {  	[hbm4b:s8+s2] =	stream.linear.scatter [tilespmem:s16], [sflag:$0x2], $0x10000, $0x38;
	[tilespmem:$0x12540] =	vst v63  }
0x49: {  	[tilespmem:$0x10200] =	vst v32  }
0x4a: {  	[tilespmem:$0x10210] =	vst v32  }
0x4b: {  	[tilespmem:$0x10220] =	vst v32  }
0x4c: {  	[tilespmem:$0x10230] =	vst v32  }
0x4d: {  	[tilespmem:$0x10240] =	vst v32  }
0x4e: {  	[tilespmem:$0x10250] =	vst v32  }
0x4f: {  	[tilespmem:$0x10260] =	vst v32  }
0x50: {  	[tilespmem:$0x10270] =	vst v32  }
0x51: {  	[tilespmem:$0x10280] =	vst v32  }
0x52: {  	[tilespmem:$0x10290] =	vst v32  }
0x53: {  	[tilespmem:$0x102A0] =	vst v32  }
0x54: {  	[tilespmem:$0x102B0] =	vst v32  }
0x55: {  	[tilespmem:$0x102C0] =	vst v32  }
0x56: {  	[tilespmem:$0x102D0] =	vst v32  }
0x57: {  	[tilespmem:$0x102E0] =	vst v32  }
0x58: {  	[tilespmem:$0x102F0] =	vst v32  }
0x59: {  	[tilespmem:$0x10300] =	vst v32  }
0x5a: {  	[tilespmem:$0x10310] =	vst v32  }
0x5b: {  	[tilespmem:$0x10320] =	vst v32  }
0x5c: {  	[tilespmem:$0x10330] =	vst v32  }
0x5d: {  	[tilespmem:$0x10340] =	vst v32  }
0x5e: {  	[tilespmem:$0x10350] =	vst v32  }
0x5f: {  	[tilespmem:$0x10360] =	vst v32  }
0x60: {  	[tilespmem:$0x10370] =	vst v32  }
0x61: {  	[tilespmem:$0x10380] =	vst v32  }
0x62: {  	[tilespmem:$0x10390] =	vst v32  }
0x63: {  	[tilespmem:$0x103A0] =	vst v32  }
0x64: {  	[tilespmem:$0x103B0] =	vst v32  }
0x65: {  	[tilespmem:$0x103C0] =	vst v32  }
0x66: {  	[tilespmem:$0x103D0] =	vst v32  }
0x67: {  	[tilespmem:$0x103E0] =	vst v32  }
0x68: {  	[tilespmem:$0x103F0] =	vst v32  }
0x69: {  	[tilespmem:$0x10400] =	vst v32  }
0x6a: {  	[tilespmem:$0x10410] =	vst v32  }
0x6b: {  	[tilespmem:$0x10420] =	vst v32  }
0x6c: {  	[tilespmem:$0x10430] =	vst v32  }
0x6d: {  	[tilespmem:$0x10440] =	vst v32  }
0x6e: {  	[tilespmem:$0x10450] =	vst v32  }
0x6f: {  	[tilespmem:$0x10460] =	vst v32  }
0x70: {  	[tilespmem:$0x10470] =	vst v32;
	v33 =	vld [tilespmem:$0x0]  }
0x71: {  	[tilespmem:$0x10480] =	vst v32  }
0x72: {  	[tilespmem:$0x10490] =	vst v32  }
0x73: {  	[tilespmem:$0x104A0] =	vst v32  }
0x74: {  	[tilespmem:$0x104B0] =	vst v32  }
0x75: {  	[tilespmem:$0x104C0] =	vst v32;
	(xrf1) =	vunique.msk.u32 $0xffff, v33  }
0x76: {  	[tilespmem:$0x104D0] =	vst v32  }
0x77: {  	[tilespmem:$0x104E0] =	vst v32  }
0x78: {  	[tilespmem:$0x104F0] =	vst v32  }
0x79: {  	[tilespmem:$0x10500] =	vst v32  }
0x7a: {  	[tilespmem:$0x10510] =	vst v32  }
0x7b: {  	[tilespmem:$0x10520] =	vst v32  }
0x7c: {  	[tilespmem:$0x10530] =	vst v32  }
0x7d: {  	[tilespmem:$0x10540] =	vst v32  }
0x7e: {  	[tilespmem:$0x10550] =	vst v32  }
0x7f: {  	[tilespmem:$0x10560] =	vst v32  }
0x80: {  	[tilespmem:$0x10570] =	vst v32  }
0x81: {  	[tilespmem:$0x10580] =	vst v32  }
0x82: {  	[tilespmem:$0x10590] =	vst v32  }
0x83: {  	[tilespmem:$0x105A0] =	vst v32;
	_, v34, vm0 =	vpop (xrf1)  }
0x84: {  	[tilespmem:$0x105B0] =	vst v32  }
0x85: {  	[tilespmem:$0x105C0] =	vst v32  }
0x86: {  	[tilespmem:$0x105D0] =	vst v32  }
0x87: {  	[tilespmem:$0x105E0] =	vst v32  }
0x88: {  	[tilespmem:$0x105F0] =	vst v32  }
0x89: {  	[tilespmem:v33+s21+$0x0] =	vst.idx.msk vm0, v17  }
0x8a: {  	v33 =	vld [tilespmem:$0x10];
	_ =	sdelay $0x4  }
0x8b: {  	(xrf1) =	vunique.msk.u32 $0xffff, v33;
	_ =	sdelay $0xd  }
0x8c: {  	_, v34, vm9 =	vpop (xrf1);
	_ =	sdelay $0x5  }
0x8d: {  	[tilespmem:v33+s21+$0x0] =	vst.idx.msk vm9, v0  }
0x8e: {  	v33 =	vld [tilespmem:$0x20];
	_ =	sdelay $0x4  }
0x8f: {  	(xrf1) =	vunique.msk.u32 $0xffff, v33;
	_ =	sdelay $0xd  }
0x90: {  	_, v34, vm10 =	vpop (xrf1);
	_ =	sdelay $0x5  }
0x91: {  	[tilespmem:v33+s21+$0x0] =	vst.idx.msk vm10, v1  }
0x92: {  	v33 =	vld [tilespmem:$0x30];
	_ =	sdelay $0x4  }
0x93: {  	(xrf1) =	vunique.msk.u32 $0xffff, v33;
	_ =	sdelay $0xd  }
0x94: {  	_, v34, vm11 =	vpop (xrf1);
	_ =	sdelay $0x5  }
0x95: {  	[tilespmem:v33+s21+$0x0] =	vst.idx.msk vm11, v2  }
0x96: {  	v33 =	vld [tilespmem:$0x40];
	_ =	sdelay $0x4  }
0x97: {  	(xrf1) =	vunique.msk.u32 $0xffff, v33;
	_ =	sdelay $0xd  }
0x98: {  	_, v34, vm12 =	vpop (xrf1);
	_ =	sdelay $0x5  }
0x99: {  	[tilespmem:v33+s21+$0x0] =	vst.idx.msk vm12, v3  }
0x9a: {  	v33 =	vld [tilespmem:$0x50];
	_ =	sdelay $0x4  }
0x9b: {  	(xrf1) =	vunique.msk.u32 $0xffff, v33;
	_ =	sdelay $0xd  }
0x9c: {  	_, v34, vm13 =	vpop (xrf1);
	_ =	sdelay $0x5  }
0x9d: {  	[tilespmem:v33+s21+$0x0] =	vst.idx.msk vm13, v4  }
0x9e: {  	v33 =	vld [tilespmem:$0x60];
	_ =	sdelay $0x4  }
0x9f: {  	(xrf1) =	vunique.msk.u32 $0xffff, v33;
	_ =	sdelay $0xd  }
0xa0: {  	_, v34, vm14 =	vpop (xrf1);
	_ =	sdelay $0x5  }
0xa1: {  	[tilespmem:v33+s21+$0x0] =	vst.idx.msk vm14, v5  }
0xa2: {  	v33 =	vld [tilespmem:$0x70];
	_ =	sdelay $0x4  }
0xa3: {  	(xrf1) =	vunique.msk.u32 $0xffff, v33;
	_ =	sdelay $0xd  }
0xa4: {  	_, v34, vm15 =	vpop (xrf1);
	_ =	sdelay $0x5  }
0xa5: {  	[tilespmem:v33+s21+$0x0] =	vst.idx.msk vm15, v6  }
0xa6: {  	v33 =	vld [tilespmem:$0x80];
	_ =	sdelay $0x4  }
0xa7: {  	(xrf1) =	vunique.msk.u32 $0xffff, v33;
	_ =	sdelay $0xd  }
0xa8: {  	_, v34, vm4 =	vpop (xrf1);
	_ =	sdelay $0x5  }
0xa9: {  	[tilespmem:v33+s21+$0x0] =	vst.idx.msk vm4, v7  }
0xaa: {  	v33 =	vld [tilespmem:$0x90];
	_ =	sdelay $0x4  }
0xab: {  	(xrf1) =	vunique.msk.u32 $0xffff, v33;
	_ =	sdelay $0xd  }
0xac: {  	_, v34, vm5 =	vpop (xrf1);
	_ =	sdelay $0x5  }
0xad: {  	[tilespmem:v33+s21+$0x0] =	vst.idx.msk vm5, v8  }
0xae: {  	v33 =	vld [tilespmem:$0xA0];
	_ =	sdelay $0x4  }
0xaf: {  	(xrf1) =	vunique.msk.u32 $0xffff, v33;
	_ =	sdelay $0xd  }
0xb0: {  	_, v34, vm6 =	vpop (xrf1);
	_ =	sdelay $0x5  }
0xb1: {  	[tilespmem:v33+s21+$0x0] =	vst.idx.msk vm6, v9  }
0xb2: {  	v33 =	vld [tilespmem:$0xB0];
	_ =	sdelay $0x4  }
0xb3: {  	(xrf1) =	vunique.msk.u32 $0xffff, v33;
	_ =	sdelay $0xd  }
0xb4: {  	_, v34, vm7 =	vpop (xrf1);
	_ =	sdelay $0x5  }
0xb5: {  	[tilespmem:v33+s21+$0x0] =	vst.idx.msk vm7, v10  }
0xb6: {  	v33 =	vld [tilespmem:$0xC0];
	_ =	sdelay $0x4  }
0xb7: {  	(xrf1) =	vunique.msk.u32 $0xffff, v33;
	_ =	sdelay $0xd  }
0xb8: {  	_, v34, vm8 =	vpop (xrf1);
	_ =	sdelay $0x5  }
0xb9: {  	[tilespmem:v33+s21+$0x0] =	vst.idx.msk vm8, v11  }
0xba: {  	v33 =	vld [tilespmem:$0xD0];
	_ =	sdelay $0x4  }
0xbb: {  	(xrf1) =	vunique.msk.u32 $0xffff, v33;
	_ =	sdelay $0xd  }
0xbc: {  	_, v34, vm9 =	vpop (xrf1);
	_ =	sdelay $0x5  }
0xbd: {  	[tilespmem:v33+s21+$0x0] =	vst.idx.msk vm9, v12  }
0xbe: {  	v33 =	vld [tilespmem:$0xE0];
	_ =	sdelay $0x4  }
0xbf: {  	(xrf1) =	vunique.msk.u32 $0xffff, v33;
	_ =	sdelay $0xd  }
0xc0: {  	_, v34, vm10 =	vpop (xrf1);
	_ =	sdelay $0x5  }
0xc1: {  	[tilespmem:v33+s21+$0x0] =	vst.idx.msk vm10, v13  }
0xc2: {  	v33 =	vld [tilespmem:$0xF0];
	_ =	sdelay $0x4  }
0xc3: {  	(xrf1) =	vunique.msk.u32 $0xffff, v33;
	_ =	sdelay $0xd  }
0xc4: {  	_, v34, vm11 =	vpop (xrf1);
	_ =	sdelay $0x5  }
0xc5: {  	[tilespmem:v33+s21+$0x0] =	vst.idx.msk vm11, v14  }
0xc6: {  	v33 =	vld [tilespmem:$0x100];
	_ =	sdelay $0x4  }
0xc7: {  	(xrf1) =	vunique.msk.u32 $0xffff, v33;
	_ =	sdelay $0xd  }
0xc8: {  	_, v34, vm12 =	vpop (xrf1);
	_ =	sdelay $0x5  }
0xc9: {  	[tilespmem:v33+s21+$0x0] =	vst.idx.msk vm12, v15  }
0xca: {  	v33 =	vld [tilespmem:$0x110];
	_ =	sdelay $0x4  }
0xcb: {  	(xrf1) =	vunique.msk.u32 $0xffff, v33;
	_ =	sdelay $0xd  }
0xcc: {  	_, v34, vm13 =	vpop (xrf1);
	_ =	sdelay $0x5  }
0xcd: {  	[tilespmem:v33+s21+$0x0] =	vst.idx.msk vm13, v16  }
0xce: {  	v33 =	vld [tilespmem:$0x120];
	_ =	sdelay $0x4  }
0xcf: {  	(xrf1) =	vunique.msk.u32 $0xffff, v33;
	_ =	sdelay $0xd  }
0xd0: {  	_, v34, vm14 =	vpop (xrf1);
	_ =	sdelay $0x5  }
0xd1: {  	[tilespmem:v33+s21+$0x0] =	vst.idx.msk vm14, v18  }
0xd2: {  	v33 =	vld [tilespmem:$0x130];
	_ =	sdelay $0x4  }
0xd3: {  	(xrf1) =	vunique.msk.u32 $0xffff, v33;
	_ =	sdelay $0xd  }
0xd4: {  	_, v34, vm15 =	vpop (xrf1);
	_ =	sdelay $0x5  }
0xd5: {  	[tilespmem:v33+s21+$0x0] =	vst.idx.msk vm15, v19  }
0xd6: {  	v33 =	vld [tilespmem:$0x140];
	_ =	sdelay $0x4  }
0xd7: {  	(xrf1) =	vunique.msk.u32 $0xffff, v33;
	_ =	sdelay $0xd  }
0xd8: {  	_, v34, vm4 =	vpop (xrf1);
	_ =	sdelay $0x5  }
0xd9: {  	[tilespmem:v33+s21+$0x0] =	vst.idx.msk vm4, v20  }
0xda: {  	v33 =	vld [tilespmem:$0x150];
	_ =	sdelay $0x4  }
0xdb: {  	(xrf1) =	vunique.msk.u32 $0xffff, v33;
	_ =	sdelay $0xd  }
0xdc: {  	_, v34, vm5 =	vpop (xrf1);
	_ =	sdelay $0x5  }
0xdd: {  	[tilespmem:v33+s21+$0x0] =	vst.idx.msk vm5, v21  }
0xde: {  	v33 =	vld [tilespmem:$0x160];
	_ =	sdelay $0x4  }
0xdf: {  	(xrf1) =	vunique.msk.u32 $0xffff, v33;
	_ =	sdelay $0xd  }
0xe0: {  	_, v34, vm6 =	vpop (xrf1);
	_ =	sdelay $0x5  }
0xe1: {  	[tilespmem:v33+s21+$0x0] =	vst.idx.msk vm6, v22  }
0xe2: {  	v33 =	vld [tilespmem:$0x170];
	_ =	sdelay $0x4  }
0xe3: {  	(xrf1) =	vunique.msk.u32 $0xffff, v33;
	_ =	sdelay $0xd  }
0xe4: {  	_, v34, vm7 =	vpop (xrf1);
	_ =	sdelay $0x5  }
0xe5: {  	[tilespmem:v33+s21+$0x0] =	vst.idx.msk vm7, v23  }
0xe6: {  	v33 =	vld [tilespmem:$0x180];
	_ =	sdelay $0x4  }
0xe7: {  	(xrf1) =	vunique.msk.u32 $0xffff, v33;
	_ =	sdelay $0xd  }
0xe8: {  	_, v34, vm8 =	vpop (xrf1);
	_ =	sdelay $0x5  }
0xe9: {  	[tilespmem:v33+s21+$0x0] =	vst.idx.msk vm8, v24  }
0xea: {  	v33 =	vld [tilespmem:$0x190];
	_ =	sdelay $0x4  }
0xeb: {  	(xrf1) =	vunique.msk.u32 $0xffff, v33;
	_ =	sdelay $0xd  }
0xec: {  	_, v34, vm9 =	vpop (xrf1);
	_ =	sdelay $0x5  }
0xed: {  	[tilespmem:v33+s21+$0x0] =	vst.idx.msk vm9, v25  }
0xee: {  	v33 =	vld [tilespmem:$0x1A0];
	_ =	sdelay $0x4  }
0xef: {  	(xrf1) =	vunique.msk.u32 $0xffff, v33;
	_ =	sdelay $0xd  }
0xf0: {  	_, v34, vm10 =	vpop (xrf1);
	_ =	sdelay $0x5  }
0xf1: {  	[tilespmem:v33+s21+$0x0] =	vst.idx.msk vm10, v26  }
0xf2: {  	v33 =	vld [tilespmem:$0x1B0];
	_ =	sdelay $0x4  }
0xf3: {  	(xrf1) =	vunique.msk.u32 $0xffff, v33;
	_ =	sdelay $0xd  }
0xf4: {  	_, v34, vm11 =	vpop (xrf1);
	_ =	sdelay $0x5  }
0xf5: {  	[tilespmem:v33+s21+$0x0] =	vst.idx.msk vm11, v27  }
0xf6: {  	v33 =	vld [tilespmem:$0x1C0];
	_ =	sdelay $0x4  }
0xf7: {  	(xrf1) =	vunique.msk.u32 $0xffff, v33;
	_ =	sdelay $0xd  }
0xf8: {  	_, v34, vm12 =	vpop (xrf1);
	_ =	sdelay $0x5  }
0xf9: {  	[tilespmem:v33+s21+$0x0] =	vst.idx.msk vm12, v28  }
0xfa: {  	v33 =	vld [tilespmem:$0x1D0];
	_ =	sdelay $0x4  }
0xfb: {  	(xrf1) =	vunique.msk.u32 $0xffff, v33;
	_ =	sdelay $0xd  }
0xfc: {  	_, v34, vm13 =	vpop (xrf1);
	_ =	sdelay $0x5  }
0xfd: {  	[tilespmem:v33+s21+$0x0] =	vst.idx.msk vm13, v29  }
0xfe: {  	v33 =	vld [tilespmem:$0x1E0];
	_ =	sdelay $0x4  }
0xff: {  	(xrf1) =	vunique.msk.u32 $0xffff, v33;
	_ =	sdelay $0xd  }
0x100: {  	_, v34, vm14 =	vpop (xrf1);
	_ =	sdelay $0x5  }
0x101: {  	[tilespmem:v33+s21+$0x0] =	vst.idx.msk vm14, v30  }
0x102: {  	v33 =	vld [tilespmem:$0x1F0];
	_ =	sdelay $0x4  }
0x103: {  	(xrf1) =	vunique.msk.u32 $0xffff, v33;
	_ =	sdelay $0xd  }
0x104: {  	_, v34, vm15 =	vpop (xrf1);
	_ =	sdelay $0x5  }
0x105: {  	s10 =	sadd.s32 $0xFFFFFFFF, s10;
	[tilespmem:v33+s21+$0x0] =	vst.idx.msk vm15, v31  }
0x106: {  	[hbm4b:s9+s11] =	stream.strided.scatter [tilespmem:s21], [sflag:$0x3], $0x400, s22, s11, $0x38;
	[tilespmem:$0x12540] =	vst v63  }
0x107: {  	p1 =	sne.s32 s10, $0x0;
	_ =	swait.ge [sflag:s23], $0x400  }
.Ltmp0:
0x108: {  	[sflag:s23] =	ssyncset.done $0x0;
	(pc) =	sbr.rel @p1 .LBB2_1-.Ltmp0, $4  }
0x109: {  	[sflag:s23] =	ssyncadd.s32 $0xFFFFFC00  }
0x10a: {  	_ =	swait.ge [sflag:s15], $0x10000  }
0x10b: {  	[sflag:s15] =	ssyncset.done $0x0  }
0x10c: {  	[sflag:s15] =	ssyncadd.s32 $0xFFFF0000  }
0x10d: {  	_ =	sfence.sel $0x180000  }
0x10e: {  	[bflag:$0x0] =	sbarrier.arrive $0xFFFF  }
0x10f: {  	_ =	strace $0x90000047  }
0x110: {  	s0 =	sadd.s32 @!p0 $0x100000, s0;
	[bflag:$0x2] =	sbarrier.arrive $0xFFFF  }
0x111: {  	[sflag:s0] =	ssyncadd.tile.s32 @!p0 $0x1;
	_ =	shalt  }
.Lfunc_end2:
_tile_overlayer_lowered:
.L_overlay_start_2:
0x112: {  	(tag) =	ssettag $0x2  }
0x113: {  	s0 =	rddreg [dreg:$0x0];
	s2 =	stileid.u32  }
0x114: {  	s1 =	rddreg [dreg:$0x1];
	p0 =	sne.s32 s2, $0x0  }
0x115: {  	s3 =	rddreg [dreg:$0x2];
	[bflag:$0x3] =	sbarrier.arrive $0xFFFF;
	s2 =	simm.s32 @!p0 $0x1C03  }
0x116: {  	[timem:s3], [sflag:s2] =	dma.local @!p0 [hbm:s0], s1  }
0x117: {  	s0 =	simm.s32 @!p0 $0x3  }
0x118: {  	_ =	swait.ge @!p0 [sflag:s0], s1  }
0x119: {  	s1 =	ssub.s32 @!p0 $0x0, s1;
	[sflag:s0] =	ssyncset.done @!p0 $0x0  }
0x11a: {  	[sflag:s0] =	ssyncadd.s32 @!p0 s1  }
0x11b: {  	[bflag:$0x3] =	sbarrier.arrive $0xFFFF  }
0x11c: {  	_ =	shalt  }

// kernel: kernel.9.cloned.1.call-start
scs
__scs_entry_jumppad:
0x0: {  	(pc) =	sbr.rel $0x88, $3  }
0x1: {  	(tag) =	ssettag $0x0;
	lr =	simm.s32 $0x1  }
0x2: {  	[smem:$0x3F98] =	sst lr;
	_ =	strace $0xD0000000  }
0x3: {  	_ = 	snop  }
0x4: {  	_ = 	snop  }
0x5: {  	_ = 	snop  }
0x6: {  	_ = 	snop  }
0x7: {  	_ = 	snop  }
__scs_overlays_trampoline_lowered:
0x8: {  	[smem:$0x3FA7] =	sst s0  }
0x9: {  	[smem:$0x3FA8] =	sst s1  }
0xa: {  	[smem:$0x3FA9] =	sst s2  }
0xb: {  	[smem:$0x3FAA] =	sst s3  }
0xc: {  	[smem:$0x3FAB] =	sst s4  }
0xd: {  	[smem:$0x3FAC] =	sst s5  }
0xe: {  	[smem:$0x3FAD] =	sst s6  }
0xf: {  	[smem:$0x3FAE] =	sst s7  }
0x10: {  	[smem:$0x3FAF] =	sst s8  }
0x11: {  	[smem:$0x3FB0] =	sst s9;
	s0 =	simm.s32 @!p0 $0x0  }
0x12: {  	s1 =	sld [smem:$0x3F96];
	s0 =	simm.s32 @p0 $0x1  }
0x13: {  	[smem:$0x3FB1] =	sst s0;
	s0 =	simm.s32 @!p1 $0x0  }
0x14: {  	s2 =	sld [smem:$0x3F95];
	s0 =	simm.s32 @p1 $0x1  }
0x15: {  	[smem:$0x3FB2] =	sst s0;
	s0 =	simm.s32 @!p2 $0x0  }
0x16: {  	s3 =	sld [smem:$0x3FDB];
	s0 =	simm.s32 @p2 $0x1  }
0x17: {  	s4 =	simm.s32 $0x1BF5;
	[smem:$0x3FB4] =	sst s0  }
0x18: {  	s0 =	sld [smem:$0x3F97];
	_ =	swait.ge [sflag:s4], $0x0  }
0x19: {  	s7 =	sld [smem:$0x3F98]  }
0x1a: {  	s8 =	sadd.s32 $0xFFFFE003, lr  }
0x1b: {  	s9 =	sadd.s32 $0xFFFFFEF7, lr;
	s5 =	simm.s32 $0xFFFFFFFF;
	p2 =	slt.u32 s8, $0xFFFFF086  }
0x1c: {  	p1 =	slt.u32 s9, $0xF7A;
	s5 =	simm.s32 @!p2 $0x0  }
0x1d: {  	s5 =	simm.s32 @p1 $0x1;
	p0 =	seq.s32 s7, s2  }
0x1e: {  	s7 =	smul.u32 @!p0 $0xF7A, s2;
	p2 =	seq.s32 @!p0 s5, $0x0  }
0x1f: {  	s9 =	smul.u32 $0xF7A, s1;
	s8 =	simm.s32 @!p0 $0x1BF5;
	p2 =	por !p2, p0  }
0x20: {  	[sflag:s8] =	ssyncset.s32 @!p0 $0xFFFFF086;
	s6 =	sadd.s32 @!p0 s3, s7;
	s7 =	simm.s32 @!p0 $0x108  }
0x21: {  	s3 =	sadd.s32 s3, s9;
	s6 =	sadd.s32 @!p0 $0x88, s6;
	s7 =	simm.s32 @p2 $0x1082  }
0x22: {  	[simem:s7], [sflag:s8] =	dma.local @!p0 [hbm:s6], $0xF7A  }
0x23: {  	s9 =	sor.u32 $0xD0000000, s2;
	s6 =	simm.s32 $0x108;
	_ =	swait.ge @!p0 [sflag:s8], $0x0  }
0x24: {  	s3 =	sadd.s32 $0x88, s3;
	s6 =	simm.s32 @!p1 $0x1082;
	[sflag:s4] =	ssyncset.s32 $0xFFFFF086  }
0x25: {  	[simem:s6], [sflag:s4] =	dma.local [hbm:s3], $0xF7A  }
0x26: {  	[smem:$0x3F98] =	sst s1;
	(tag) =	ssettag s2;
	_ =	strace s9  }
0x27: {  	s1 =	sld [smem:$0x3FA8]  }
0x28: {  	s2 =	sld [smem:$0x3FA9]  }
0x29: {  	s4 =	sld [smem:$0x3FAB]  }
0x2a: {  	p0 =	seq.s32 s5, $0x0;
	s5 =	sld [smem:$0x3FAC]  }
0x2b: {  	s6 =	sld [smem:$0x3FAD]  }
0x2c: {  	s7 =	sld [smem:$0x3FAE]  }
0x2d: {  	s3 =	simm.s32 $0x108;
	s8 =	sld [smem:$0x3FAF]  }
0x2e: {  	s3 =	simm.s32 @!p0 $0x1082;
	s9 =	sld [smem:$0x3FB0]  }
0x2f: {  	lr =	sadd.s32 s0, s3;
	s0 =	sld [smem:$0x3FA7]  }
0x30: {  	s3 =	sld [smem:$0x3FAA]  }
0x31: {  	[smem:$0x3FB3] =	sst s10  }
0x32: {  	s10 =	sld [smem:$0x3FB1];
	_ =	sdelay $0x3  }
0x33: {  	p0 =	seq.s32 s10, $0x1;
	s10 =	sld [smem:$0x3FB3];
	_ =	sdelay $0x3  }
0x34: {  	[smem:$0x3FB3] =	sst s10  }
0x35: {  	s10 =	sld [smem:$0x3FB2];
	_ =	sdelay $0x3  }
0x36: {  	p1 =	seq.s32 s10, $0x1;
	s10 =	sld [smem:$0x3FB3];
	_ =	sdelay $0x3  }
0x37: {  	[smem:$0x3FB3] =	sst s10  }
0x38: {  	s10 =	sld [smem:$0x3FB4]  }
0x39: {  	_ = 	snop;
	(pc) =	sbr.ind lr, $3  }
0x3a: {  	_ = 	snop  }
0x3b: {  	_ = 	snop  }
0x3c: {  	p2 =	seq.s32 s10, $0x1;
	s10 =	sld [smem:$0x3FB3]  }
0x3d: {  	_ =	shalt  }
0x3e: {  	_ =	shalt  }
0x3f: {  	_ =	shalt  }
0x40: {  	_ =	shalt  }
0x41: {  	_ =	shalt  }
0x42: {  	_ =	shalt  }
0x43: {  	_ =	shalt  }
0x44: {  	_ =	shalt  }
0x45: {  	_ =	shalt  }
0x46: {  	_ =	shalt  }
0x47: {  	_ =	shalt  }
0x48: {  	_ =	shalt  }
0x49: {  	_ =	shalt  }
0x4a: {  	_ =	shalt  }
0x4b: {  	_ =	shalt  }
0x4c: {  	_ =	shalt  }
0x4d: {  	_ =	shalt  }
0x4e: {  	_ =	shalt  }
0x4f: {  	_ =	shalt  }
0x50: {  	_ =	shalt  }
0x51: {  	_ =	shalt  }
0x52: {  	_ =	shalt  }
0x53: {  	_ =	shalt  }
0x54: {  	_ =	shalt  }
0x55: {  	_ =	shalt  }
0x56: {  	_ =	shalt  }
0x57: {  	_ =	shalt  }
0x58: {  	_ =	shalt  }
0x59: {  	_ =	shalt  }
0x5a: {  	_ =	shalt  }
0x5b: {  	_ =	shalt  }
0x5c: {  	_ =	shalt  }
0x5d: {  	_ =	shalt  }
0x5e: {  	_ =	shalt  }
0x5f: {  	_ =	shalt  }
0x60: {  	_ =	shalt  }
0x61: {  	_ =	shalt  }
0x62: {  	_ =	shalt  }
0x63: {  	_ =	shalt  }
0x64: {  	_ =	shalt  }
0x65: {  	_ =	shalt  }
0x66: {  	_ =	shalt  }
0x67: {  	_ =	shalt  }
0x68: {  	_ =	shalt  }
0x69: {  	_ =	shalt  }
0x6a: {  	_ =	shalt  }
0x6b: {  	_ =	shalt  }
0x6c: {  	_ =	shalt  }
0x6d: {  	_ =	shalt  }
0x6e: {  	_ =	shalt  }
0x6f: {  	_ =	shalt  }
0x70: {  	_ =	shalt  }
0x71: {  	_ =	shalt  }
0x72: {  	_ =	shalt  }
0x73: {  	_ =	shalt  }
0x74: {  	_ =	shalt  }
0x75: {  	_ =	shalt  }
0x76: {  	_ =	shalt  }
0x77: {  	_ =	shalt  }
0x78: {  	_ =	shalt  }
0x79: {  	_ =	shalt  }
0x7a: {  	_ =	shalt  }
0x7b: {  	_ =	shalt  }
0x7c: {  	_ =	shalt  }
0x7d: {  	_ =	shalt  }
0x7e: {  	_ =	shalt  }
0x7f: {  	_ =	shalt  }
0x80: {  	_ =	shalt  }
0x81: {  	_ =	shalt  }
0x82: {  	_ =	shalt  }
0x83: {  	_ =	shalt  }
0x84: {  	_ =	shalt  }
0x85: {  	_ =	shalt  }
0x86: {  	_ =	shalt  }
0x87: {  	_ =	shalt  }
.Lfunc_end0:
.L_simem_size_0:
called_computation.1_lowered:
.L_overlay_start_0:
0x88: {  	s2 =	sld [smem:$0x3FD9]  }
0x89: {  	s3 =	sld [smem:$0x3FFE];
	_ =	sdelay $0x1  }
0x8a: {  	s1 =	srdreg.scid  }
0x8b: {  	s0 =	sand.u32 $0x1, s1  }
0x8c: {  	s14 =	sshll.u32 s0, $0xA;
	s2 =	sadd.s32 s3, s2  }
0x8d: {  	s2 =	sadd.s32 s2, s14  }
0x8e: {  	[smem:$0x3FBF] =	sst s2  }
0x8f: {  	_ = 	snop  }
0x90: {  	s2 =	sld [smem:$0x3FD0];
	_ =	sdelay $0x2  }
0x91: {  	s15 =	simm.s32 $0xA;
	s4 =	simm.s32 $0x10  }
0x92: {  	[smem:s4], [sflag:s15] =	dma.local [hbm:s2], $0x1  }
0x93: {  	_ =	swait.eq [sflag:s15], $0x1  }
0x94: {  	[sflag:s15] =	ssyncset.done $0x0  }
0x95: {  	[sflag:s15] =	ssyncadd.s32 $0xFFFFFFFF  }
0x96: {  	s16 =	sld [smem:$0x11];
	(tm) =	ssettm $0x1  }
0x97: {  	s17 =	sld [smem:$0x3FFB];
	_ =	sdelay $0x3  }
0x98: {  	_ =	strace s17  }
0x99: {  	s3 =	sld [smem:$0x3FFC];
	_ =	sdelay $0x3  }
0x9a: {  	_ =	strace s3  }
0x9b: {  	s3 =	sld [smem:$0x3FFD];
	_ =	sdelay $0x3  }
0x9c: {  	_ =	strace s3  }
0x9d: {  	_ =	strace $0x8FFFFFFF  }
0x9e: {  	s18 =	sld [smem:$0x3FDB];
	_ =	sdelay $0x1  }
0x9f: {  	s19 =	simm.s32 $_scs_section_size  }
0xa0: {  	s5 =	simm.s32 $_size__tile_overlayer_lowered;
	s6 =	simm.s32 $_tile_overlayer_lowered  }
0xa1: {  	s22 =	simm.s32 $0x1BFF;
	s21 =	sshll.u32 s6, $0x1;
	s3 =	sadd.s32 s19, s18  }
0xa2: {  	s7 =	simm.s32 $0x0;
	s20 =	sshll.u32 s5, $0x1;
	s5 =	sadd.s32 s21, s3  }
0xa3: {  	[timem:s7], [sflag:s22] =	dma.local [hbm:s5], s20  }
0xa4: {  	_ =	swait.ge [sflag:s22], s20  }
0xa5: {  	s4 =	ssub.s32 $0x0, s20;
	[sflag:s22] =	ssyncset.done $0x0  }
0xa6: {  	[sflag:s22] =	ssyncadd.s32 s4;
	_ =	sdelay $0x1  }
0xa7: {  	s23 =	simm.s32 $0x1B8B  }
0xa8: {  	_ =	swait.ge [sflag:s23], $0x1  }
0xa9: {  	[sflag:s23] =	ssyncset.done $0x0  }
0xaa: {  	s25 =	simm.s32 $0x1B8E;
	s24 =	sld [smem:$0x3FFE];
	[sflag:s23] =	ssyncadd.s32 $0xFFFFFFFF  }
0xab: {  	s26 =	simm.s32 $execute0_lowered;
	[smem:$0x3FD2] =	sst s25  }
0xac: {  	s5 =	sshll.u32 s26, $0x1;
	_ =	strace $0x80000049;
	[dreg:$0x1] =	wrdreg $0xFFFFFFFF  }
0xad: {  	s28 =	simm.s32 $_size_execute0_lowered;
	s3 =	sadd.s32 s3, s5;
	[dreg:$0x0] =	wrdreg $0x0  }
0xae: {  	s5 =	sshll.u32 s28, $0x1;
	[dreg:$0x2] =	wrdreg s3  }
0xaf: {  	[dreg:$0x3] =	wrdreg s5  }
0xb0: {  	[dreg:$0x4] =	wrdreg $0xC0  }
0xb1: {  	_ =	task [dreg:s7], $0x5FFFF  }
0xb2: {  	[dreg:$0x1] =	wrdreg $0xFFFFFFFF  }
0xb3: {  	[dreg:$0x0] =	wrdreg $0x60  }
0xb4: {  	[dreg:$0x2] =	wrdreg s16  }
0xb5: {  	[dreg:$0x3] =	wrdreg s24  }
0xb6: {  	[dreg:$0x4] =	wrdreg $0x9  }
0xb7: {  	_ =	task.clear_ibuf [dreg:s7], $0x5FFFF;
	_ =	strace $0x90000049  }
0xb8: {  	s29 =	simm.s32 $0x9;
	_ =	strace $0x8000004B  }
0xb9: {  	_ =	swait.ge [sflag:s29], $0x1  }
0xba: {  	[sflag:s29] =	ssyncadd.s32 $0xFFFFFFFF  }
0xbb: {  	_ =	strace $0x9000004B  }
0xbc: {  	_ =	sfence  }
0xbd: {  	s30 =	sld [smem:$0x0];
	_ =	sdelay $0x2  }
0xbe: {  	s31 =	sshll.u32 s1, $0xD;
	s1 =	sshrl.u32 s1, $0x2  }
0xbf: {  	s3 =	sand.u32 $0x4000, s31;
	s1 =	sadd.s32 s1, s30  }
0xc0: {  	s0 =	sor.u32 s3, s0;
	s1 =	sshll.u32 s1, $0x11  }
0xc1: {  	s0 =	sor.u32 s1, s0  }
0xc2: {  	s0 =	sadd.s32 $0x8F2B, s0  }
0xc3: {  	[sflag:s0] =	ssyncadd.remote.s32 $0x1  }
0xc4: {  	_ =	sfence.sel $0xFFFF  }
0xc5: {  	[dreg:$0x0] =	wrdreg $0xFFFFFFFF;
	(pc) =	sbr.abs _section_cstart, $3  }
0xc6: {  	[dreg:$0x1] =	wrdreg $0xFFFFFFFF  }
0xc7: {  	_ =	task.clear_ibuf [dreg:s7], $0x2FFFF;
	_ =	strace $0x9FFFFFFF  }
0xc8: {  	(tm) =	ssettm $0x7FFFFFFF  }
0xc9: {  	_ =	shalt  }
tec
execute0_lowered:
.L_overlay_start_1:
0x0: {  	(tag) =	ssettag $0x1  }
0x1: {  	s1 =	stileid.u32  }
0x2: {  	p0 =	sgt.u32 s1, $0x3  }
.Ltmp0:
0x3: {  	_ = 	snop;
	(pc) =	sbr.rel @p0 .LBB2_3-.Ltmp0, $4  }
0x4: {  	s4 =	rddreg [dreg:$0x0]  }
0x5: {  	s6 =	rddreg [dreg:$0x1];
	s2 =	simm.s32 $0x0  }
0x6: {  	[smem:$0x7FF] =	sst s2  }
0x7: {  	s0 =	rddreg [dreg:$0x2];
	_ =	strace $0x8000004A  }
0x8: {  	s3 =	srdreg.scid  }
0x9: {  	s31 =	sshll.u32 s1, $0x1;
	s5 =	sand.u32 $0x1, s3  }
0xa: {  	s8 =	sor.u32 s5, s31  }
0xb: {  	s9 =	sshll.u32 s8, $0x7  }
0xc: {  	v0 =	vlaneseq.u32;
	s10 =	sor.u32 $0x4000, s9  }
0xd: {  	s11 =	sor.u32 $0x4010, s9;
	v1 =	vor.u32 s10, v0  }
0xe: {  	s3 =	sadd.s32 $0x46000, s6;
	s5 =	ssub.s32 $0x2, s5;
	s12 =	sor.u32 $0x4020, s9;
	v58 =	vor.u32 s11, v0;
	[tilespmem:$0x1FF80] =	vst v1  }
0xf: {  	s7 =	sshll.u32 s8, $0xB;
	s16 =	sshrl.u32 s5, $0x1;
	s13 =	sor.u32 $0x4030, s9;
	v59 =	vor.u32 s12, v0;
	[tilespmem:$0x1FF90] =	vst v58  }
0x10: {  	p0 =	seq.s32 s8, $0x7;
	s8 =	simm.s32 $0x400;
	s14 =	sor.u32 $0x4040, s9;
	v60 =	vor.u32 s13, v0;
	[tilespmem:$0x1FFA0] =	vst v59  }
0x11: {  	s7 =	sadd.s32 s7, s6;
	s15 =	sor.u32 $0x4050, s9;
	s16 =	ssub.s32 s5, s16;
	v61 =	vor.u32 s14, v0;
	[tilespmem:$0x1FFB0] =	vst v60  }
0x12: {  	s17 =	sor.u32 $0x4060, s9;
	s4 =	sadd.s32 s4, s9;
	s18 =	sor.u32 $0x4070, s9;
	v62 =	vor.u32 s15, v0;
	[tilespmem:$0x1FFC0] =	vst v61  }
0x13: {  	s6 =	sadd.s32 $0x5600, s6;
	s9 =	simm.s32 $0x2000;
	s5 =	sadd.s32 $0x1E00, s7;
	v63 =	vor.u32 s17, v0;
	[tilespmem:$0x1FFD0] =	vst v62  }
0x14: {  	s7 =	smax.u32 s16, $0x1;
	s10 =	simm.s32 $0x2;
	s11 =	simm.s32 $0x80;
	v0 =	vor.u32 s18, v0;
	[tilespmem:$0x1FFE0] =	vst v63  }
0x15: {  	s12 =	simm.s32 $0x1000;
	s13 =	simm.s32 $0x1080;
	s14 =	simm.s32 $0x1;
	[tilespmem:$0x1FFF0] =	vst v0  }
.LBB2_2:
0x16: {  	[tilespmem:s2], [sflag:$0x2] =	stream.strided.gather [hbm4b:s4+s8], $0x1000, s9, s8, $0x38;
	[tilespmem:$0x5080] =	vst v63  }
0x17: {  	_ =	swait.ge [sflag:s10], $0x1000  }
0x18: {  	[sflag:s10] =	ssyncset.done $0x0  }
0x19: {  	[sflag:s10] =	ssyncadd.s32 $0xFFFFF000  }
0x1a: {  	v33 =	vld [tilespmem:$0x0]  }
0x1b: {  	v5 =	vld [tilespmem:$0x80]  }
0x1c: {  	v7 =	vld [tilespmem:$0x100]  }
0x1d: {  	v27 =	vld [tilespmem:$0x180]  }
0x1e: {  	v18 =	vld [tilespmem:$0x200]  }
0x1f: {  	v19 =	vld [tilespmem:$0x280]  }
0x20: {  	v20 =	vld [tilespmem:$0x300]  }
0x21: {  	v60 =	vld [tilespmem:$0x380]  }
0x22: {  	v12 =	vld [tilespmem:$0x400]  }
0x23: {  	v15 =	vld [tilespmem:$0x480]  }
0x24: {  	v17 =	vld [tilespmem:$0x500]  }
0x25: {  	v22 =	vld [tilespmem:$0x580]  }
0x26: {  	v24 =	vld [tilespmem:$0x600]  }
0x27: {  	v26 =	vld [tilespmem:$0x680]  }
0x28: {  	v29 =	vld [tilespmem:$0x700]  }
0x29: {  	v30 =	vld [tilespmem:$0x780]  }
0x2a: {  	v31 =	vld [tilespmem:$0x800]  }
0x2b: {  	v32 =	vld [tilespmem:$0x880]  }
0x2c: {  	v34 =	vld [tilespmem:$0x900]  }
0x2d: {  	v35 =	vld [tilespmem:$0x980]  }
0x2e: {  	v43 =	vld [tilespmem:$0xA00]  }
0x2f: {  	v52 =	vld [tilespmem:$0xA80]  }
0x30: {  	v47 =	vld [tilespmem:$0xB00]  }
0x31: {  	v45 =	vld [tilespmem:$0xB80]  }
0x32: {  	v44 =	vld [tilespmem:$0xC00]  }
0x33: {  	v49 =	vld [tilespmem:$0xC80]  }
0x34: {  	v50 =	vld [tilespmem:$0xD00]  }
0x35: {  	v51 =	vld [tilespmem:$0xD80]  }
0x36: {  	v0 =	vld [tilespmem:$0xE00]  }
0x37: {  	v42 =	vld [tilespmem:$0xE80]  }
0x38: {  	v46 =	vld [tilespmem:$0xF00]  }
0x39: {  	v48 =	vld [tilespmem:$0xF80]  }
0x3a: {  	v13 =	vld [tilespmem:$0x90]  }
0x3b: {  	v1 =	vld [tilespmem:$0x110]  }
0x3c: {  	v2 =	vld [tilespmem:$0x190]  }
0x3d: {  	v3 =	vld [tilespmem:$0x210]  }
0x3e: {  	v4 =	vld [tilespmem:$0x290]  }
0x3f: {  	v6 =	vld [tilespmem:$0x310]  }
0x40: {  	v8 =	vld [tilespmem:$0x390]  }
0x41: {  	v9 =	vld [tilespmem:$0x410]  }
0x42: {  	v10 =	vld [tilespmem:$0x490]  }
0x43: {  	v11 =	vld [tilespmem:$0x510]  }
0x44: {  	v14 =	vld [tilespmem:$0x590]  }
0x45: {  	v16 =	vld [tilespmem:$0x610]  }
0x46: {  	v21 =	vld [tilespmem:$0x690]  }
0x47: {  	v23 =	vld [tilespmem:$0x710]  }
0x48: {  	v25 =	vld [tilespmem:$0x790]  }
0x49: {  	v28 =	vld [tilespmem:$0x810]  }
0x4a: {  	v58 =	vld [tilespmem:$0x890]  }
0x4b: {  	v56 =	vld [tilespmem:$0x910]  }
0x4c: {  	v40 =	vld [tilespmem:$0xA10]  }
0x4d: {  	v38 =	vld [tilespmem:$0xA90]  }
0x4e: {  	v36 =	vld [tilespmem:$0xB10]  }
0x4f: {  	v37 =	vld [tilespmem:$0xB90]  }
0x50: {  	v39 =	vld [tilespmem:$0xC10]  }
0x51: {  	v41 =	vld [tilespmem:$0xC90]  }
0x52: {  	v61 =	vld [tilespmem:$0xE10]  }
0x53: {  	v57 =	vld [tilespmem:$0xE90]  }
0x54: {  	v54 =	vld [tilespmem:$0xF10]  }
0x55: {  	v53 =	vld [tilespmem:$0xF90]  }
0x56: {  	v62 =	vld [tilespmem:$0x20]  }
0x57: {  	v63 =	vld [tilespmem:$0xA0]  }
0x58: {  	v59 =	vld [tilespmem:$0x120]  }
0x59: {  	v55 =	vld [tilespmem:$0x1A0]  }
0x5a: {  	[tilespmem:$0x1FD80] =	vst v0;
	v0 =	vld [tilespmem:$0x10]  }
0x5b: {  	[tilespmem:$0x1FDB0] =	vst v48;
	v48 =	vld [tilespmem:$0x990]  }
0x5c: {  	[tilespmem:$0x1FDC0] =	vst v53;
	v53 =	vld [tilespmem:$0x220]  }
0x5d: {  	[tilespmem:$0x1FD90] =	vst v42;
	v42 =	vld [tilespmem:$0xD10];
	vm0 =	vgt.s32 v33, v5  }
0x5e: {  	v5 =	vsel vm0, v33, v5;
	v33 =	vld [tilespmem:$0x620]  }
0x5f: {  	[tilespmem:$0x1FDA0] =	vst v46;
	v46 =	vld [tilespmem:$0xD90];
	vm0 =	vgt.s32 v5, v7  }
0x60: {  	v5 =	vsel vm0, v5, v7;
	v7 =	vld [tilespmem:$0x9A0]  }
0x61: {  	vm0 =	vgt.s32 v5, v27;
	[tilespmem:$0x1FDD0] =	vst v53;
	v53 =	vld [tilespmem:$0x2A0]  }
0x62: {  	v5 =	vsel vm0, v5, v27;
	v27 =	vld [tilespmem:$0x720]  }
0x63: {  	vm1 =	vgt.s32 v0, v13;
	[tilespmem:$0x1FE50] =	vst v33;
	vm0 =	vgt.s32 v5, v18;
	v33 =	vld [tilespmem:$0x7A0]  }
0x64: {  	v0 =	vsel vm1, v0, v13;
	v5 =	vsel vm0, v5, v18;
	v18 =	vld [tilespmem:$0x820]  }
0x65: {  	vm1 =	vgt.s32 v0, v1;
	vm0 =	vgt.s32 v5, v19;
	[tilespmem:$0x1FE90] =	vst v7;
	v7 =	vld [tilespmem:$0xDA0]  }
0x66: {  	v0 =	vsel vm1, v0, v1;
	v5 =	vsel vm0, v5, v19;
	v19 =	vld [tilespmem:$0x920]  }
0x67: {  	vm1 =	vgt.s32 v0, v2;
	[tilespmem:$0x1FDE0] =	vst v53;
	v53 =	vld [tilespmem:$0x320]  }
0x68: {  	vm0 =	vgt.s32 v5, v20;
	v0 =	vsel vm1, v0, v2;
	v2 =	vld [tilespmem:$0x330]  }
0x69: {  	v13 =	vsel vm0, v5, v20;
	v20 =	vld [tilespmem:$0xA20]  }
0x6a: {  	[tilespmem:$0x1FE70] =	vst v33;
	v33 =	vld [tilespmem:$0xAA0]  }
0x6b: {  	vm1 =	vgt.s32 v0, v3;
	v5 =	vld [tilespmem:$0xCA0]  }
0x6c: {  	vm0 =	vgt.s32 v13, v60;
	v0 =	vsel vm1, v0, v3;
	v3 =	vld [tilespmem:$0x3B0]  }
0x6d: {  	v1 =	vsel vm0, v13, v60;
	v60 =	vld [tilespmem:$0xBA0]  }
0x6e: {  	v13 =	vld [tilespmem:$0xF20]  }
0x6f: {  	vm1 =	vgt.s32 v0, v4;
	[tilespmem:$0x1FF00] =	vst v7;
	v7 =	vld [tilespmem:$0x5B0]  }
0x70: {  	v0 =	vsel vm1, v0, v4;
	v4 =	vld [tilespmem:$0xC20]  }
0x71: {  	vm0 =	vgt.s32 v1, v12;
	[tilespmem:$0x1FDF0] =	vst v53;
	v53 =	vld [tilespmem:$0x3A0]  }
0x72: {  	v1 =	vsel vm0, v1, v12;
	vm1 =	vgt.s32 v0, v6;
	v12 =	vld [tilespmem:$0xEA0]  }
0x73: {  	v0 =	vsel vm1, v0, v6;
	v6 =	vld [tilespmem:$0xD20]  }
0x74: {  	vm0 =	vgt.s32 v1, v15;
	[tilespmem:$0x1FEE0] =	vst v5;
	v5 =	vld [tilespmem:$0x4B0]  }
0x75: {  	v1 =	vsel vm0, v1, v15;
	vm1 =	vgt.s32 v0, v8;
	v15 =	vld [tilespmem:$0xFA0]  }
0x76: {  	v0 =	vsel vm1, v0, v8;
	v8 =	vld [tilespmem:$0xE20]  }
0x77: {  	[tilespmem:$0x1FF30] =	vst v13;
	v13 =	vld [tilespmem:$0x6B0]  }
0x78: {  	[tilespmem:$0x1FEC0] =	vst v60;
	v60 =	vld [tilespmem:$0x830]  }
0x79: {  	[tilespmem:$0x1FED0] =	vst v4;
	v4 =	vld [tilespmem:$0x430]  }
0x7a: {  	vm0 =	vgt.s32 v1, v17;
	vm1 =	vgt.s32 v0, v9;
	[tilespmem:$0x1FE00] =	vst v53;
	v53 =	vld [tilespmem:$0x420]  }
0x7b: {  	v1 =	vsel vm0, v1, v17;
	v0 =	vsel vm1, v0, v9;
	v9 =	vld [tilespmem:$0x30]  }
0x7c: {  	vm0 =	vgt.s32 v1, v22;
	[tilespmem:$0x1FEF0] =	vst v6;
	vm1 =	vgt.s32 v0, v10;
	v6 =	vld [tilespmem:$0x530]  }
0x7d: {  	v1 =	vsel vm0, v1, v22;
	v0 =	vsel vm1, v0, v10;
	v10 =	vld [tilespmem:$0xB0]  }
0x7e: {  	vm0 =	vgt.s32 v1, v24;
	[tilespmem:$0x1FF50] =	vst v15;
	v15 =	vld [tilespmem:$0x1B0]  }
0x7f: {  	[tilespmem:$0x1FF10] =	vst v8;
	v1 =	vsel vm0, v1, v24;
	vm1 =	vgt.s32 v0, v11;
	v8 =	vld [tilespmem:$0x630]  }
0x80: {  	vm0 =	vgt.s32 v1, v26;
	v0 =	vsel vm1, v0, v11;
	v11 =	vld [tilespmem:$0x130]  }
0x81: {  	[tilespmem:$0x1FE10] =	vst v53;
	v53 =	vld [tilespmem:$0x4A0];
	v1 =	vsel vm0, v1, v26;
	vm1 =	vgt.s32 v0, v14  }
0x82: {  	vm0 =	vgt.s32 v1, v29;
	v22 =	vsel vm1, v0, v14;
	v0 =	vld [tilespmem:$0x230]  }
0x83: {  	v17 =	vsel vm0, v1, v29;
	vm1 =	vgt.s32 v22, v16;
	v1 =	vld [tilespmem:$0x2B0]  }
0x84: {  	vm0 =	vgt.s32 v17, v30;
	v26 =	vsel vm1, v22, v16;
	v16 =	vld [tilespmem:$0x7B0]  }
0x85: {  	v22 =	vld [tilespmem:$0x40];
	v24 =	vsel vm0, v17, v30  }
0x86: {  	vm1 =	vgt.s32 v26, v21;
	[tilespmem:$0x1FE20] =	vst v53;
	v53 =	vld [tilespmem:$0x520];
	vm0 =	vgt.s32 v24, v31  }
0x87: {  	v30 =	vsel vm1, v26, v21;
	v21 =	vld [tilespmem:$0xC30];
	v29 =	vsel vm0, v24, v31  }
0x88: {  	vm1 =	vgt.s32 v30, v23;
	v24 =	vld [tilespmem:$0x140];
	vm0 =	vgt.s32 v29, v32  }
0x89: {  	v31 =	vsel vm0, v29, v32;
	v32 =	vsel vm1, v30, v23;
	v23 =	vld [tilespmem:$0xC0]  }
0x8a: {  	v29 =	vld [tilespmem:$0x340]  }
0x8b: {  	v30 =	vld [tilespmem:$0x3C0]  }
0x8c: {  	vm1 =	vgt.s32 v32, v25;
	[tilespmem:$0x1FE30] =	vst v53;
	v53 =	vld [tilespmem:$0x5A0]  }
0x8d: {  	[tilespmem:$0x1FF20] =	vst v12;
	v12 =	vsel vm1, v32, v25;
	v25 =	vld [tilespmem:$0x1C0]  }
0x8e: {  	[tilespmem:$0x1FEA0] =	vst v33;
	vm0 =	vgt.s32 v31, v34;
	v32 =	vld [tilespmem:$0x4C0]  }
0x8f: {  	v33 =	vsel vm0, v31, v34;
	v31 =	vld [tilespmem:$0x1FEA0];
	vm1 =	vgt.s32 v12, v28  }
0x90: {  	vm0 =	vgt.s32 v33, v35;
	v34 =	vsel vm1, v12, v28;
	v12 =	vld [tilespmem:$0x730]  }
0x91: {  	v14 =	vsel vm0, v33, v35;
	v35 =	vld [tilespmem:$0xF30]  }
0x92: {  	v28 =	vld [tilespmem:$0x1FE90];
	vm1 =	vgt.s32 v34, v58  }
0x93: {  	vm0 =	vgt.s32 v14, v43;
	v17 =	vsel vm1, v34, v58;
	v58 =	vld [tilespmem:$0x8B0]  }
0x94: {  	v14 =	vsel vm0, v14, v43;
	v43 =	vld [tilespmem:$0xBB0]  }
0x95: {  	v34 =	vld [tilespmem:$0xE30]  }
0x96: {  	[tilespmem:$0x1FE40] =	vst v53;
	v53 =	vld [tilespmem:$0x6A0];
	vm1 =	vgt.s32 v17, v56  }
0x97: {  	vm0 =	vgt.s32 v14, v52;
	v17 =	vsel vm1, v17, v56;
	v56 =	vld [tilespmem:$0x930]  }
0x98: {  	vm12 =	vgt.s32 v62, v63;
	vm9 =	vgt.s32 v22, v23;
	v14 =	vsel vm0, v14, v52;
	v52 =	vld [tilespmem:$0x9B0]  }
0x99: {  	[tilespmem:$0x1FF40] =	vst v35;
	v35 =	vsel vm12, v62, v63;
	v62 =	vsel vm9, v22, v23;
	v22 =	vld [tilespmem:$0x740]  }
0x9a: {  	vm1 =	vgt.s32 v17, v48;
	v23 =	vld [tilespmem:$0x7C0]  }
0x9b: {  	vm0 =	vgt.s32 v14, v47;
	v17 =	vsel vm1, v17, v48;
	v48 =	vld [tilespmem:$0xA30]  }
0x9c: {  	v14 =	vsel vm0, v14, v47;
	v47 =	vld [tilespmem:$0xAB0]  }
0x9d: {  	vm0 =	vgt.s32 v14, v45;
	vm1 =	vgt.s32 v17, v40;
	[tilespmem:$0x1FE60] =	vst v53;
	v53 =	vld [tilespmem:$0x8A0]  }
0x9e: {  	v14 =	vsel vm0, v14, v45;
	v17 =	vsel vm1, v17, v40;
	v45 =	vld [tilespmem:$0xB30]  }
0x9f: {  	v40 =	vld [tilespmem:$0xCB0];
	vm1 =	vgt.s32 v17, v38  }
0xa0: {  	vm0 =	vgt.s32 v14, v44;
	v17 =	vsel vm1, v17, v38;
	v38 =	vld [tilespmem:$0xD30]  }
0xa1: {  	v14 =	vsel vm0, v14, v44;
	v44 =	vld [tilespmem:$0x1FDA0];
	vm1 =	vgt.s32 v17, v36  }
0xa2: {  	vm0 =	vgt.s32 v14, v49;
	v17 =	vsel vm1, v17, v36;
	v36 =	vld [tilespmem:$0xDB0]  }
0xa3: {  	v14 =	vsel vm0, v14, v49;
	v49 =	vld [tilespmem:$0xEB0]  }
0xa4: {  	[tilespmem:$0x1FE80] =	vst v53;
	v53 =	vld [tilespmem:$0xB20];
	vm1 =	vgt.s32 v17, v37  }
0xa5: {  	vm0 =	vgt.s32 v14, v50;
	v17 =	vsel vm1, v17, v37;
	v37 =	vld [tilespmem:$0x1FD80]  }
0xa6: {  	v14 =	vsel vm0, v14, v50;
	v50 =	vld [tilespmem:$0x240]  }
0xa7: {  	v26 =	vld [tilespmem:$0x1FE80];
	vm1 =	vgt.s32 v17, v39  }
0xa8: {  	vm0 =	vgt.s32 v14, v51;
	v17 =	vsel vm1, v17, v39;
	v39 =	vld [tilespmem:$0xFB0]  }
0xa9: {  	v14 =	vsel vm0, v14, v51;
	v51 =	vld [tilespmem:$0x1FDB0];
	vm1 =	vgt.s32 v17, v41  }
0xaa: {  	v17 =	vsel vm1, v17, v41;
	v41 =	vld [tilespmem:$0x1FD90]  }
0xab: {  	[tilespmem:$0x1FEB0] =	vst v53;
	v53 =	vld [tilespmem:$0x2C0];
	vm0 =	vgt.s32 v14, v37  }
0xac: {  	vm1 =	vgt.s32 v17, v42;
	v14 =	vsel vm0, v14, v37;
	v37 =	vld [tilespmem:$0x440]  }
0xad: {  	v17 =	vsel vm1, v17, v42;
	v42 =	vld [tilespmem:$0x640]  }
0xae: {  	[tilespmem:$0x1FF60] =	vst v39;
	vm1 =	vgt.s32 v17, v46;
	v39 =	vld [tilespmem:$0xE40]  }
0xaf: {  	vm14 =	vgt.s32 v9, v10;
	v17 =	vsel vm1, v17, v46;
	v46 =	vld [tilespmem:$0x1FE00];
	vm0 =	vgt.s32 v14, v41  }
0xb0: {  	v9 =	vsel vm14, v9, v10;
	vm1 =	vgt.s32 v17, v61;
	v14 =	vsel vm0, v14, v41;
	v41 =	vld [tilespmem:$0x5C0]  }
0xb1: {  	v33 =	vsel vm1, v17, v61;
	vm1 =	vgt.s32 v9, v11;
	v61 =	vld [tilespmem:$0x1FDD0]  }
0xb2: {  	v17 =	vld [tilespmem:$0x1FDF0];
	v9 =	vsel vm1, v9, v11  }
0xb3: {  	vm0 =	vgt.s32 v14, v44;
	v11 =	vld [tilespmem:$0xDC0];
	vm1 =	vgt.s32 v9, v15  }
0xb4: {  	v14 =	vsel vm0, v14, v44;
	v44 =	vld [tilespmem:$0x250];
	v9 =	vsel vm1, v9, v15;
	vm1 =	vgt.s32 v62, v24  }
0xb5: {  	vm0 =	vgt.s32 v14, v51;
	v15 =	vsel vm1, v62, v24;
	v62 =	vld [tilespmem:$0xA40]  }
0xb6: {  	v14 =	vsel vm0, v14, v51;
	v51 =	vld [tilespmem:$0x1FE20]  }
0xb7: {  	vm15 =	vgt.s32 v35, v59;
	vm13 =	vgt.s32 v33, v57;
	v24 =	vld [tilespmem:$0xA50]  }
0xb8: {  	[tilespmem:$0x1FF70] =	vst v14;
	v14 =	vsel vm13, v33, v57;
	v57 =	vsel vm15, v35, v59;
	v35 =	vld [tilespmem:$0x540]  }
0xb9: {  	vm8 =	vgt.s32 v9, v0;
	v59 =	vld [tilespmem:$0x1FDC0]  }
0xba: {  	v0 =	vsel vm8, v9, v0;
	v33 =	vld [tilespmem:$0x840];
	vm5 =	vgt.s32 v57, v55  }
0xbb: {  	vm1 =	vgt.s32 v15, v25;
	vm11 =	vgt.s32 v0, v1;
	v10 =	vsel vm5, v57, v55;
	v57 =	vld [tilespmem:$0x6C0]  }
0xbc: {  	v0 =	vsel vm11, v0, v1;
	v1 =	vsel vm1, v15, v25;
	v25 =	vld [tilespmem:$0x940]  }
0xbd: {  	v55 =	vld [tilespmem:$0xB40]  }
0xbe: {  	vm4 =	vgt.s32 v14, v54;
	v15 =	vld [tilespmem:$0xBC0]  }
0xbf: {  	v14 =	vsel vm4, v14, v54;
	v54 =	vld [tilespmem:$0x1FE30];
	vm7 =	vgt.s32 v10, v61  }
0xc0: {  	vm13 =	vgt.s32 v0, v2;
	vm1 =	vgt.s32 v1, v50;
	v10 =	vsel vm7, v10, v61;
	v61 =	vld [tilespmem:$0x9C0]  }
0xc1: {  	v0 =	vsel vm13, v0, v2;
	v1 =	vsel vm1, v1, v50;
	v50 =	vld [tilespmem:$0x1FE10];
	vm6 =	vgt.s32 v14, v59  }
0xc2: {  	vm15 =	vgt.s32 v0, v3;
	v63 =	vsel vm6, v14, v59;
	v14 =	vld [tilespmem:$0x1FDE0]  }
0xc3: {  	vm1 =	vgt.s32 v1, v53;
	v59 =	vld [tilespmem:$0x8C0];
	v0 =	vsel vm15, v0, v3  }
0xc4: {  	v1 =	vsel vm1, v1, v53;
	v53 =	vld [tilespmem:$0x150];
	vm5 =	vgt.s32 v0, v4  }
0xc5: {  	v3 =	vld [tilespmem:$0x4D0];
	vm1 =	vgt.s32 v1, v29;
	v0 =	vsel vm5, v0, v4  }
0xc6: {  	v1 =	vsel vm1, v1, v29;
	v4 =	vld [tilespmem:$0x450];
	vm7 =	vgt.s32 v0, v5  }
0xc7: {  	vm1 =	vgt.s32 v1, v30;
	v0 =	vsel vm7, v0, v5;
	v5 =	vld [tilespmem:$0xFC0];
	vm10 =	vgt.s32 v10, v14  }
0xc8: {  	v1 =	vsel vm1, v1, v30;
	vm9 =	vgt.s32 v0, v6;
	v10 =	vsel vm10, v10, v14;
	v14 =	vld [tilespmem:$0xC40]  }
0xc9: {  	vm1 =	vgt.s32 v1, v37;
	v0 =	vsel vm9, v0, v6;
	v6 =	vld [tilespmem:$0x1FE40]  }
0xca: {  	v1 =	vsel vm1, v1, v37;
	v37 =	vld [tilespmem:$0xEC0];
	vm12 =	vgt.s32 v10, v17  }
0xcb: {  	v9 =	vsel vm12, v10, v17;
	v17 =	vld [tilespmem:$0xAC0]  }
0xcc: {  	vm11 =	vgt.s32 v0, v7;
	v10 =	vld [tilespmem:$0xD40]  }
0xcd: {  	vm1 =	vgt.s32 v1, v32;
	v0 =	vsel vm11, v0, v7;
	v7 =	vld [tilespmem:$0x1FE50]  }
0xce: {  	v1 =	vsel vm1, v1, v32;
	v32 =	vld [tilespmem:$0xB60];
	vm14 =	vgt.s32 v9, v46  }
0xcf: {  	v2 =	vsel vm14, v9, v46;
	v9 =	vld [tilespmem:$0x1FE60]  }
0xd0: {  	vm13 =	vgt.s32 v0, v8;
	v46 =	vld [tilespmem:$0x1D0]  }
0xd1: {  	vm1 =	vgt.s32 v1, v35;
	v0 =	vsel vm13, v0, v8;
	v8 =	vld [tilespmem:$0x3D0]  }
0xd2: {  	v1 =	vsel vm1, v1, v35;
	v35 =	vld [tilespmem:$0x6D0];
	vm4 =	vgt.s32 v2, v50  }
0xd3: {  	vm15 =	vgt.s32 v0, v13;
	v2 =	vsel vm4, v2, v50;
	v50 =	vld [tilespmem:$0xCC0]  }
0xd4: {  	vm1 =	vgt.s32 v1, v41;
	v0 =	vsel vm15, v0, v13;
	v13 =	vld [tilespmem:$0x1FE70]  }
0xd5: {  	v1 =	vsel vm1, v1, v41;
	v41 =	vld [tilespmem:$0x1FEB0];
	vm6 =	vgt.s32 v2, v51  }
0xd6: {  	vm5 =	vgt.s32 v0, v12;
	vm1 =	vgt.s32 v1, v42;
	v2 =	vsel vm6, v2, v51;
	v51 =	vld [tilespmem:$0x50]  }
0xd7: {  	v0 =	vsel vm5, v0, v12;
	v1 =	vsel vm1, v1, v42;
	v42 =	vld [tilespmem:$0x2D0];
	vm8 =	vgt.s32 v2, v54  }
0xd8: {  	vm7 =	vgt.s32 v0, v16;
	v2 =	vsel vm8, v2, v54;
	v54 =	vld [tilespmem:$0xD0]  }
0xd9: {  	vm1 =	vgt.s32 v1, v57;
	v0 =	vsel vm7, v0, v16;
	v16 =	vld [tilespmem:$0xDD0]  }
0xda: {  	v1 =	vsel vm1, v1, v57;
	v57 =	vld [tilespmem:$0x1FF10];
	vm10 =	vgt.s32 v2, v6  }
0xdb: {  	vm1 =	vgt.s32 v1, v22;
	v2 =	vsel vm10, v2, v6;
	v6 =	vld [tilespmem:$0xF40]  }
0xdc: {  	vm9 =	vgt.s32 v0, v60;
	v1 =	vsel vm1, v1, v22;
	v22 =	vld [tilespmem:$0xB50]  }
0xdd: {  	v0 =	vsel vm9, v0, v60;
	v60 =	vld [tilespmem:$0x60];
	vm12 =	vgt.s32 v2, v7;
	vm1 =	vgt.s32 v1, v23  }
0xde: {  	vm11 =	vgt.s32 v0, v58;
	v2 =	vsel vm12, v2, v7;
	v29 =	vsel vm1, v1, v23;
	v1 =	vld [tilespmem:$0x5D0]  }
0xdf: {  	v0 =	vsel vm11, v0, v58;
	v23 =	vld [tilespmem:$0xAD0];
	vm14 =	vgt.s32 v2, v9  }
0xe0: {  	vm13 =	vgt.s32 v0, v56;
	vm1 =	vgt.s32 v29, v33;
	v2 =	vsel vm14, v2, v9;
	v9 =	vld [tilespmem:$0x350]  }
0xe1: {  	v0 =	vsel vm13, v0, v56;
	v12 =	vsel vm1, v29, v33;
	v33 =	vld [tilespmem:$0x750]  }
0xe2: {  	v56 =	vld [tilespmem:$0x1FF00];
	vm15 =	vgt.s32 v0, v52  }
0xe3: {  	vm4 =	vgt.s32 v2, v27;
	v30 =	vsel vm15, v0, v52;
	v0 =	vld [tilespmem:$0x650]  }
0xe4: {  	vm1 =	vgt.s32 v12, v59;
	v2 =	vsel vm4, v2, v27;
	v52 =	vld [tilespmem:$0x1FEF0]  }
0xe5: {  	v12 =	vsel vm1, v12, v59;
	v59 =	vld [tilespmem:$0x1FF20];
	vm6 =	vgt.s32 v2, v13;
	vm5 =	vgt.s32 v30, v48  }
0xe6: {  	vm1 =	vgt.s32 v12, v25;
	v2 =	vsel vm6, v2, v13;
	v13 =	vsel vm5, v30, v48;
	v30 =	vld [tilespmem:$0x7D0]  }
0xe7: {  	v12 =	vsel vm1, v12, v25;
	v25 =	vld [tilespmem:$0x9D0]  }
0xe8: {  	v48 =	vld [tilespmem:$0x1FEE0];
	vm8 =	vgt.s32 v2, v18;
	vm7 =	vgt.s32 v13, v47;
	vm1 =	vgt.s32 v12, v61  }
0xe9: {  	v2 =	vsel vm8, v2, v18;
	v13 =	vsel vm7, v13, v47;
	v12 =	vsel vm1, v12, v61;
	v47 =	vld [tilespmem:$0x1FED0]  }
0xea: {  	v18 =	vld [tilespmem:$0xD50];
	vm10 =	vgt.s32 v2, v26;
	vm9 =	vgt.s32 v13, v45;
	vm1 =	vgt.s32 v12, v62  }
0xeb: {  	v61 =	vld [tilespmem:$0x1FF30];
	v2 =	vsel vm10, v2, v26;
	v13 =	vsel vm9, v13, v45;
	v12 =	vsel vm1, v12, v62  }
0xec: {  	v45 =	vld [tilespmem:$0x1FEC0];
	vm12 =	vgt.s32 v2, v19;
	vm11 =	vgt.s32 v13, v43;
	vm1 =	vgt.s32 v12, v17  }
0xed: {  	v26 =	vld [tilespmem:$0x950];
	v27 =	vsel vm12, v2, v19;
	v13 =	vsel vm11, v13, v43;
	v12 =	vsel vm1, v12, v17  }
0xee: {  	v62 =	vld [tilespmem:$0xE0];
	vm14 =	vgt.s32 v27, v28;
	vm13 =	vgt.s32 v13, v21;
	vm1 =	vgt.s32 v12, v55  }
0xef: {  	v2 =	vld [tilespmem:$0x550];
	v7 =	vsel vm14, v27, v28;
	v13 =	vsel vm13, v13, v21;
	v12 =	vsel vm1, v12, v55  }
0xf0: {  	v19 =	vld [tilespmem:$0xCD0];
	vm4 =	vgt.s32 v7, v20;
	vm15 =	vgt.s32 v13, v40;
	vm1 =	vgt.s32 v12, v15  }
0xf1: {  	v43 =	vld [tilespmem:$0x160];
	v7 =	vsel vm4, v7, v20;
	v13 =	vsel vm15, v13, v40;
	v12 =	vsel vm1, v12, v15  }
0xf2: {  	v28 =	vld [tilespmem:$0x850];
	vm6 =	vgt.s32 v7, v31;
	vm5 =	vgt.s32 v13, v38;
	vm1 =	vgt.s32 v12, v14  }
0xf3: {  	v27 =	vld [tilespmem:$0x8D0];
	v7 =	vsel vm6, v7, v31;
	v13 =	vsel vm5, v13, v38;
	v12 =	vsel vm1, v12, v14  }
0xf4: {  	v21 =	vld [tilespmem:$0xBD0];
	vm5 =	vgt.s32 v60, v62;
	vm8 =	vgt.s32 v7, v41;
	vm7 =	vgt.s32 v13, v36  }
0xf5: {  	v55 =	vld [tilespmem:$0x360];
	vm1 =	vgt.s32 v12, v50;
	v29 =	vsel vm5, v60, v62;
	v7 =	vsel vm8, v7, v41  }
0xf6: {  	v38 =	vld [tilespmem:$0x1FF40];
	v13 =	vsel vm7, v13, v36;
	v12 =	vsel vm1, v12, v50;
	vm10 =	vgt.s32 v7, v45  }
0xf7: {  	v20 =	vld [tilespmem:$0xC50];
	vm9 =	vgt.s32 v13, v34;
	vm1 =	vgt.s32 v12, v10;
	v7 =	vsel vm10, v7, v45  }
0xf8: {  	v58 =	vsel vm9, v13, v34;
	v10 =	vsel vm1, v12, v10;
	v45 =	vld [tilespmem:$0x1FF60];
	vm12 =	vgt.s32 v7, v47  }
0xf9: {  	v15 =	vld [tilespmem:$0xE50];
	vm11 =	vgt.s32 v58, v49;
	vm1 =	vgt.s32 v10, v11;
	v7 =	vsel vm12, v7, v47  }
0xfa: {  	v40 =	vld [tilespmem:$0x1FF50];
	v17 =	vsel vm11, v58, v49;
	v41 =	vsel vm1, v10, v11;
	vm14 =	vgt.s32 v7, v48  }
0xfb: {  	v14 =	vld [tilespmem:$0xED0];
	vm13 =	vgt.s32 v17, v38;
	vm1 =	vgt.s32 v41, v39;
	v7 =	vsel vm14, v7, v48  }
0xfc: {  	v60 =	vld [tilespmem:$0x270];
	v17 =	vsel vm13, v17, v38;
	v48 =	vsel vm1, v41, v39;
	vm4 =	vgt.s32 v7, v52  }
0xfd: {  	v47 =	vld [tilespmem:$0x1E0];
	vm15 =	vgt.s32 v17, v45;
	vm1 =	vgt.s32 v48, v37;
	v7 =	vsel vm4, v7, v52  }
0xfe: {  	v10 =	vsel vm15, v17, v45;
	vm4 =	vgt.s32 v51, v54;
	v52 =	vld [tilespmem:$0xF0];
	vm6 =	vgt.s32 v7, v56  }
0xff: {  	v17 =	vsel vm1, v48, v37;
	v50 =	vsel vm4, v51, v54;
	v51 =	vld [tilespmem:$0x70];
	v7 =	vsel vm6, v7, v56  }
0x100: {  	v62 =	vld [tilespmem:$0x2F0];
	vm7 =	vgt.s32 v17, v6;
	vm6 =	vgt.s32 v50, v53;
	vm8 =	vgt.s32 v7, v57  }
0x101: {  	v49 =	vld [tilespmem:$0x260];
	v6 =	vsel vm7, v17, v6;
	v36 =	vsel vm6, v50, v53;
	v7 =	vsel vm8, v7, v57  }
0x102: {  	v54 =	vld [tilespmem:$0x170];
	vm8 =	vgt.s32 v29, v43;
	vm9 =	vgt.s32 v36, v46;
	vm10 =	vgt.s32 v7, v59  }
0x103: {  	v13 =	vld [tilespmem:$0xF50];
	v29 =	vsel vm8, v29, v43;
	v36 =	vsel vm9, v36, v46;
	v7 =	vsel vm10, v7, v59  }
0x104: {  	v53 =	vld [tilespmem:$0x2E0];
	vm10 =	vgt.s32 v6, v5;
	vm11 =	vgt.s32 v29, v47;
	vm13 =	vgt.s32 v51, v52  }
0x105: {  	v57 =	vld [tilespmem:$0x1F0];
	vm12 =	vgt.s32 v7, v61;
	v17 =	vsel vm10, v6, v5;
	v56 =	vsel vm11, v29, v47  }
0x106: {  	v12 =	vld [tilespmem:$0xFD0];
	v31 =	vsel vm13, v51, v52;
	v7 =	vsel vm12, v7, v61;
	vm12 =	vgt.s32 v36, v44  }
0x107: {  	v34 =	vld [tilespmem:$0xBE0];
	vm0 =	vgt.s32 v56, v49;
	vm1 =	vgt.s32 v31, v54;
	vm14 =	vgt.s32 v7, v40  }
0x108: {  	v59 =	vld [tilespmem:$0x3E0];
	v58 =	vsel vm12, v36, v44;
	v5 =	vsel vm0, v56, v49;
	v31 =	vsel vm1, v31, v54  }
0x109: {  	v38 =	vld [tilespmem:$0x370];
	v11 =	vsel vm14, v7, v40;
	vm14 =	vgt.s32 v58, v42;
	vm15 =	vgt.s32 v5, v53  }
0x10a: {  	v61 =	vld [tilespmem:$0x460];
	vm1 =	vgt.s32 v31, v57;
	v7 =	vsel vm14, v58, v42;
	v5 =	vsel vm15, v5, v53  }
0x10b: {  	v39 =	vld [tilespmem:$0x560];
	v6 =	vsel vm1, v31, v57;
	vm4 =	vgt.s32 v7, v9;
	vm5 =	vgt.s32 v5, v55  }
0x10c: {  	v37 =	vld [tilespmem:$0x4E0];
	vm1 =	vgt.s32 v6, v60;
	v7 =	vsel vm4, v7, v9;
	v5 =	vsel vm5, v5, v55  }
0x10d: {  	v40 =	vld [tilespmem:$0x3F0];
	v6 =	vsel vm1, v6, v60;
	vm6 =	vgt.s32 v7, v8;
	vm7 =	vgt.s32 v5, v59  }
0x10e: {  	v41 =	vld [tilespmem:$0x5E0];
	vm1 =	vgt.s32 v6, v62;
	v7 =	vsel vm6, v7, v8;
	v5 =	vsel vm7, v5, v59  }
0x10f: {  	v42 =	vld [tilespmem:$0x470];
	v6 =	vsel vm1, v6, v62;
	vm8 =	vgt.s32 v7, v4;
	vm9 =	vgt.s32 v5, v61  }
0x110: {  	v45 =	vld [tilespmem:$0x6E0];
	vm1 =	vgt.s32 v6, v38;
	v4 =	vsel vm8, v7, v4;
	v5 =	vsel vm9, v5, v61  }
0x111: {  	v44 =	vld [tilespmem:$0x4F0];
	v6 =	vsel vm1, v6, v38;
	vm10 =	vgt.s32 v4, v3;
	vm11 =	vgt.s32 v5, v37  }
0x112: {  	v43 =	vld [tilespmem:$0x660];
	vm1 =	vgt.s32 v6, v40;
	v3 =	vsel vm10, v4, v3;
	v5 =	vsel vm11, v5, v37  }
0x113: {  	v46 =	vld [tilespmem:$0x570];
	v6 =	vsel vm1, v6, v40;
	vm12 =	vgt.s32 v3, v2;
	vm13 =	vgt.s32 v5, v39  }
0x114: {  	v48 =	vld [tilespmem:$0x5F0];
	vm1 =	vgt.s32 v6, v42;
	v2 =	vsel vm12, v3, v2;
	v5 =	vsel vm13, v5, v39  }
0x115: {  	v47 =	vld [tilespmem:$0x760];
	v6 =	vsel vm1, v6, v42;
	vm14 =	vgt.s32 v2, v1;
	vm15 =	vgt.s32 v5, v41  }
0x116: {  	v51 =	vld [tilespmem:$0x670];
	vm1 =	vgt.s32 v6, v44;
	v1 =	vsel vm14, v2, v1;
	v5 =	vsel vm15, v5, v41  }
0x117: {  	v52 =	vld [tilespmem:$0x860];
	v50 =	vsel vm1, v6, v44;
	vm4 =	vgt.s32 v1, v0;
	vm5 =	vgt.s32 v5, v43  }
0x118: {  	v49 =	vld [tilespmem:$0x7E0];
	vm1 =	vgt.s32 v50, v46;
	v0 =	vsel vm4, v1, v0;
	v4 =	vsel vm5, v5, v43  }
0x119: {  	v54 =	vld [tilespmem:$0x6F0];
	v53 =	vsel vm1, v50, v46;
	vm6 =	vgt.s32 v0, v35;
	vm7 =	vgt.s32 v4, v45  }
0x11a: {  	v29 =	vld [tilespmem:$0x8F0];
	vm1 =	vgt.s32 v53, v48;
	v0 =	vsel vm6, v0, v35;
	v3 =	vsel vm7, v4, v45  }
0x11b: {  	v57 =	vld [tilespmem:$0x770];
	v56 =	vsel vm1, v53, v48;
	vm8 =	vgt.s32 v0, v33;
	vm9 =	vgt.s32 v3, v47  }
0x11c: {  	v55 =	vld [tilespmem:$0x8E0];
	vm1 =	vgt.s32 v56, v51;
	v0 =	vsel vm8, v0, v33;
	v2 =	vsel vm9, v3, v47  }
0x11d: {  	v60 =	vld [tilespmem:$0x7F0];
	v59 =	vsel vm1, v56, v51;
	vm10 =	vgt.s32 v0, v30;
	vm11 =	vgt.s32 v2, v49  }
0x11e: {  	v58 =	vld [tilespmem:$0x960];
	vm1 =	vgt.s32 v59, v54;
	v0 =	vsel vm10, v0, v30;
	v1 =	vsel vm11, v2, v49  }
0x11f: {  	v62 =	vld [tilespmem:$0x870];
	v2 =	vsel vm1, v59, v54;
	vm12 =	vgt.s32 v0, v28;
	vm13 =	vgt.s32 v1, v52  }
0x120: {  	v61 =	vld [tilespmem:$0x9E0];
	vm1 =	vgt.s32 v2, v57;
	v0 =	vsel vm12, v0, v28;
	v1 =	vsel vm13, v1, v52  }
0x121: {  	v36 =	vld [tilespmem:$0xC60];
	v2 =	vsel vm1, v2, v57;
	vm14 =	vgt.s32 v0, v27;
	vm15 =	vgt.s32 v1, v55  }
0x122: {  	v28 =	vld [tilespmem:$0xA60];
	vm1 =	vgt.s32 v2, v60;
	v0 =	vsel vm14, v0, v27;
	v1 =	vsel vm15, v1, v55  }
0x123: {  	v31 =	vld [tilespmem:$0x970];
	v2 =	vsel vm1, v2, v60;
	vm4 =	vgt.s32 v0, v26;
	vm5 =	vgt.s32 v1, v58  }
0x124: {  	v30 =	vld [tilespmem:$0xAE0];
	vm1 =	vgt.s32 v2, v62;
	v0 =	vsel vm4, v0, v26;
	v1 =	vsel vm5, v1, v58  }
0x125: {  	v33 =	vld [tilespmem:$0x9F0];
	v2 =	vsel vm1, v2, v62;
	vm6 =	vgt.s32 v0, v25;
	vm7 =	vgt.s32 v1, v61  }
0x126: {  	v38 =	vld [tilespmem:$0xCE0];
	vm1 =	vgt.s32 v2, v29;
	v0 =	vsel vm6, v0, v25;
	v1 =	vsel vm7, v1, v61  }
0x127: {  	v35 =	vld [tilespmem:$0xA70];
	v2 =	vsel vm1, v2, v29;
	vm8 =	vgt.s32 v0, v24;
	vm9 =	vgt.s32 v1, v28  }
0x128: {  	v37 =	vld [tilespmem:$0xAF0];
	vm1 =	vgt.s32 v2, v31;
	v0 =	vsel vm8, v0, v24;
	v1 =	vsel vm9, v1, v28  }
0x129: {  	v40 =	vld [tilespmem:$0xD60];
	v2 =	vsel vm1, v2, v31;
	vm10 =	vgt.s32 v0, v23;
	vm11 =	vgt.s32 v1, v30  }
0x12a: {  	v39 =	vld [tilespmem:$0xB70];
	vm1 =	vgt.s32 v2, v33;
	v0 =	vsel vm10, v0, v23;
	v1 =	vsel vm11, v1, v30  }
0x12b: {  	v42 =	vld [tilespmem:$0xDE0];
	v2 =	vsel vm1, v2, v33;
	vm12 =	vgt.s32 v0, v22;
	vm13 =	vgt.s32 v1, v32  }
0x12c: {  	v41 =	vld [tilespmem:$0xBF0];
	vm1 =	vgt.s32 v2, v35;
	v0 =	vsel vm12, v0, v22;
	v1 =	vsel vm13, v1, v32  }
0x12d: {  	v44 =	vld [tilespmem:$0xE60];
	v2 =	vsel vm1, v2, v35;
	vm14 =	vgt.s32 v0, v21;
	vm15 =	vgt.s32 v1, v34  }
0x12e: {  	v43 =	vld [tilespmem:$0xC70];
	vm1 =	vgt.s32 v2, v37;
	v0 =	vsel vm14, v0, v21;
	v1 =	vsel vm15, v1, v34  }
0x12f: {  	v45 =	vld [tilespmem:$0xCF0];
	v2 =	vsel vm1, v2, v37;
	vm4 =	vgt.s32 v0, v20;
	vm5 =	vgt.s32 v1, v36  }
0x130: {  	v54 =	vld [tilespmem:$0x1FF70];
	vm1 =	vgt.s32 v2, v39;
	v0 =	vsel vm4, v0, v20;
	v1 =	vsel vm5, v1, v36  }
0x131: {  	v56 =	vld [tilespmem:$0x1FF80];
	v2 =	vsel vm1, v2, v39;
	vm6 =	vgt.s32 v0, v19;
	vm7 =	vgt.s32 v1, v38  }
0x132: {  	v57 =	vld [tilespmem:$0x1FF90];
	vm1 =	vgt.s32 v2, v41;
	v0 =	vsel vm6, v0, v19;
	v1 =	vsel vm7, v1, v38  }
0x133: {  	v47 =	vld [tilespmem:$0xD70];
	v2 =	vsel vm1, v2, v41;
	vm8 =	vgt.s32 v0, v18;
	vm9 =	vgt.s32 v1, v40  }
0x134: {  	v49 =	vld [tilespmem:$0xDF0];
	vm1 =	vgt.s32 v2, v43;
	v0 =	vsel vm8, v0, v18;
	v1 =	vsel vm9, v1, v40  }
0x135: {  	v58 =	vld [tilespmem:$0x1FFA0];
	v2 =	vsel vm1, v2, v43;
	vm8 =	vlt.s32 v54, $0x0;
	vm9 =	vlt.s32 v63, $0x0  }
0x136: {  	v59 =	vld [tilespmem:$0x1FFB0];
	vm10 =	vgt.s32 v0, v16;
	vm11 =	vgt.s32 v1, v42;
	vm1 =	vgt.s32 v2, v45  }
0x137: {  	v46 =	vld [tilespmem:$0xEE0];
	v6 =	vsel vm8, v56, v54;
	v4 =	vsel vm9, v57, v63;
	v0 =	vsel vm10, v0, v16  }
0x138: {  	v51 =	vld [tilespmem:$0xE70];
	v1 =	vsel vm11, v1, v42;
	v2 =	vsel vm1, v2, v45;
	vm10 =	vlt.s32 v11, $0x0  }
0x139: {  	v60 =	vld [tilespmem:$0x1FFC0];
	vm11 =	vlt.s32 v10, $0x0;
	vm12 =	vgt.s32 v0, v15;
	vm1 =	vgt.s32 v2, v47  }
0x13a: {  	v52 =	vld [tilespmem:$0xEF0];
	[tilespmem:$0x1010] =	vst v4;
	vm13 =	vgt.s32 v1, v44;
	v4 =	vsel vm10, v58, v11;
	v2 =	vsel vm1, v2, v47  }
0x13b: {  	v48 =	vld [tilespmem:$0xF60];
	v3 =	vsel vm11, v59, v10;
	v0 =	vsel vm12, v0, v15;
	vm1 =	vgt.s32 v2, v49  }
0x13c: {  	v53 =	vld [tilespmem:$0xF70];
	v1 =	vsel vm13, v1, v44;
	vm12 =	vlt.s32 v17, $0x0;
	v2 =	vsel vm1, v2, v49  }
0x13d: {  	v50 =	vld [tilespmem:$0xFE0];
	vm14 =	vgt.s32 v0, v14;
	vm15 =	vgt.s32 v1, v46;
	vm1 =	vgt.s32 v2, v51  }
0x13e: {  	v55 =	vld [tilespmem:$0xFF0];
	[tilespmem:$0x1030] =	vst v3;
	v3 =	vsel vm12, v60, v17;
	v0 =	vsel vm14, v0, v14;
	v2 =	vsel vm1, v2, v51  }
0x13f: {  	v61 =	vld [tilespmem:$0x1FFD0];
	v1 =	vsel vm15, v1, v46;
	vm4 =	vgt.s32 v0, v13;
	vm1 =	vgt.s32 v2, v52  }
0x140: {  	v62 =	vld [tilespmem:$0x1FFE0];
	vm5 =	vgt.s32 v1, v48;
	v0 =	vsel vm4, v0, v13;
	v2 =	vsel vm1, v2, v52  }
0x141: {  	v63 =	vld [tilespmem:$0x1FFF0];
	v1 =	vsel vm5, v1, v48;
	vm6 =	vgt.s32 v0, v12;
	vm1 =	vgt.s32 v2, v53  }
0x142: {  	[tilespmem:$0x1000] =	vst v6;
	vm7 =	vgt.s32 v1, v50;
	v0 =	vsel vm6, v0, v12;
	v2 =	vsel vm1, v2, v53  }
0x143: {  	[tilespmem:$0x1020] =	vst v4;
	v1 =	vsel vm7, v1, v50;
	vm13 =	vlt.s32 v0, $0x0;
	vm1 =	vgt.s32 v2, v55  }
0x144: {  	[tilespmem:$0x1040] =	vst v3;
	vm14 =	vlt.s32 v1, $0x0;
	v0 =	vsel vm13, v61, v0;
	v2 =	vsel vm1, v2, v55  }
0x145: {  	[tilespmem:$0x1050] =	vst v0;
	v0 =	vsel vm14, v62, v1;
	vm15 =	vlt.s32 v2, $0x0  }
0x146: {  	[tilespmem:$0x1060] =	vst v0;
	v0 =	vsel vm15, v63, v2  }
0x147: {  	[tilespmem:$0x1070] =	vst v0  }
0x148: {  	[tilespmem:s13], [sflag:$0x1] =	stream.indirect.gather [hbm4b:s3+s11], $0x80, s12, s11, $0xb8;
	[tilespmem:$0x5080] =	vst v63  }
0x149: {  	_ =	swait.ge [sflag:s14], $0x4000  }
0x14a: {  	[sflag:s14] =	ssyncset.done $0x0  }
0x14b: {  	s15 =	simm.s32 @p0 $0x0;
	s16 =	simm.s32 @p0 $0x1080;
	[sflag:s14] =	ssyncadd.s32 $0xFFFFC000  }
0x14c: {  	[hbm4b:s6+s15] =	stream.linear.scatter @p0 [tilespmem:s16], [sflag:$0x2], $0x3400, $0x38;
	[tilespmem:$0x5080] =	vst v63  }
0x14d: {  	s15 =	simm.s32 @p0 $0x2  }
0x14e: {  	s7 =	sadd.s32 $0xFFFFFFFF, s7;
	_ =	swait.ge @p0 [sflag:s15], $0x3400  }
0x14f: {  	p1 =	sne.s32 s7, $0x0;
	[sflag:s15] =	ssyncset.done @p0 $0x0  }
0x150: {  	s16 =	simm.s32 @!p0 $0x1080;
	[sflag:s15] =	ssyncadd.s32 @p0 $0xFFFFCC00;
	s15 =	simm.s32 @!p0 $0x0  }
0x151: {  	[hbm4b:s5+s15] =	stream.linear.scatter @!p0 [tilespmem:s16], [sflag:$0x2], $0x4000, $0x38;
	[tilespmem:$0x5080] =	vst v63  }
.Ltmp1:
0x152: {  	_ = 	snop;
	(pc) =	sbr.rel @p1 .LBB2_2-.Ltmp1, $4  }
0x153: {  	s15 =	simm.s32 @!p0 $0x2  }
0x154: {  	_ =	swait.ge @!p0 [sflag:s15], $0x4000  }
0x155: {  	[sflag:s15] =	ssyncset.done @!p0 $0x0  }
0x156: {  	[sflag:s15] =	ssyncadd.s32 @!p0 $0xFFFFC000  }
.LBB2_3:
0x157: {  	_ =	sfence.sel $0x180000  }
0x158: {  	[bflag:$0x0] =	sbarrier.arrive $0xFFFF  }
0x159: {  	p0 =	sne.s32 s1, $0x0;
	_ =	strace $0x9000004A  }
0x15a: {  	s0 =	sadd.s32 @!p0 $0x100000, s0;
	[bflag:$0x2] =	sbarrier.arrive $0xFFFF  }
0x15b: {  	[sflag:s0] =	ssyncadd.tile.s32 @!p0 $0x1;
	_ =	shalt  }
.Lfunc_end2:
_tile_overlayer_lowered:
.L_overlay_start_2:
0x15c: {  	(tag) =	ssettag $0x2  }
0x15d: {  	s0 =	rddreg [dreg:$0x0];
	s2 =	stileid.u32  }
0x15e: {  	s1 =	rddreg [dreg:$0x1];
	p0 =	sne.s32 s2, $0x0  }
0x15f: {  	s3 =	rddreg [dreg:$0x2];
	[bflag:$0x3] =	sbarrier.arrive $0xFFFF;
	s2 =	simm.s32 @!p0 $0x1C02  }
0x160: {  	[timem:s3], [sflag:s2] =	dma.local @!p0 [hbm:s0], s1  }
0x161: {  	s0 =	simm.s32 @!p0 $0x2  }
0x162: {  	_ =	swait.ge @!p0 [sflag:s0], s1  }
0x163: {  	s1 =	ssub.s32 @!p0 $0x0, s1;
	[sflag:s0] =	ssyncset.done @!p0 $0x0  }
0x164: {  	[sflag:s0] =	ssyncadd.s32 @!p0 s1  }
0x165: {  	[bflag:$0x3] =	sbarrier.arrive $0xFFFF  }
0x166: {  	_ =	shalt  }

</sc_bundles>
